<compile_context>
chip_gen: v7x
topology: tpu7x:2x2x1
jax: 0.10.2.dev20260603
libtpu: 0.0.44.dev20260713+nightly
codegen_flags: <defaults>
</compile_context>

<pallas_src>
import functools

import jax
import jax.numpy as jnp
from jax import lax
from jax.experimental import pallas as pl
from jax.experimental.pallas import tpu as pltpu
from jax.experimental.pallas import tpu_sc as plsc

N = 20000
NPAD = 20480
THR = 0.5

RB = 512
CB = 4096
WPC = CB // 32
NW = NPAD // 32
NRB = NPAD // RB
NCB = NPAD // CB

GB = 64


def _pairs_body(x1r, y1r, x2r, y2r, ar, x1c, y1c, x2c, y2c, ac, m_ref, nz_ref):
    r = pl.program_id(0)
    c = pl.program_id(1)
    full_upper = c * CB > r * RB + (RB - 1)
    full_lower = c * CB + (CB - 1) <= r * RB

    def emit(masked):
        xx1 = jnp.maximum(x1r[...], x1c[...])
        yy1 = jnp.maximum(y1r[...], y1c[...])
        xx2 = jnp.minimum(x2r[...], x2c[...])
        yy2 = jnp.minimum(y2r[...], y2c[...])
        w = jnp.maximum(xx2 - xx1 + 1.0, 0.0)
        h = jnp.maximum(yy2 - yy1 + 1.0, 0.0)
        inter = w * h
        o = inter / (ar[...] + ac[...] - inter)
        sup = o > THR
        if masked:
            ivec = lax.broadcasted_iota(jnp.int32, (RB, CB), 0) + r * RB
            jvec = lax.broadcasted_iota(jnp.int32, (RB, CB), 1) + c * CB
            sup = sup & (jvec > ivec)
        acc = jnp.zeros((RB, WPC), jnp.uint32)
        for b in range(32):
            acc = acc | jnp.where(
                sup[:, b * WPC:(b + 1) * WPC],
                jnp.uint32(1 << b), jnp.uint32(0))
        m_ref[...] = acc
        nz_ref[...] = jnp.any(acc != 0, axis=1, keepdims=True).astype(
            jnp.int32).reshape(1, RB, 1)

    @pl.when(full_upper)
    def _upper():
        emit(masked=False)

    @pl.when(jnp.logical_not(full_upper | full_lower))
    def _diag():
        emit(masked=True)

    @pl.when(full_lower)
    def _zero():
        m_ref[...] = jnp.zeros((RB, WPC), jnp.uint32)
        nz_ref[...] = jnp.zeros((1, RB, 1), jnp.int32)


def _run_pairs(x1, y1, x2, y2, area, interpret=False):
    row = lambda a: a.reshape(NPAD, 1)
    col = lambda a: a.reshape(1, NPAD)
    rspec = pl.BlockSpec((RB, 1), lambda r, c: (r, 0))
    cspec = pl.BlockSpec((1, CB), lambda r, c: (0, c))
    return pl.pallas_call(
        _pairs_body,
        grid=(NRB, NCB),
        in_specs=[rspec] * 5 + [cspec] * 5,
        out_specs=[
            pl.BlockSpec((RB, WPC), lambda r, c: (r, c)),
            pl.BlockSpec((1, RB, 1), lambda r, c: (c, r, 0)),
        ],
        out_shape=[
            jax.ShapeDtypeStruct((NPAD, NW), jnp.uint32),
            jax.ShapeDtypeStruct((NCB, NPAD, 1), jnp.int32),
        ],
        interpret=interpret,
    )(row(x1), row(y1), row(x2), row(y2), row(area),
      col(x1), col(y1), col(x2), col(y2), col(area))


def _scan_body(m_hbm, rnz_hbm, out_hbm, idxbuf, rnzbuf, idxbatch, rowbuf,
               removed, sem):
    cid = lax.axis_index("c")
    sid = lax.axis_index("s")

    @pl.when(jnp.logical_and(cid == 0, sid == 0))
    def _():
        pltpu.sync_copy(rnz_hbm, rnzbuf)

        zero16 = jnp.zeros((16,), jnp.uint32)

        def zb(w, carry):
            removed[pl.ds(w * 16, 16)] = zero16
            return carry

        lax.fori_loop(0, (NW + 16) // 16, zb, 0)

        def cb(v, cnt):
            vec = rnzbuf[pl.ds(v * 16, 16)]
            mask = vec != 0
            ids = lax.iota(jnp.int32, 16) + v * 16
            mi = mask.astype(jnp.int32)
            pos = cnt + plsc.cumsum(mi) - 1
            plsc.store_scatter(idxbuf, [pos], ids, mask=mask)
            return cnt + jnp.sum(mi)

        cnt = lax.fori_loop(0, NPAD // 16, cb, jnp.int32(0))

        idxbuf[pl.ds(cnt, 16)] = jnp.zeros((16,), jnp.int32)
        idxbuf[pl.ds(cnt + 16, 16)] = jnp.zeros((16,), jnp.int32)

        nb = (cnt + GB - 1) // GB

        def stage(t, buf):
            for h in range(GB // 16):
                idxbatch[buf, pl.ds(h * 16, 16)] = (
                    idxbuf[pl.ds(t * GB + h * 16, 16)])
            pltpu.async_copy(
                m_hbm.at[idxbatch.at[buf]], rowbuf.at[buf], sem.at[buf])

        @pl.when(nb > 0)
        def _prime():
            stage(0, 0)

        def batch(t, carry):
            buf = lax.rem(t, 2)

            @pl.when(t + 1 < nb)
            def _ahead():
                stage(t + 1, 1 - buf)

            pltpu.make_async_copy(
                m_hbm.at[idxbatch.at[buf]], rowbuf.at[buf], sem.at[buf]).wait()
            kmax = jnp.minimum(GB, cnt - t * GB)

            def sb(k, c2):
                i = idxbuf[pl.ds(t * GB + k, 16)][0]
                word = (i >> 12) * WPC + (i & (WPC - 1))
                bit = ((i & (CB - 1)) >> 7).astype(jnp.uint32)
                wv = removed[pl.ds(word, 16)][0]
                alive = ((wv >> bit) & jnp.uint32(1)) == 0

                @pl.when(alive)
                def _or():
                    ws4 = (i >> 12) * (WPC // 64)

                    def ob(w4, c3):
                        for u in range(4):
                            sl = pl.ds(w4 * 64 + u * 16, 16)
                            removed[sl] = removed[sl] | rowbuf[buf, k, sl]
                        return c3

                    lax.fori_loop(ws4, NW // 64, ob, 0)

                return c2

            lax.fori_loop(0, kmax, sb, 0)
            return carry

        lax.fori_loop(0, nb, batch, 0)
        pltpu.sync_copy(removed.at[pl.ds(0, NW)], out_hbm)


def _run_scan(m, rownz):
    mesh = plsc.VectorSubcoreMesh(core_axis_name="c", subcore_axis_name="s")
    fn = pl.kernel(
        _scan_body,
        out_type=jax.ShapeDtypeStruct((NW,), jnp.uint32),
        mesh=mesh,
        compiler_params=pltpu.CompilerParams(needs_layout_passes=False),
        scratch_types=[
            pltpu.VMEM((NPAD + 32,), jnp.int32),
            pltpu.VMEM((NPAD,), jnp.int32),
            pltpu.VMEM((2, GB), jnp.int32),
            pltpu.VMEM((2, GB, NW), jnp.uint32),
            pltpu.VMEM((NW + 16,), jnp.uint32),
            pltpu.SemaphoreType.DMA((2,)),
        ],
    )
    return fn(m, rownz)


def kernel(boxes, scores, idxs):
    max_coordinate = jnp.max(boxes)
    offsets = idxs.astype(boxes.dtype) * (max_coordinate + 1.0)
    boxes_for_nms = boxes + offsets[:, None]
    order = jnp.argsort(-scores)
    bs = boxes_for_nms[order]
    padbox = jnp.array([0.0, 0.0, -10.0, -10.0], jnp.float32)
    bp = jnp.concatenate(
        [bs, jnp.broadcast_to(padbox, (NPAD - N, 4))], axis=0)
    x1, y1, x2, y2 = bp[:, 0], bp[:, 1], bp[:, 2], bp[:, 3]
    area = (x2 - x1 + 1.0) * (y2 - y1 + 1.0)

    m, nz = _run_pairs(x1, y1, x2, y2, area)
    rownz = jnp.any(nz[:, :, 0] != 0, axis=0).astype(jnp.int32)
    removed = _run_scan(m, rownz)

    i = jnp.arange(N, dtype=jnp.int32)
    word = (i >> 12) * WPC + (i & (WPC - 1))
    bit = ((i & (CB - 1)) >> 7).astype(jnp.uint32)
    keep_sorted = ((removed[word] >> bit) & jnp.uint32(1)) == 0
    kept_boxes = jnp.where(keep_sorted[:, None], boxes[order], 0.0)
    kept_scores = jnp.where(keep_sorted, scores[order], 0.0)
    return kept_boxes, kept_scores, keep_sorted

# --- scband reference (transcript-rebuilt; emitter-appended) ---
"""Pipeline reference for scband-mtcnn-26319559590160 (READ-ONLY COPY).

The authoritative reference and input builder live on the scoring server;
editing this copy changes nothing except your own understanding.
"""

import jax, jax.numpy as jnp
import numpy as np

N = 20000
NMS_THRESHOLD = 0.5
NUM_IMAGES = 16


def setup_inputs(seed: int = 0) -> dict:
    key = jax.random.key(seed)
    k1, k2, k3, k4 = jax.random.split(key, 4)
    # well-formed boxes: [x1, y1, x2, y2] with x2 > x1, y2 > y1
    cxy = jax.random.uniform(k1, (N, 2), dtype=jnp.float32) * 1024.0
    wh = jax.random.uniform(k2, (N, 2), dtype=jnp.float32) * 96.0 + 4.0
    boxes = jnp.concatenate([cxy - wh / 2.0, cxy + wh / 2.0], axis=1).astype(jnp.float32)
    scores = jax.random.uniform(k3, (N,), dtype=jnp.float32)
    idxs = jax.random.randint(k4, (N,), 0, NUM_IMAGES).astype(jnp.int64)
    return {"boxes": boxes, "scores": scores, "idxs": idxs}


def _greedy_nms_mask(x1, y1, x2, y2, n):
    # faithful translation of nms_numpy with method='Union' (IoU, +1 pixel convention)
    area = (x2 - x1 + 1.0) * (y2 - y1 + 1.0)
    pos = jnp.arange(n)

    def body(i, suppressed):
        xx1 = jnp.maximum(x1[i], x1)
        yy1 = jnp.maximum(y1[i], y1)
        xx2 = jnp.minimum(x2[i], x2)
        yy2 = jnp.minimum(y2[i], y2)
        w = jnp.maximum(0.0, xx2 - xx1 + 1.0)
        h = jnp.maximum(0.0, yy2 - yy1 + 1.0)
        inter = w * h
        o = inter / (area[i] + area - inter)
        # box i suppresses lower-scored boxes with o > threshold, unless i itself suppressed
        sup_new = (o > NMS_THRESHOLD) & (pos > i) & jnp.logical_not(suppressed[i])
        return suppressed | sup_new

    suppressed = jax.lax.fori_loop(0, n, body, jnp.zeros((n,), dtype=bool))
    return jnp.logical_not(suppressed)


def reference(boxes, scores, idxs):
    # batched_nms via per-image coordinate offsets (as in batched_nms_numpy)
    max_coordinate = jnp.max(boxes)
    offsets = idxs.astype(boxes.dtype) * (max_coordinate + 1.0)
    boxes_for_nms = boxes + offsets[:, None]
    # process in descending-score order (nms_numpy pops argmax each step)
    order = jnp.argsort(-scores)
    bs = boxes_for_nms[order]
    keep_sorted = _greedy_nms_mask(bs[:, 0], bs[:, 1], bs[:, 2], bs[:, 3], boxes.shape[0])
    kept_boxes = jnp.where(keep_sorted[:, None], boxes[order], 0.0)
    kept_scores = jnp.where(keep_sorted, scores[order], 0.0)
    return kept_boxes, kept_scores, keep_sorted

if __name__ == "__main__":
    import jax
    _d = setup_inputs()
    print(jax.jit(kernel)(*tuple(_d.values())))

</pallas_src>

<mosaic_0001>
#map = affine_map<(d0, d1) -> (0, 0)>
#map1 = affine_map<(d0, d1) -> (0)>
module attributes {stable_mosaic.version = 14 : i64} {
  func.func @_scan_body(%arg0: i32, %arg1: i32, %arg2: memref<20480x640xi32, #tpu.memory_space<hbm>>, %arg3: memref<20480xi32, #tpu.memory_space<hbm>>, %arg4: memref<640xi32, #tpu.memory_space<hbm>>, %arg5: memref<20512xi32, #tpu.memory_space<vmem>>, %arg6: memref<20480xi32, #tpu.memory_space<vmem>>, %arg7: memref<2x64xi32, #tpu.memory_space<vmem>>, %arg8: memref<2x64x640xi32, #tpu.memory_space<vmem>>, %arg9: memref<656xi32, #tpu.memory_space<vmem>>, %arg10: memref<2x!tpu.dma_semaphore, #tpu.memory_space<semaphore_mem>>) attributes {dimension_semantics = [#tpu.dimension_semantics<core_parallel>, #tpu.dimension_semantics<subcore_parallel>], iteration_bounds = array<i64: 2, 16>, scalar_prefetch = 0 : i64, scratch_operands = 6 : i64, tpu.core_type = #tpu.core_type<sc_vector_subcore>, window_params = [{transform_indices = #map}, {transform_indices = #map1}, {transform_indices = #map1}]} {
    %eq3A = arith.constant 0 : i32
    %eq3A_0 = arith.cmpi eq, %arg0, %eq3A : i32
    %eq3A_1 = arith.constant 0 : i32
    %eq3A_2 = arith.cmpi eq, %arg1, %eq3A_1 : i32
    %and3A = arith.andi %eq3A_0, %eq3A_2 : i1
    %convert_element_type3A = arith.extui %and3A : i1 to i32
    %cond3A = arith.constant 0 : i32
    %cond3A_3 = arith.cmpi ne, %convert_element_type3A, %cond3A : i32
    scf.if %cond3A_3 {
      "tpu.region"() ({
        %run_scoped3A = tpu.sem_alloc : memref<!tpu.dma_semaphore, #tpu.memory_space<semaphore_mem>>
        tpu.enqueue_dma source(%arg3 : memref<20480xi32, #tpu.memory_space<hbm>>) target(%arg6 : memref<20480xi32, #tpu.memory_space<vmem>>) target_semaphore(%run_scoped3A : memref<!tpu.dma_semaphore, #tpu.memory_space<semaphore_mem>>)
        tpu.wait_dma2 semaphore(%run_scoped3A : memref<!tpu.dma_semaphore, #tpu.memory_space<semaphore_mem>>) src(%arg3 : memref<20480xi32, #tpu.memory_space<hbm>>) dst(%arg6 : memref<20480xi32, #tpu.memory_space<vmem>>)
        tpu.yield
      }) : () -> ()
      %broadcast_in_dim3A = arith.constant 0 : i32
      %broadcast_in_dim3A_4 = vector.broadcast %broadcast_in_dim3A : i32 to vector<16xi32>
      %scan3A = arith.constant 0 : i32
      %scan3A_5 = arith.constant 0 : i32
      %scan3A_6 = arith.constant 41 : i32
      %scan3A_7 = arith.addi %scan3A_5, %scan3A_6 : i32
      %scan3A_8 = arith.constant 1 : i32
      scf.for %scan3A_59 = %scan3A_5 to %scan3A_7 step %scan3A_8  : i32 {
        %mul3A = arith.constant 16 : i32
        %mul3A_60 = arith.muli %scan3A_59, %mul3A : i32
        %swap3A_61 = arith.index_cast %mul3A_60 : i32 to index
        %swap3A_62 = tpu.vector_load %arg9[%swap3A_61] {strides = array<i32>} : memref<656xi32, #tpu.memory_space<vmem>>, vector<16xi32>,
        tpu.vector_store %arg9[%swap3A_61], %broadcast_in_dim3A_4 {strides = array<i32>} : memref<656xi32, #tpu.memory_space<vmem>>, vector<16xi32>,
      }
      %scan3A_9 = arith.constant 41 : i32
      %scan3A_10 = arith.constant 0 : i32
      %scan3A_11 = arith.constant 0 : i32
      %scan3A_12 = arith.constant 1280 : i32
      %scan3A_13 = arith.addi %scan3A_11, %scan3A_12 : i32
      %scan3A_14 = arith.constant 1 : i32
      %scan3A_15 = scf.for %scan3A_59 = %scan3A_11 to %scan3A_13 step %scan3A_14 iter_args(%scan3A_60 = %scan3A_10) -> (i32)  : i32 {
        %mul3A = arith.constant 16 : i32
        %mul3A_61 = arith.muli %scan3A_59, %mul3A : i32
        %get3A = arith.index_cast %mul3A_61 : i32 to index
        %get3A_62 = tpu.vector_load %arg6[%get3A] {strides = array<i32>} : memref<20480xi32, #tpu.memory_space<vmem>>, vector<16xi32>,
        %ne3A_63 = arith.constant 0 : i32
        %ne3A_64 = vector.broadcast %ne3A_63 : i32 to vector<16xi32>
        %ne3A_65 = arith.cmpi ne, %get3A_62, %ne3A_64 : vector<16xi32>
        %iota3A = tpu.iota {dimensions = array<i32: 0>} : vector<16xi32>
        %mul3A_66 = arith.constant 16 : i32
        %mul3A_67 = arith.muli %scan3A_59, %mul3A_66 : i32
        %add3A_68 = vector.broadcast %mul3A_67 : i32 to vector<16xi32>
        %add3A_69 = arith.addi %iota3A, %add3A_68 : vector<16xi32>
        %convert_element_type3A_70 = arith.extui %ne3A_65 : vector<16xi1> to vector<16xi32>
        %broadcast_in_dim3A_71 = arith.constant true
        %broadcast_in_dim3A_72 = vector.broadcast %broadcast_in_dim3A_71 : i1 to vector<16xi1>
        %masked_cumsum3A = tpu.scan <sum>, %convert_element_type3A_70 masked %broadcast_in_dim3A_72 : vector<16xi32>, vector<16xi1> -> vector<16xi32>
        %add3A_73 = vector.broadcast %scan3A_60 : i32 to vector<16xi32>
        %add3A_74 = arith.addi %add3A_73, %masked_cumsum3A : vector<16xi32>
        %sub3A_75 = arith.constant 1 : i32
        %sub3A_76 = vector.broadcast %sub3A_75 : i32 to vector<16xi32>
        %sub3A_77 = arith.subi %add3A_74, %sub3A_76 : vector<16xi32>
        tpu.vector_store_idx %arg5[%sub3A_77], %add3A_69 masked %ne3A_65 : memref<20512xi32, #tpu.memory_space<vmem>>[vector<16xi32>], vector<16xi32>, vector<16xi1>
        %reduce_sum3A = arith.constant true
        %reduce_sum3A_78 = vector.broadcast %reduce_sum3A : i1 to vector<16xi1>
        %reduce_sum3A_79 = tpu.scan <sum>, %convert_element_type3A_70 masked %reduce_sum3A_78 : vector<16xi32>, vector<16xi1> -> vector<16xi32>
        %reduce_sum3A_80 = vector.extract %reduce_sum3A_79[15] : i32 from vector<16xi32>
        %add3A_81 = arith.addi %scan3A_60, %reduce_sum3A_80 : i32
        scf.yield %add3A_81 : i32
      }
      %scan3A_16 = arith.constant 1280 : i32
      %broadcast_in_dim3A_17 = arith.constant 0 : i32
      %broadcast_in_dim3A_18 = vector.broadcast %broadcast_in_dim3A_17 : i32 to vector<16xi32>
      %swap3A = arith.index_cast %scan3A_15 : i32 to index
      %swap3A_19 = tpu.vector_load %arg5[%swap3A] {strides = array<i32>} : memref<20512xi32, #tpu.memory_space<vmem>>, vector<16xi32>,
      tpu.vector_store %arg5[%swap3A], %broadcast_in_dim3A_18 {strides = array<i32>} : memref<20512xi32, #tpu.memory_space<vmem>>, vector<16xi32>,
      %broadcast_in_dim3A_20 = arith.constant 0 : i32
      %broadcast_in_dim3A_21 = vector.broadcast %broadcast_in_dim3A_20 : i32 to vector<16xi32>
      %add3A = arith.constant 16 : i32
      %add3A_22 = arith.addi %scan3A_15, %add3A : i32
      %swap3A_23 = arith.index_cast %add3A_22 : i32 to index
      %swap3A_24 = tpu.vector_load %arg5[%swap3A_23] {strides = array<i32>} : memref<20512xi32, #tpu.memory_space<vmem>>, vector<16xi32>,
      tpu.vector_store %arg5[%swap3A_23], %broadcast_in_dim3A_21 {strides = array<i32>} : memref<20512xi32, #tpu.memory_space<vmem>>, vector<16xi32>,
      %add3A_25 = arith.constant 64 : i32
      %add3A_26 = arith.addi %scan3A_15, %add3A_25 : i32
      %sub3A = arith.constant 1 : i32
      %sub3A_27 = arith.subi %add3A_26, %sub3A : i32
      %jit3A = arith.constant 64 : i32
      %div3A = arith.divsi %sub3A_27, %jit3A : i32
      %sign3A = arith.constant 0 : i32
      %sign3A_28 = arith.cmpi sgt, %sub3A_27, %sign3A : i32
      %sign3A_29 = arith.extui %sign3A_28 : i1 to i32
      %sign3A_30 = arith.constant 0 : i32
      %sign3A_31 = arith.cmpi slt, %sub3A_27, %sign3A_30 : i32
      %sign3A_32 = arith.extui %sign3A_31 : i1 to i32
      %sign3A_33 = arith.subi %sign3A_29, %sign3A_32 : i32
      %sign3A_34 = arith.constant 0 : i32
      %sign3A_35 = arith.cmpi sgt, %jit3A, %sign3A_34 : i32
      %sign3A_36 = arith.extui %sign3A_35 : i1 to i32
      %sign3A_37 = arith.constant 0 : i32
      %sign3A_38 = arith.cmpi slt, %jit3A, %sign3A_37 : i32
      %sign3A_39 = arith.extui %sign3A_38 : i1 to i32
      %sign3A_40 = arith.subi %sign3A_36, %sign3A_39 : i32
      %ne3A = arith.cmpi ne, %sign3A_33, %sign3A_40 : i32
      %rem3A = arith.remsi %sub3A_27, %jit3A : i32
      %ne3A_41 = arith.constant 0 : i32
      %ne3A_42 = arith.cmpi ne, %rem3A, %ne3A_41 : i32
      %and3A_43 = arith.andi %ne3A, %ne3A_42 : i1
      %sub3A_44 = arith.constant 1 : i32
      %sub3A_45 = arith.subi %div3A, %sub3A_44 : i32
      %select_n3A = arith.select %and3A_43, %sub3A_45, %div3A : i32
      %gt3A = arith.constant 0 : i32
      %gt3A_46 = arith.cmpi sgt, %select_n3A, %gt3A : i32
      %convert_element_type3A_47 = arith.extui %gt3A_46 : i1 to i32
      %cond3A_48 = arith.constant 0 : i32
      %cond3A_49 = arith.cmpi ne, %convert_element_type3A_47, %cond3A_48 : i32
      scf.if %cond3A_49 {
        %get3A = arith.constant 0 : index
        %get3A_59 = tpu.vector_load %arg5[%get3A] {strides = array<i32>} : memref<20512xi32, #tpu.memory_space<vmem>>, vector<16xi32>,
        %swap3A_60 = arith.constant 0 : i32
        %swap3A_61 = arith.index_cast %swap3A_60 : i32 to index
        %swap3A_62 = arith.constant 0 : index
        %swap3A_63 = tpu.vector_load %arg7[%swap3A_61, %swap3A_62] {strides = array<i32>} : memref<2x64xi32, #tpu.memory_space<vmem>>, vector<16xi32>,
        tpu.vector_store %arg7[%swap3A_61, %swap3A_62], %get3A_59 {strides = array<i32>} : memref<2x64xi32, #tpu.memory_space<vmem>>, vector<16xi32>,
        %get3A_64 = arith.constant 16 : index
        %get3A_65 = tpu.vector_load %arg5[%get3A_64] {strides = array<i32>} : memref<20512xi32, #tpu.memory_space<vmem>>, vector<16xi32>,
        %swap3A_66 = arith.constant 0 : i32
        %swap3A_67 = arith.index_cast %swap3A_66 : i32 to index
        %swap3A_68 = arith.constant 16 : index
        %swap3A_69 = tpu.vector_load %arg7[%swap3A_67, %swap3A_68] {strides = array<i32>} : memref<2x64xi32, #tpu.memory_space<vmem>>, vector<16xi32>,
        tpu.vector_store %arg7[%swap3A_67, %swap3A_68], %get3A_65 {strides = array<i32>} : memref<2x64xi32, #tpu.memory_space<vmem>>, vector<16xi32>,
        %get3A_70 = arith.constant 32 : index
        %get3A_71 = tpu.vector_load %arg5[%get3A_70] {strides = array<i32>} : memref<20512xi32, #tpu.memory_space<vmem>>, vector<16xi32>,
        %swap3A_72 = arith.constant 0 : i32
        %swap3A_73 = arith.index_cast %swap3A_72 : i32 to index
        %swap3A_74 = arith.constant 32 : index
        %swap3A_75 = tpu.vector_load %arg7[%swap3A_73, %swap3A_74] {strides = array<i32>} : memref<2x64xi32, #tpu.memory_space<vmem>>, vector<16xi32>,
        tpu.vector_store %arg7[%swap3A_73, %swap3A_74], %get3A_71 {strides = array<i32>} : memref<2x64xi32, #tpu.memory_space<vmem>>, vector<16xi32>,
        %get3A_76 = arith.constant 48 : index
        %get3A_77 = tpu.vector_load %arg5[%get3A_76] {strides = array<i32>} : memref<20512xi32, #tpu.memory_space<vmem>>, vector<16xi32>,
        %swap3A_78 = arith.constant 0 : i32
        %swap3A_79 = arith.index_cast %swap3A_78 : i32 to index
        %swap3A_80 = arith.constant 48 : index
        %swap3A_81 = tpu.vector_load %arg7[%swap3A_79, %swap3A_80] {strides = array<i32>} : memref<2x64xi32, #tpu.memory_space<vmem>>, vector<16xi32>,
        tpu.vector_store %arg7[%swap3A_79, %swap3A_80], %get3A_77 {strides = array<i32>} : memref<2x64xi32, #tpu.memory_space<vmem>>, vector<16xi32>,
        %dma_start3A = arith.constant 0 : i32
        %dma_start3A_82 = arith.constant 0 : i32
        %dma_start3A_83 = arith.constant 0 : i32
        %dma_start3A_84 = arith.constant 0 : i32
        %dma_start3A_85 = arith.constant 0 : i32
        %dma_start3A_86 = tpu.memref_slice %arg8[%dma_start3A_82, %dma_start3A_84, %dma_start3A_85] : memref<2x64x640xi32, #tpu.memory_space<vmem>> -> memref<1x64x640xi32, #tpu.memory_space<vmem>>
        %dma_start3A_87 = tpu.memref_squeeze %dma_start3A_86 : memref<1x64x640xi32, #tpu.memory_space<vmem>> -> memref<64x640xi32, #tpu.memory_space<vmem>>
        %dma_start3A_88 = arith.constant 0 : i32
        %dma_start3A_89 = tpu.memref_slice %arg7[%dma_start3A, %dma_start3A_88] : memref<2x64xi32, #tpu.memory_space<vmem>> -> memref<1x64xi32, #tpu.memory_space<vmem>>
        %dma_start3A_90 = tpu.memref_squeeze %dma_start3A_89 : memref<1x64xi32, #tpu.memory_space<vmem>> -> memref<64xi32, #tpu.memory_space<vmem>>
        %dma_start3A_91 = arith.constant 0 : i32
        %dma_start3A_92 = arith.constant 0 : i32
        %dma_start3A_93 = tpu.memref_slice %arg2[%dma_start3A_91, %dma_start3A_92] : memref<20480x640xi32, #tpu.memory_space<hbm>> -> memref<20480x640xi32, #tpu.memory_space<hbm>>
        %dma_start3A_94 = tpu.memref_slice %arg10[%dma_start3A_83] : memref<2x!tpu.dma_semaphore, #tpu.memory_space<semaphore_mem>> -> memref<1x!tpu.dma_semaphore, #tpu.memory_space<semaphore_mem>>
        %dma_start3A_95 = tpu.memref_squeeze %dma_start3A_94 : memref<1x!tpu.dma_semaphore, #tpu.memory_space<semaphore_mem>> -> memref<!tpu.dma_semaphore, #tpu.memory_space<semaphore_mem>>
        tpu.enqueue_indirect_dma source(%dma_start3A_93 : memref<20480x640xi32, #tpu.memory_space<hbm>>) target(%dma_start3A_87 : memref<64x640xi32, #tpu.memory_space<vmem>>) offsets(%dma_start3A_90 : memref<64xi32, #tpu.memory_space<vmem>>) semaphore(%dma_start3A_95 : memref<!tpu.dma_semaphore, #tpu.memory_space<semaphore_mem>>)
      } else {
      }
      %while3A = arith.constant 0 : i32
      %while3A_50 = arith.constant 0 : i32
      %while3A_51 = arith.subi %select_n3A, %while3A_50 : i32
      %while3A_52 = arith.addi %while3A_50, %while3A_51 : i32
      %while3A_53 = arith.constant 1 : i32
      %while3A_54 = arith.divsi %while3A_51, %while3A_53 : i32
      %while3A_55 = arith.muli %while3A_54, %while3A_53 : i32
      %while3A_56 = arith.addi %while3A_50, %while3A_55 : i32
      %while3A_57 = arith.constant 1 : i32
      scf.for %while3A_59 = %while3A_50 to %while3A_56 step %while3A_57  : i32 {
        %rem3A_60 = arith.constant 2 : i32
        %rem3A_61 = arith.remsi %while3A_59, %rem3A_60 : i32
        %add3A_62 = arith.constant 1 : i32
        %add3A_63 = arith.addi %while3A_59, %add3A_62 : i32
        %lt3A = arith.cmpi slt, %add3A_63, %select_n3A : i32
        %convert_element_type3A_64 = arith.extui %lt3A : i1 to i32
        %cond3A_65 = arith.constant 0 : i32
        %cond3A_66 = arith.cmpi ne, %convert_element_type3A_64, %cond3A_65 : i32
        scf.if %cond3A_66 {
          %add3A_91 = arith.constant 1 : i32
          %add3A_92 = arith.addi %while3A_59, %add3A_91 : i32
          %sub3A_93 = arith.constant 1 : i32
          %sub3A_94 = arith.subi %sub3A_93, %rem3A_61 : i32
          %mul3A_95 = arith.constant 64 : i32
          %mul3A_96 = arith.muli %add3A_92, %mul3A_95 : i32
          %add3A_97 = arith.constant 0 : i32
          %add3A_98 = arith.addi %mul3A_96, %add3A_97 : i32
          %get3A = arith.index_cast %add3A_98 : i32 to index
          %get3A_99 = tpu.vector_load %arg5[%get3A] {strides = array<i32>} : memref<20512xi32, #tpu.memory_space<vmem>>, vector<16xi32>,
          %swap3A_100 = arith.index_cast %sub3A_94 : i32 to index
          %swap3A_101 = arith.constant 0 : index
          %swap3A_102 = tpu.vector_load %arg7[%swap3A_100, %swap3A_101] {strides = array<i32>} : memref<2x64xi32, #tpu.memory_space<vmem>>, vector<16xi32>,
          tpu.vector_store %arg7[%swap3A_100, %swap3A_101], %get3A_99 {strides = array<i32>} : memref<2x64xi32, #tpu.memory_space<vmem>>, vector<16xi32>,
          %mul3A_103 = arith.constant 64 : i32
          %mul3A_104 = arith.muli %add3A_92, %mul3A_103 : i32
          %add3A_105 = arith.constant 16 : i32
          %add3A_106 = arith.addi %mul3A_104, %add3A_105 : i32
          %get3A_107 = arith.index_cast %add3A_106 : i32 to index
          %get3A_108 = tpu.vector_load %arg5[%get3A_107] {strides = array<i32>} : memref<20512xi32, #tpu.memory_space<vmem>>, vector<16xi32>,
          %swap3A_109 = arith.index_cast %sub3A_94 : i32 to index
          %swap3A_110 = arith.constant 16 : index
          %swap3A_111 = tpu.vector_load %arg7[%swap3A_109, %swap3A_110] {strides = array<i32>} : memref<2x64xi32, #tpu.memory_space<vmem>>, vector<16xi32>,
          tpu.vector_store %arg7[%swap3A_109, %swap3A_110], %get3A_108 {strides = array<i32>} : memref<2x64xi32, #tpu.memory_space<vmem>>, vector<16xi32>,
          %mul3A_112 = arith.constant 64 : i32
          %mul3A_113 = arith.muli %add3A_92, %mul3A_112 : i32
          %add3A_114 = arith.constant 32 : i32
          %add3A_115 = arith.addi %mul3A_113, %add3A_114 : i32
          %get3A_116 = arith.index_cast %add3A_115 : i32 to index
          %get3A_117 = tpu.vector_load %arg5[%get3A_116] {strides = array<i32>} : memref<20512xi32, #tpu.memory_space<vmem>>, vector<16xi32>,
          %swap3A_118 = arith.index_cast %sub3A_94 : i32 to index
          %swap3A_119 = arith.constant 32 : index
          %swap3A_120 = tpu.vector_load %arg7[%swap3A_118, %swap3A_119] {strides = array<i32>} : memref<2x64xi32, #tpu.memory_space<vmem>>, vector<16xi32>,
          tpu.vector_store %arg7[%swap3A_118, %swap3A_119], %get3A_117 {strides = array<i32>} : memref<2x64xi32, #tpu.memory_space<vmem>>, vector<16xi32>,
          %mul3A_121 = arith.constant 64 : i32
          %mul3A_122 = arith.muli %add3A_92, %mul3A_121 : i32
          %add3A_123 = arith.constant 48 : i32
          %add3A_124 = arith.addi %mul3A_122, %add3A_123 : i32
          %get3A_125 = arith.index_cast %add3A_124 : i32 to index
          %get3A_126 = tpu.vector_load %arg5[%get3A_125] {strides = array<i32>} : memref<20512xi32, #tpu.memory_space<vmem>>, vector<16xi32>,
          %swap3A_127 = arith.index_cast %sub3A_94 : i32 to index
          %swap3A_128 = arith.constant 48 : index
          %swap3A_129 = tpu.vector_load %arg7[%swap3A_127, %swap3A_128] {strides = array<i32>} : memref<2x64xi32, #tpu.memory_space<vmem>>, vector<16xi32>,
          tpu.vector_store %arg7[%swap3A_127, %swap3A_128], %get3A_126 {strides = array<i32>} : memref<2x64xi32, #tpu.memory_space<vmem>>, vector<16xi32>,
          %dma_start3A = arith.constant 0 : i32
          %dma_start3A_130 = arith.constant 0 : i32
          %dma_start3A_131 = tpu.memref_slice %arg8[%sub3A_94, %dma_start3A, %dma_start3A_130] : memref<2x64x640xi32, #tpu.memory_space<vmem>> -> memref<1x64x640xi32, #tpu.memory_space<vmem>>
          %dma_start3A_132 = tpu.memref_squeeze %dma_start3A_131 : memref<1x64x640xi32, #tpu.memory_space<vmem>> -> memref<64x640xi32, #tpu.memory_space<vmem>>
          %dma_start3A_133 = arith.constant 0 : i32
          %dma_start3A_134 = tpu.memref_slice %arg7[%sub3A_94, %dma_start3A_133] : memref<2x64xi32, #tpu.memory_space<vmem>> -> memref<1x64xi32, #tpu.memory_space<vmem>>
          %dma_start3A_135 = tpu.memref_squeeze %dma_start3A_134 : memref<1x64xi32, #tpu.memory_space<vmem>> -> memref<64xi32, #tpu.memory_space<vmem>>
          %dma_start3A_136 = arith.constant 0 : i32
          %dma_start3A_137 = arith.constant 0 : i32
          %dma_start3A_138 = tpu.memref_slice %arg2[%dma_start3A_136, %dma_start3A_137] : memref<20480x640xi32, #tpu.memory_space<hbm>> -> memref<20480x640xi32, #tpu.memory_space<hbm>>
          %dma_start3A_139 = tpu.memref_slice %arg10[%sub3A_94] : memref<2x!tpu.dma_semaphore, #tpu.memory_space<semaphore_mem>> -> memref<1x!tpu.dma_semaphore, #tpu.memory_space<semaphore_mem>>
          %dma_start3A_140 = tpu.memref_squeeze %dma_start3A_139 : memref<1x!tpu.dma_semaphore, #tpu.memory_space<semaphore_mem>> -> memref<!tpu.dma_semaphore, #tpu.memory_space<semaphore_mem>>
          tpu.enqueue_indirect_dma source(%dma_start3A_138 : memref<20480x640xi32, #tpu.memory_space<hbm>>) target(%dma_start3A_132 : memref<64x640xi32, #tpu.memory_space<vmem>>) offsets(%dma_start3A_135 : memref<64xi32, #tpu.memory_space<vmem>>) semaphore(%dma_start3A_140 : memref<!tpu.dma_semaphore, #tpu.memory_space<semaphore_mem>>)
        } else {
        }
        %dma_wait3A = arith.constant 0 : i32
        %dma_wait3A_67 = arith.constant 0 : i32
        %dma_wait3A_68 = tpu.memref_slice %arg8[%rem3A_61, %dma_wait3A, %dma_wait3A_67] : memref<2x64x640xi32, #tpu.memory_space<vmem>> -> memref<1x64x640xi32, #tpu.memory_space<vmem>>
        %dma_wait3A_69 = tpu.memref_squeeze %dma_wait3A_68 : memref<1x64x640xi32, #tpu.memory_space<vmem>> -> memref<64x640xi32, #tpu.memory_space<vmem>>
        %dma_wait3A_70 = arith.constant 0 : i32
        %dma_wait3A_71 = tpu.memref_slice %arg7[%rem3A_61, %dma_wait3A_70] : memref<2x64xi32, #tpu.memory_space<vmem>> -> memref<1x64xi32, #tpu.memory_space<vmem>>
        %dma_wait3A_72 = tpu.memref_squeeze %dma_wait3A_71 : memref<1x64xi32, #tpu.memory_space<vmem>> -> memref<64xi32, #tpu.memory_space<vmem>>
        %dma_wait3A_73 = arith.constant 0 : i32
        %dma_wait3A_74 = arith.constant 0 : i32
        %dma_wait3A_75 = tpu.memref_slice %arg2[%dma_wait3A_73, %dma_wait3A_74] : memref<20480x640xi32, #tpu.memory_space<hbm>> -> memref<20480x640xi32, #tpu.memory_space<hbm>>
        %dma_wait3A_76 = tpu.memref_slice %arg10[%rem3A_61] : memref<2x!tpu.dma_semaphore, #tpu.memory_space<semaphore_mem>> -> memref<1x!tpu.dma_semaphore, #tpu.memory_space<semaphore_mem>>
        %dma_wait3A_77 = tpu.memref_squeeze %dma_wait3A_76 : memref<1x!tpu.dma_semaphore, #tpu.memory_space<semaphore_mem>> -> memref<!tpu.dma_semaphore, #tpu.memory_space<semaphore_mem>>
        tpu.wait_indirect_dma semaphore(%dma_wait3A_77 : memref<!tpu.dma_semaphore, #tpu.memory_space<semaphore_mem>>) src(%dma_wait3A_75 : memref<20480x640xi32, #tpu.memory_space<hbm>>) dst(%dma_wait3A_69 : memref<64x640xi32, #tpu.memory_space<vmem>>)
        %mul3A = arith.constant 64 : i32
        %mul3A_78 = arith.muli %while3A_59, %mul3A : i32
        %sub3A_79 = arith.subi %scan3A_15, %mul3A_78 : i32
        %min3A = arith.constant 64 : i32
        %min3A_80 = arith.minsi %min3A, %sub3A_79 : i32
        %while3A_81 = arith.constant 0 : i32
        %while3A_82 = arith.constant 0 : i32
        %while3A_83 = arith.subi %min3A_80, %while3A_82 : i32
        %while3A_84 = arith.addi %while3A_82, %while3A_83 : i32
        %while3A_85 = arith.constant 1 : i32
        %while3A_86 = arith.divsi %while3A_83, %while3A_85 : i32
        %while3A_87 = arith.muli %while3A_86, %while3A_85 : i32
        %while3A_88 = arith.addi %while3A_82, %while3A_87 : i32
        %while3A_89 = arith.constant 1 : i32
        scf.for %while3A_91 = %while3A_82 to %while3A_88 step %while3A_89  : i32 {
          %mul3A_92 = arith.constant 64 : i32
          %mul3A_93 = arith.muli %while3A_59, %mul3A_92 : i32
          %add3A_94 = arith.addi %mul3A_93, %while3A_91 : i32
          %get3A = arith.index_cast %add3A_94 : i32 to index
          %get3A_95 = tpu.vector_load %arg5[%get3A] {strides = array<i32>} : memref<20512xi32, #tpu.memory_space<vmem>>, vector<16xi32>,
          %slice3A = vector.extract_strided_slice %get3A_95 {offsets = [0], sizes = [1], strides = [1]} : vector<16xi32> to vector<1xi32>
          %squeeze3A = vector.extract %slice3A[0] : i32 from vector<1xi32>
          %shift_right_arithmetic3A = arith.constant 12 : i32
          %shift_right_arithmetic3A_96 = arith.shrsi %squeeze3A, %shift_right_arithmetic3A : i32
          %mul3A_97 = arith.constant 128 : i32
          %mul3A_98 = arith.muli %shift_right_arithmetic3A_96, %mul3A_97 : i32
          %and3A_99 = arith.constant 127 : i32
          %and3A_100 = arith.andi %squeeze3A, %and3A_99 : i32
          %add3A_101 = arith.addi %mul3A_98, %and3A_100 : i32
          %and3A_102 = arith.constant 4095 : i32
          %and3A_103 = arith.andi %squeeze3A, %and3A_102 : i32
          %shift_right_arithmetic3A_104 = arith.constant 7 : i32
          %shift_right_arithmetic3A_105 = arith.shrsi %and3A_103, %shift_right_arithmetic3A_104 : i32
          %get3A_106 = arith.index_cast %add3A_101 : i32 to index
          %get3A_107 = tpu.vector_load %arg9[%get3A_106] {strides = array<i32>} : memref<656xi32, #tpu.memory_space<vmem>>, vector<16xi32>,
          %slice3A_108 = vector.extract_strided_slice %get3A_107 {offsets = [0], sizes = [1], strides = [1]} : vector<16xi32> to vector<1xi32>
          %squeeze3A_109 = vector.extract %slice3A_108[0] : i32 from vector<1xi32>
          %shift_right_logical3A = arith.shrui %squeeze3A_109, %shift_right_arithmetic3A_105 : i32
          %and3A_110 = arith.constant 1 : i32
          %and3A_111 = arith.andi %shift_right_logical3A, %and3A_110 : i32
          %eq3A_112 = arith.constant 0 : i32
          %eq3A_113 = arith.cmpi eq, %and3A_111, %eq3A_112 : i32
          %convert_element_type3A_114 = arith.extui %eq3A_113 : i1 to i32
          %cond3A_115 = arith.constant 0 : i32
          %cond3A_116 = arith.cmpi ne, %convert_element_type3A_114, %cond3A_115 : i32
          scf.if %cond3A_116 {
            %shift_right_arithmetic3A_117 = arith.constant 12 : i32
            %shift_right_arithmetic3A_118 = arith.shrsi %squeeze3A, %shift_right_arithmetic3A_117 : i32
            %mul3A_119 = arith.constant 2 : i32
            %mul3A_120 = arith.muli %shift_right_arithmetic3A_118, %mul3A_119 : i32
            %while3A_121 = arith.constant 0 : i32
            %while3A_122 = arith.constant 10 : i32
            %while3A_123 = arith.subi %while3A_122, %mul3A_120 : i32
            %while3A_124 = arith.addi %mul3A_120, %while3A_123 : i32
            %while3A_125 = arith.constant 1 : i32
            %while3A_126 = arith.divsi %while3A_123, %while3A_125 : i32
            %while3A_127 = arith.muli %while3A_126, %while3A_125 : i32
            %while3A_128 = arith.addi %mul3A_120, %while3A_127 : i32
            %while3A_129 = arith.constant 1 : i32
            scf.for %while3A_131 = %mul3A_120 to %while3A_128 step %while3A_129  : i32 {
              %mul3A_132 = arith.constant 64 : i32
              %mul3A_133 = arith.muli %while3A_131, %mul3A_132 : i32
              %add3A_134 = arith.constant 0 : i32
              %add3A_135 = arith.addi %mul3A_133, %add3A_134 : i32
              %get3A_136 = arith.index_cast %add3A_135 : i32 to index
              %get3A_137 = tpu.vector_load %arg9[%get3A_136] {strides = array<i32>} : memref<656xi32, #tpu.memory_space<vmem>>, vector<16xi32>,
              %get3A_138 = arith.index_cast %rem3A_61 : i32 to index
              %get3A_139 = arith.index_cast %while3A_91 : i32 to index
              %get3A_140 = arith.index_cast %add3A_135 : i32 to index
              %get3A_141 = tpu.vector_load %arg8[%get3A_138, %get3A_139, %get3A_140] {strides = array<i32>} : memref<2x64x640xi32, #tpu.memory_space<vmem>>, vector<16xi32>,
              %or3A = arith.ori %get3A_137, %get3A_141 : vector<16xi32>
              %swap3A_142 = arith.index_cast %add3A_135 : i32 to index
              %swap3A_143 = tpu.vector_load %arg9[%swap3A_142] {strides = array<i32>} : memref<656xi32, #tpu.memory_space<vmem>>, vector<16xi32>,
              tpu.vector_store %arg9[%swap3A_142], %or3A {strides = array<i32>} : memref<656xi32, #tpu.memory_space<vmem>>, vector<16xi32>,
              %mul3A_144 = arith.constant 64 : i32
              %mul3A_145 = arith.muli %while3A_131, %mul3A_144 : i32
              %add3A_146 = arith.constant 16 : i32
              %add3A_147 = arith.addi %mul3A_145, %add3A_146 : i32
              %get3A_148 = arith.index_cast %add3A_147 : i32 to index
              %get3A_149 = tpu.vector_load %arg9[%get3A_148] {strides = array<i32>} : memref<656xi32, #tpu.memory_space<vmem>>, vector<16xi32>,
              %get3A_150 = arith.index_cast %rem3A_61 : i32 to index
              %get3A_151 = arith.index_cast %while3A_91 : i32 to index
              %get3A_152 = arith.index_cast %add3A_147 : i32 to index
              %get3A_153 = tpu.vector_load %arg8[%get3A_150, %get3A_151, %get3A_152] {strides = array<i32>} : memref<2x64x640xi32, #tpu.memory_space<vmem>>, vector<16xi32>,
              %or3A_154 = arith.ori %get3A_149, %get3A_153 : vector<16xi32>
              %swap3A_155 = arith.index_cast %add3A_147 : i32 to index
              %swap3A_156 = tpu.vector_load %arg9[%swap3A_155] {strides = array<i32>} : memref<656xi32, #tpu.memory_space<vmem>>, vector<16xi32>,
              tpu.vector_store %arg9[%swap3A_155], %or3A_154 {strides = array<i32>} : memref<656xi32, #tpu.memory_space<vmem>>, vector<16xi32>,
              %mul3A_157 = arith.constant 64 : i32
              %mul3A_158 = arith.muli %while3A_131, %mul3A_157 : i32
              %add3A_159 = arith.constant 32 : i32
              %add3A_160 = arith.addi %mul3A_158, %add3A_159 : i32
              %get3A_161 = arith.index_cast %add3A_160 : i32 to index
              %get3A_162 = tpu.vector_load %arg9[%get3A_161] {strides = array<i32>} : memref<656xi32, #tpu.memory_space<vmem>>, vector<16xi32>,
              %get3A_163 = arith.index_cast %rem3A_61 : i32 to index
              %get3A_164 = arith.index_cast %while3A_91 : i32 to index
              %get3A_165 = arith.index_cast %add3A_160 : i32 to index
              %get3A_166 = tpu.vector_load %arg8[%get3A_163, %get3A_164, %get3A_165] {strides = array<i32>} : memref<2x64x640xi32, #tpu.memory_space<vmem>>, vector<16xi32>,
              %or3A_167 = arith.ori %get3A_162, %get3A_166 : vector<16xi32>
              %swap3A_168 = arith.index_cast %add3A_160 : i32 to index
              %swap3A_169 = tpu.vector_load %arg9[%swap3A_168] {strides = array<i32>} : memref<656xi32, #tpu.memory_space<vmem>>, vector<16xi32>,
              tpu.vector_store %arg9[%swap3A_168], %or3A_167 {strides = array<i32>} : memref<656xi32, #tpu.memory_space<vmem>>, vector<16xi32>,
              %mul3A_170 = arith.constant 64 : i32
              %mul3A_171 = arith.muli %while3A_131, %mul3A_170 : i32
              %add3A_172 = arith.constant 48 : i32
              %add3A_173 = arith.addi %mul3A_171, %add3A_172 : i32
              %get3A_174 = arith.index_cast %add3A_173 : i32 to index
              %get3A_175 = tpu.vector_load %arg9[%get3A_174] {strides = array<i32>} : memref<656xi32, #tpu.memory_space<vmem>>, vector<16xi32>,
              %get3A_176 = arith.index_cast %rem3A_61 : i32 to index
              %get3A_177 = arith.index_cast %while3A_91 : i32 to index
              %get3A_178 = arith.index_cast %add3A_173 : i32 to index
              %get3A_179 = tpu.vector_load %arg8[%get3A_176, %get3A_177, %get3A_178] {strides = array<i32>} : memref<2x64x640xi32, #tpu.memory_space<vmem>>, vector<16xi32>,
              %or3A_180 = arith.ori %get3A_175, %get3A_179 : vector<16xi32>
              %swap3A_181 = arith.index_cast %add3A_173 : i32 to index
              %swap3A_182 = tpu.vector_load %arg9[%swap3A_181] {strides = array<i32>} : memref<656xi32, #tpu.memory_space<vmem>>, vector<16xi32>,
              tpu.vector_store %arg9[%swap3A_181], %or3A_180 {strides = array<i32>} : memref<656xi32, #tpu.memory_space<vmem>>, vector<16xi32>,
            }
            %while3A_130 = arith.constant 1 : i32
            scf.for %while3A_131 = %while3A_128 to %while3A_124 step %while3A_130  : i32 {
              %mul3A_132 = arith.constant 64 : i32
              %mul3A_133 = arith.muli %while3A_131, %mul3A_132 : i32
              %add3A_134 = arith.constant 0 : i32
              %add3A_135 = arith.addi %mul3A_133, %add3A_134 : i32
              %get3A_136 = arith.index_cast %add3A_135 : i32 to index
              %get3A_137 = tpu.vector_load %arg9[%get3A_136] {strides = array<i32>} : memref<656xi32, #tpu.memory_space<vmem>>, vector<16xi32>,
              %get3A_138 = arith.index_cast %rem3A_61 : i32 to index
              %get3A_139 = arith.index_cast %while3A_91 : i32 to index
              %get3A_140 = arith.index_cast %add3A_135 : i32 to index
              %get3A_141 = tpu.vector_load %arg8[%get3A_138, %get3A_139, %get3A_140] {strides = array<i32>} : memref<2x64x640xi32, #tpu.memory_space<vmem>>, vector<16xi32>,
              %or3A = arith.ori %get3A_137, %get3A_141 : vector<16xi32>
              %swap3A_142 = arith.index_cast %add3A_135 : i32 to index
              %swap3A_143 = tpu.vector_load %arg9[%swap3A_142] {strides = array<i32>} : memref<656xi32, #tpu.memory_space<vmem>>, vector<16xi32>,
              tpu.vector_store %arg9[%swap3A_142], %or3A {strides = array<i32>} : memref<656xi32, #tpu.memory_space<vmem>>, vector<16xi32>,
              %mul3A_144 = arith.constant 64 : i32
              %mul3A_145 = arith.muli %while3A_131, %mul3A_144 : i32
              %add3A_146 = arith.constant 16 : i32
              %add3A_147 = arith.addi %mul3A_145, %add3A_146 : i32
              %get3A_148 = arith.index_cast %add3A_147 : i32 to index
              %get3A_149 = tpu.vector_load %arg9[%get3A_148] {strides = array<i32>} : memref<656xi32, #tpu.memory_space<vmem>>, vector<16xi32>,
              %get3A_150 = arith.index_cast %rem3A_61 : i32 to index
              %get3A_151 = arith.index_cast %while3A_91 : i32 to index
              %get3A_152 = arith.index_cast %add3A_147 : i32 to index
              %get3A_153 = tpu.vector_load %arg8[%get3A_150, %get3A_151, %get3A_152] {strides = array<i32>} : memref<2x64x640xi32, #tpu.memory_space<vmem>>, vector<16xi32>,
              %or3A_154 = arith.ori %get3A_149, %get3A_153 : vector<16xi32>
              %swap3A_155 = arith.index_cast %add3A_147 : i32 to index
              %swap3A_156 = tpu.vector_load %arg9[%swap3A_155] {strides = array<i32>} : memref<656xi32, #tpu.memory_space<vmem>>, vector<16xi32>,
              tpu.vector_store %arg9[%swap3A_155], %or3A_154 {strides = array<i32>} : memref<656xi32, #tpu.memory_space<vmem>>, vector<16xi32>,
              %mul3A_157 = arith.constant 64 : i32
              %mul3A_158 = arith.muli %while3A_131, %mul3A_157 : i32
              %add3A_159 = arith.constant 32 : i32
              %add3A_160 = arith.addi %mul3A_158, %add3A_159 : i32
              %get3A_161 = arith.index_cast %add3A_160 : i32 to index
              %get3A_162 = tpu.vector_load %arg9[%get3A_161] {strides = array<i32>} : memref<656xi32, #tpu.memory_space<vmem>>, vector<16xi32>,
              %get3A_163 = arith.index_cast %rem3A_61 : i32 to index
              %get3A_164 = arith.index_cast %while3A_91 : i32 to index
              %get3A_165 = arith.index_cast %add3A_160 : i32 to index
              %get3A_166 = tpu.vector_load %arg8[%get3A_163, %get3A_164, %get3A_165] {strides = array<i32>} : memref<2x64x640xi32, #tpu.memory_space<vmem>>, vector<16xi32>,
              %or3A_167 = arith.ori %get3A_162, %get3A_166 : vector<16xi32>
              %swap3A_168 = arith.index_cast %add3A_160 : i32 to index
              %swap3A_169 = tpu.vector_load %arg9[%swap3A_168] {strides = array<i32>} : memref<656xi32, #tpu.memory_space<vmem>>, vector<16xi32>,
              tpu.vector_store %arg9[%swap3A_168], %or3A_167 {strides = array<i32>} : memref<656xi32, #tpu.memory_space<vmem>>, vector<16xi32>,
              %mul3A_170 = arith.constant 64 : i32
              %mul3A_171 = arith.muli %while3A_131, %mul3A_170 : i32
              %add3A_172 = arith.constant 48 : i32
              %add3A_173 = arith.addi %mul3A_171, %add3A_172 : i32
              %get3A_174 = arith.index_cast %add3A_173 : i32 to index
              %get3A_175 = tpu.vector_load %arg9[%get3A_174] {strides = array<i32>} : memref<656xi32, #tpu.memory_space<vmem>>, vector<16xi32>,
              %get3A_176 = arith.index_cast %rem3A_61 : i32 to index
              %get3A_177 = arith.index_cast %while3A_91 : i32 to index
              %get3A_178 = arith.index_cast %add3A_173 : i32 to index
              %get3A_179 = tpu.vector_load %arg8[%get3A_176, %get3A_177, %get3A_178] {strides = array<i32>} : memref<2x64x640xi32, #tpu.memory_space<vmem>>, vector<16xi32>,
              %or3A_180 = arith.ori %get3A_175, %get3A_179 : vector<16xi32>
              %swap3A_181 = arith.index_cast %add3A_173 : i32 to index
              %swap3A_182 = tpu.vector_load %arg9[%swap3A_181] {strides = array<i32>} : memref<656xi32, #tpu.memory_space<vmem>>, vector<16xi32>,
              tpu.vector_store %arg9[%swap3A_181], %or3A_180 {strides = array<i32>} : memref<656xi32, #tpu.memory_space<vmem>>, vector<16xi32>,
            }
          } else {
          }
        }
        %while3A_90 = arith.constant 1 : i32
        scf.for %while3A_91 = %while3A_88 to %while3A_84 step %while3A_90  : i32 {
          %mul3A_92 = arith.constant 64 : i32
          %mul3A_93 = arith.muli %while3A_59, %mul3A_92 : i32
          %add3A_94 = arith.addi %mul3A_93, %while3A_91 : i32
          %get3A = arith.index_cast %add3A_94 : i32 to index
          %get3A_95 = tpu.vector_load %arg5[%get3A] {strides = array<i32>} : memref<20512xi32, #tpu.memory_space<vmem>>, vector<16xi32>,
          %slice3A = vector.extract_strided_slice %get3A_95 {offsets = [0], sizes = [1], strides = [1]} : vector<16xi32> to vector<1xi32>
          %squeeze3A = vector.extract %slice3A[0] : i32 from vector<1xi32>
          %shift_right_arithmetic3A = arith.constant 12 : i32
          %shift_right_arithmetic3A_96 = arith.shrsi %squeeze3A, %shift_right_arithmetic3A : i32
          %mul3A_97 = arith.constant 128 : i32
          %mul3A_98 = arith.muli %shift_right_arithmetic3A_96, %mul3A_97 : i32
          %and3A_99 = arith.constant 127 : i32
          %and3A_100 = arith.andi %squeeze3A, %and3A_99 : i32
          %add3A_101 = arith.addi %mul3A_98, %and3A_100 : i32
          %and3A_102 = arith.constant 4095 : i32
          %and3A_103 = arith.andi %squeeze3A, %and3A_102 : i32
          %shift_right_arithmetic3A_104 = arith.constant 7 : i32
          %shift_right_arithmetic3A_105 = arith.shrsi %and3A_103, %shift_right_arithmetic3A_104 : i32
          %get3A_106 = arith.index_cast %add3A_101 : i32 to index
          %get3A_107 = tpu.vector_load %arg9[%get3A_106] {strides = array<i32>} : memref<656xi32, #tpu.memory_space<vmem>>, vector<16xi32>,
          %slice3A_108 = vector.extract_strided_slice %get3A_107 {offsets = [0], sizes = [1], strides = [1]} : vector<16xi32> to vector<1xi32>
          %squeeze3A_109 = vector.extract %slice3A_108[0] : i32 from vector<1xi32>
          %shift_right_logical3A = arith.shrui %squeeze3A_109, %shift_right_arithmetic3A_105 : i32
          %and3A_110 = arith.constant 1 : i32
          %and3A_111 = arith.andi %shift_right_logical3A, %and3A_110 : i32
          %eq3A_112 = arith.constant 0 : i32
          %eq3A_113 = arith.cmpi eq, %and3A_111, %eq3A_112 : i32
          %convert_element_type3A_114 = arith.extui %eq3A_113 : i1 to i32
          %cond3A_115 = arith.constant 0 : i32
          %cond3A_116 = arith.cmpi ne, %convert_element_type3A_114, %cond3A_115 : i32
          scf.if %cond3A_116 {
            %shift_right_arithmetic3A_117 = arith.constant 12 : i32
            %shift_right_arithmetic3A_118 = arith.shrsi %squeeze3A, %shift_right_arithmetic3A_117 : i32
            %mul3A_119 = arith.constant 2 : i32
            %mul3A_120 = arith.muli %shift_right_arithmetic3A_118, %mul3A_119 : i32
            %while3A_121 = arith.constant 0 : i32
            %while3A_122 = arith.constant 10 : i32
            %while3A_123 = arith.subi %while3A_122, %mul3A_120 : i32
            %while3A_124 = arith.addi %mul3A_120, %while3A_123 : i32
            %while3A_125 = arith.constant 1 : i32
            %while3A_126 = arith.divsi %while3A_123, %while3A_125 : i32
            %while3A_127 = arith.muli %while3A_126, %while3A_125 : i32
            %while3A_128 = arith.addi %mul3A_120, %while3A_127 : i32
            %while3A_129 = arith.constant 1 : i32
            scf.for %while3A_131 = %mul3A_120 to %while3A_128 step %while3A_129  : i32 {
              %mul3A_132 = arith.constant 64 : i32
              %mul3A_133 = arith.muli %while3A_131, %mul3A_132 : i32
              %add3A_134 = arith.constant 0 : i32
              %add3A_135 = arith.addi %mul3A_133, %add3A_134 : i32
              %get3A_136 = arith.index_cast %add3A_135 : i32 to index
              %get3A_137 = tpu.vector_load %arg9[%get3A_136] {strides = array<i32>} : memref<656xi32, #tpu.memory_space<vmem>>, vector<16xi32>,
              %get3A_138 = arith.index_cast %rem3A_61 : i32 to index
              %get3A_139 = arith.index_cast %while3A_91 : i32 to index
              %get3A_140 = arith.index_cast %add3A_135 : i32 to index
              %get3A_141 = tpu.vector_load %arg8[%get3A_138, %get3A_139, %get3A_140] {strides = array<i32>} : memref<2x64x640xi32, #tpu.memory_space<vmem>>, vector<16xi32>,
              %or3A = arith.ori %get3A_137, %get3A_141 : vector<16xi32>
              %swap3A_142 = arith.index_cast %add3A_135 : i32 to index
              %swap3A_143 = tpu.vector_load %arg9[%swap3A_142] {strides = array<i32>} : memref<656xi32, #tpu.memory_space<vmem>>, vector<16xi32>,
              tpu.vector_store %arg9[%swap3A_142], %or3A {strides = array<i32>} : memref<656xi32, #tpu.memory_space<vmem>>, vector<16xi32>,
              %mul3A_144 = arith.constant 64 : i32
              %mul3A_145 = arith.muli %while3A_131, %mul3A_144 : i32
              %add3A_146 = arith.constant 16 : i32
              %add3A_147 = arith.addi %mul3A_145, %add3A_146 : i32
              %get3A_148 = arith.index_cast %add3A_147 : i32 to index
              %get3A_149 = tpu.vector_load %arg9[%get3A_148] {strides = array<i32>} : memref<656xi32, #tpu.memory_space<vmem>>, vector<16xi32>,
              %get3A_150 = arith.index_cast %rem3A_61 : i32 to index
              %get3A_151 = arith.index_cast %while3A_91 : i32 to index
              %get3A_152 = arith.index_cast %add3A_147 : i32 to index
              %get3A_153 = tpu.vector_load %arg8[%get3A_150, %get3A_151, %get3A_152] {strides = array<i32>} : memref<2x64x640xi32, #tpu.memory_space<vmem>>, vector<16xi32>,
              %or3A_154 = arith.ori %get3A_149, %get3A_153 : vector<16xi32>
              %swap3A_155 = arith.index_cast %add3A_147 : i32 to index
              %swap3A_156 = tpu.vector_load %arg9[%swap3A_155] {strides = array<i32>} : memref<656xi32, #tpu.memory_space<vmem>>, vector<16xi32>,
              tpu.vector_store %arg9[%swap3A_155], %or3A_154 {strides = array<i32>} : memref<656xi32, #tpu.memory_space<vmem>>, vector<16xi32>,
              %mul3A_157 = arith.constant 64 : i32
              %mul3A_158 = arith.muli %while3A_131, %mul3A_157 : i32
              %add3A_159 = arith.constant 32 : i32
              %add3A_160 = arith.addi %mul3A_158, %add3A_159 : i32
              %get3A_161 = arith.index_cast %add3A_160 : i32 to index
              %get3A_162 = tpu.vector_load %arg9[%get3A_161] {strides = array<i32>} : memref<656xi32, #tpu.memory_space<vmem>>, vector<16xi32>,
              %get3A_163 = arith.index_cast %rem3A_61 : i32 to index
              %get3A_164 = arith.index_cast %while3A_91 : i32 to index
              %get3A_165 = arith.index_cast %add3A_160 : i32 to index
              %get3A_166 = tpu.vector_load %arg8[%get3A_163, %get3A_164, %get3A_165] {strides = array<i32>} : memref<2x64x640xi32, #tpu.memory_space<vmem>>, vector<16xi32>,
              %or3A_167 = arith.ori %get3A_162, %get3A_166 : vector<16xi32>
              %swap3A_168 = arith.index_cast %add3A_160 : i32 to index
              %swap3A_169 = tpu.vector_load %arg9[%swap3A_168] {strides = array<i32>} : memref<656xi32, #tpu.memory_space<vmem>>, vector<16xi32>,
              tpu.vector_store %arg9[%swap3A_168], %or3A_167 {strides = array<i32>} : memref<656xi32, #tpu.memory_space<vmem>>, vector<16xi32>,
              %mul3A_170 = arith.constant 64 : i32
              %mul3A_171 = arith.muli %while3A_131, %mul3A_170 : i32
              %add3A_172 = arith.constant 48 : i32
              %add3A_173 = arith.addi %mul3A_171, %add3A_172 : i32
              %get3A_174 = arith.index_cast %add3A_173 : i32 to index
              %get3A_175 = tpu.vector_load %arg9[%get3A_174] {strides = array<i32>} : memref<656xi32, #tpu.memory_space<vmem>>, vector<16xi32>,
              %get3A_176 = arith.index_cast %rem3A_61 : i32 to index
              %get3A_177 = arith.index_cast %while3A_91 : i32 to index
              %get3A_178 = arith.index_cast %add3A_173 : i32 to index
              %get3A_179 = tpu.vector_load %arg8[%get3A_176, %get3A_177, %get3A_178] {strides = array<i32>} : memref<2x64x640xi32, #tpu.memory_space<vmem>>, vector<16xi32>,
              %or3A_180 = arith.ori %get3A_175, %get3A_179 : vector<16xi32>
              %swap3A_181 = arith.index_cast %add3A_173 : i32 to index
              %swap3A_182 = tpu.vector_load %arg9[%swap3A_181] {strides = array<i32>} : memref<656xi32, #tpu.memory_space<vmem>>, vector<16xi32>,
              tpu.vector_store %arg9[%swap3A_181], %or3A_180 {strides = array<i32>} : memref<656xi32, #tpu.memory_space<vmem>>, vector<16xi32>,
            }
            %while3A_130 = arith.constant 1 : i32
            scf.for %while3A_131 = %while3A_128 to %while3A_124 step %while3A_130  : i32 {
              %mul3A_132 = arith.constant 64 : i32
              %mul3A_133 = arith.muli %while3A_131, %mul3A_132 : i32
              %add3A_134 = arith.constant 0 : i32
              %add3A_135 = arith.addi %mul3A_133, %add3A_134 : i32
              %get3A_136 = arith.index_cast %add3A_135 : i32 to index
              %get3A_137 = tpu.vector_load %arg9[%get3A_136] {strides = array<i32>} : memref<656xi32, #tpu.memory_space<vmem>>, vector<16xi32>,
              %get3A_138 = arith.index_cast %rem3A_61 : i32 to index
              %get3A_139 = arith.index_cast %while3A_91 : i32 to index
              %get3A_140 = arith.index_cast %add3A_135 : i32 to index
              %get3A_141 = tpu.vector_load %arg8[%get3A_138, %get3A_139, %get3A_140] {strides = array<i32>} : memref<2x64x640xi32, #tpu.memory_space<vmem>>, vector<16xi32>,
              %or3A = arith.ori %get3A_137, %get3A_141 : vector<16xi32>
              %swap3A_142 = arith.index_cast %add3A_135 : i32 to index
              %swap3A_143 = tpu.vector_load %arg9[%swap3A_142] {strides = array<i32>} : memref<656xi32, #tpu.memory_space<vmem>>, vector<16xi32>,
              tpu.vector_store %arg9[%swap3A_142], %or3A {strides = array<i32>} : memref<656xi32, #tpu.memory_space<vmem>>, vector<16xi32>,
              %mul3A_144 = arith.constant 64 : i32
              %mul3A_145 = arith.muli %while3A_131, %mul3A_144 : i32
              %add3A_146 = arith.constant 16 : i32
              %add3A_147 = arith.addi %mul3A_145, %add3A_146 : i32
              %get3A_148 = arith.index_cast %add3A_147 : i32 to index
              %get3A_149 = tpu.vector_load %arg9[%get3A_148] {strides = array<i32>} : memref<656xi32, #tpu.memory_space<vmem>>, vector<16xi32>,
              %get3A_150 = arith.index_cast %rem3A_61 : i32 to index
              %get3A_151 = arith.index_cast %while3A_91 : i32 to index
              %get3A_152 = arith.index_cast %add3A_147 : i32 to index
              %get3A_153 = tpu.vector_load %arg8[%get3A_150, %get3A_151, %get3A_152] {strides = array<i32>} : memref<2x64x640xi32, #tpu.memory_space<vmem>>, vector<16xi32>,
              %or3A_154 = arith.ori %get3A_149, %get3A_153 : vector<16xi32>
              %swap3A_155 = arith.index_cast %add3A_147 : i32 to index
              %swap3A_156 = tpu.vector_load %arg9[%swap3A_155] {strides = array<i32>} : memref<656xi32, #tpu.memory_space<vmem>>, vector<16xi32>,
              tpu.vector_store %arg9[%swap3A_155], %or3A_154 {strides = array<i32>} : memref<656xi32, #tpu.memory_space<vmem>>, vector<16xi32>,
              %mul3A_157 = arith.constant 64 : i32
              %mul3A_158 = arith.muli %while3A_131, %mul3A_157 : i32
              %add3A_159 = arith.constant 32 : i32
              %add3A_160 = arith.addi %mul3A_158, %add3A_159 : i32
              %get3A_161 = arith.index_cast %add3A_160 : i32 to index
              %get3A_162 = tpu.vector_load %arg9[%get3A_161] {strides = array<i32>} : memref<656xi32, #tpu.memory_space<vmem>>, vector<16xi32>,
              %get3A_163 = arith.index_cast %rem3A_61 : i32 to index
              %get3A_164 = arith.index_cast %while3A_91 : i32 to index
              %get3A_165 = arith.index_cast %add3A_160 : i32 to index
              %get3A_166 = tpu.vector_load %arg8[%get3A_163, %get3A_164, %get3A_165] {strides = array<i32>} : memref<2x64x640xi32, #tpu.memory_space<vmem>>, vector<16xi32>,
              %or3A_167 = arith.ori %get3A_162, %get3A_166 : vector<16xi32>
              %swap3A_168 = arith.index_cast %add3A_160 : i32 to index
              %swap3A_169 = tpu.vector_load %arg9[%swap3A_168] {strides = array<i32>} : memref<656xi32, #tpu.memory_space<vmem>>, vector<16xi32>,
              tpu.vector_store %arg9[%swap3A_168], %or3A_167 {strides = array<i32>} : memref<656xi32, #tpu.memory_space<vmem>>, vector<16xi32>,
              %mul3A_170 = arith.constant 64 : i32
              %mul3A_171 = arith.muli %while3A_131, %mul3A_170 : i32
              %add3A_172 = arith.constant 48 : i32
              %add3A_173 = arith.addi %mul3A_171, %add3A_172 : i32
              %get3A_174 = arith.index_cast %add3A_173 : i32 to index
              %get3A_175 = tpu.vector_load %arg9[%get3A_174] {strides = array<i32>} : memref<656xi32, #tpu.memory_space<vmem>>, vector<16xi32>,
              %get3A_176 = arith.index_cast %rem3A_61 : i32 to index
              %get3A_177 = arith.index_cast %while3A_91 : i32 to index
              %get3A_178 = arith.index_cast %add3A_173 : i32 to index
              %get3A_179 = tpu.vector_load %arg8[%get3A_176, %get3A_177, %get3A_178] {strides = array<i32>} : memref<2x64x640xi32, #tpu.memory_space<vmem>>, vector<16xi32>,
              %or3A_180 = arith.ori %get3A_175, %get3A_179 : vector<16xi32>
              %swap3A_181 = arith.index_cast %add3A_173 : i32 to index
              %swap3A_182 = tpu.vector_load %arg9[%swap3A_181] {strides = array<i32>} : memref<656xi32, #tpu.memory_space<vmem>>, vector<16xi32>,
              tpu.vector_store %arg9[%swap3A_181], %or3A_180 {strides = array<i32>} : memref<656xi32, #tpu.memory_space<vmem>>, vector<16xi32>,
            }
          } else {
          }
        }
      }
      %while3A_58 = arith.constant 1 : i32
      scf.for %while3A_59 = %while3A_56 to %while3A_52 step %while3A_58  : i32 {
        %rem3A_60 = arith.constant 2 : i32
        %rem3A_61 = arith.remsi %while3A_59, %rem3A_60 : i32
        %add3A_62 = arith.constant 1 : i32
        %add3A_63 = arith.addi %while3A_59, %add3A_62 : i32
        %lt3A = arith.cmpi slt, %add3A_63, %select_n3A : i32
        %convert_element_type3A_64 = arith.extui %lt3A : i1 to i32
        %cond3A_65 = arith.constant 0 : i32
        %cond3A_66 = arith.cmpi ne, %convert_element_type3A_64, %cond3A_65 : i32
        scf.if %cond3A_66 {
          %add3A_91 = arith.constant 1 : i32
          %add3A_92 = arith.addi %while3A_59, %add3A_91 : i32
          %sub3A_93 = arith.constant 1 : i32
          %sub3A_94 = arith.subi %sub3A_93, %rem3A_61 : i32
          %mul3A_95 = arith.constant 64 : i32
          %mul3A_96 = arith.muli %add3A_92, %mul3A_95 : i32
          %add3A_97 = arith.constant 0 : i32
          %add3A_98 = arith.addi %mul3A_96, %add3A_97 : i32
          %get3A = arith.index_cast %add3A_98 : i32 to index
          %get3A_99 = tpu.vector_load %arg5[%get3A] {strides = array<i32>} : memref<20512xi32, #tpu.memory_space<vmem>>, vector<16xi32>,
          %swap3A_100 = arith.index_cast %sub3A_94 : i32 to index
          %swap3A_101 = arith.constant 0 : index
          %swap3A_102 = tpu.vector_load %arg7[%swap3A_100, %swap3A_101] {strides = array<i32>} : memref<2x64xi32, #tpu.memory_space<vmem>>, vector<16xi32>,
          tpu.vector_store %arg7[%swap3A_100, %swap3A_101], %get3A_99 {strides = array<i32>} : memref<2x64xi32, #tpu.memory_space<vmem>>, vector<16xi32>,
          %mul3A_103 = arith.constant 64 : i32
          %mul3A_104 = arith.muli %add3A_92, %mul3A_103 : i32
          %add3A_105 = arith.constant 16 : i32
          %add3A_106 = arith.addi %mul3A_104, %add3A_105 : i32
          %get3A_107 = arith.index_cast %add3A_106 : i32 to index
          %get3A_108 = tpu.vector_load %arg5[%get3A_107] {strides = array<i32>} : memref<20512xi32, #tpu.memory_space<vmem>>, vector<16xi32>,
          %swap3A_109 = arith.index_cast %sub3A_94 : i32 to index
          %swap3A_110 = arith.constant 16 : index
          %swap3A_111 = tpu.vector_load %arg7[%swap3A_109, %swap3A_110] {strides = array<i32>} : memref<2x64xi32, #tpu.memory_space<vmem>>, vector<16xi32>,
          tpu.vector_store %arg7[%swap3A_109, %swap3A_110], %get3A_108 {strides = array<i32>} : memref<2x64xi32, #tpu.memory_space<vmem>>, vector<16xi32>,
          %mul3A_112 = arith.constant 64 : i32
          %mul3A_113 = arith.muli %add3A_92, %mul3A_112 : i32
          %add3A_114 = arith.constant 32 : i32
          %add3A_115 = arith.addi %mul3A_113, %add3A_114 : i32
          %get3A_116 = arith.index_cast %add3A_115 : i32 to index
          %get3A_117 = tpu.vector_load %arg5[%get3A_116] {strides = array<i32>} : memref<20512xi32, #tpu.memory_space<vmem>>, vector<16xi32>,
          %swap3A_118 = arith.index_cast %sub3A_94 : i32 to index
          %swap3A_119 = arith.constant 32 : index
          %swap3A_120 = tpu.vector_load %arg7[%swap3A_118, %swap3A_119] {strides = array<i32>} : memref<2x64xi32, #tpu.memory_space<vmem>>, vector<16xi32>,
          tpu.vector_store %arg7[%swap3A_118, %swap3A_119], %get3A_117 {strides = array<i32>} : memref<2x64xi32, #tpu.memory_space<vmem>>, vector<16xi32>,
          %mul3A_121 = arith.constant 64 : i32
          %mul3A_122 = arith.muli %add3A_92, %mul3A_121 : i32
          %add3A_123 = arith.constant 48 : i32
          %add3A_124 = arith.addi %mul3A_122, %add3A_123 : i32
          %get3A_125 = arith.index_cast %add3A_124 : i32 to index
          %get3A_126 = tpu.vector_load %arg5[%get3A_125] {strides = array<i32>} : memref<20512xi32, #tpu.memory_space<vmem>>, vector<16xi32>,
          %swap3A_127 = arith.index_cast %sub3A_94 : i32 to index
          %swap3A_128 = arith.constant 48 : index
          %swap3A_129 = tpu.vector_load %arg7[%swap3A_127, %swap3A_128] {strides = array<i32>} : memref<2x64xi32, #tpu.memory_space<vmem>>, vector<16xi32>,
          tpu.vector_store %arg7[%swap3A_127, %swap3A_128], %get3A_126 {strides = array<i32>} : memref<2x64xi32, #tpu.memory_space<vmem>>, vector<16xi32>,
          %dma_start3A = arith.constant 0 : i32
          %dma_start3A_130 = arith.constant 0 : i32
          %dma_start3A_131 = tpu.memref_slice %arg8[%sub3A_94, %dma_start3A, %dma_start3A_130] : memref<2x64x640xi32, #tpu.memory_space<vmem>> -> memref<1x64x640xi32, #tpu.memory_space<vmem>>
          %dma_start3A_132 = tpu.memref_squeeze %dma_start3A_131 : memref<1x64x640xi32, #tpu.memory_space<vmem>> -> memref<64x640xi32, #tpu.memory_space<vmem>>
          %dma_start3A_133 = arith.constant 0 : i32
          %dma_start3A_134 = tpu.memref_slice %arg7[%sub3A_94, %dma_start3A_133] : memref<2x64xi32, #tpu.memory_space<vmem>> -> memref<1x64xi32, #tpu.memory_space<vmem>>
          %dma_start3A_135 = tpu.memref_squeeze %dma_start3A_134 : memref<1x64xi32, #tpu.memory_space<vmem>> -> memref<64xi32, #tpu.memory_space<vmem>>
          %dma_start3A_136 = arith.constant 0 : i32
          %dma_start3A_137 = arith.constant 0 : i32
          %dma_start3A_138 = tpu.memref_slice %arg2[%dma_start3A_136, %dma_start3A_137] : memref<20480x640xi32, #tpu.memory_space<hbm>> -> memref<20480x640xi32, #tpu.memory_space<hbm>>
          %dma_start3A_139 = tpu.memref_slice %arg10[%sub3A_94] : memref<2x!tpu.dma_semaphore, #tpu.memory_space<semaphore_mem>> -> memref<1x!tpu.dma_semaphore, #tpu.memory_space<semaphore_mem>>
          %dma_start3A_140 = tpu.memref_squeeze %dma_start3A_139 : memref<1x!tpu.dma_semaphore, #tpu.memory_space<semaphore_mem>> -> memref<!tpu.dma_semaphore, #tpu.memory_space<semaphore_mem>>
          tpu.enqueue_indirect_dma source(%dma_start3A_138 : memref<20480x640xi32, #tpu.memory_space<hbm>>) target(%dma_start3A_132 : memref<64x640xi32, #tpu.memory_space<vmem>>) offsets(%dma_start3A_135 : memref<64xi32, #tpu.memory_space<vmem>>) semaphore(%dma_start3A_140 : memref<!tpu.dma_semaphore, #tpu.memory_space<semaphore_mem>>)
        } else {
        }
        %dma_wait3A = arith.constant 0 : i32
        %dma_wait3A_67 = arith.constant 0 : i32
        %dma_wait3A_68 = tpu.memref_slice %arg8[%rem3A_61, %dma_wait3A, %dma_wait3A_67] : memref<2x64x640xi32, #tpu.memory_space<vmem>> -> memref<1x64x640xi32, #tpu.memory_space<vmem>>
        %dma_wait3A_69 = tpu.memref_squeeze %dma_wait3A_68 : memref<1x64x640xi32, #tpu.memory_space<vmem>> -> memref<64x640xi32, #tpu.memory_space<vmem>>
        %dma_wait3A_70 = arith.constant 0 : i32
        %dma_wait3A_71 = tpu.memref_slice %arg7[%rem3A_61, %dma_wait3A_70] : memref<2x64xi32, #tpu.memory_space<vmem>> -> memref<1x64xi32, #tpu.memory_space<vmem>>
        %dma_wait3A_72 = tpu.memref_squeeze %dma_wait3A_71 : memref<1x64xi32, #tpu.memory_space<vmem>> -> memref<64xi32, #tpu.memory_space<vmem>>
        %dma_wait3A_73 = arith.constant 0 : i32
        %dma_wait3A_74 = arith.constant 0 : i32
        %dma_wait3A_75 = tpu.memref_slice %arg2[%dma_wait3A_73, %dma_wait3A_74] : memref<20480x640xi32, #tpu.memory_space<hbm>> -> memref<20480x640xi32, #tpu.memory_space<hbm>>
        %dma_wait3A_76 = tpu.memref_slice %arg10[%rem3A_61] : memref<2x!tpu.dma_semaphore, #tpu.memory_space<semaphore_mem>> -> memref<1x!tpu.dma_semaphore, #tpu.memory_space<semaphore_mem>>
        %dma_wait3A_77 = tpu.memref_squeeze %dma_wait3A_76 : memref<1x!tpu.dma_semaphore, #tpu.memory_space<semaphore_mem>> -> memref<!tpu.dma_semaphore, #tpu.memory_space<semaphore_mem>>
        tpu.wait_indirect_dma semaphore(%dma_wait3A_77 : memref<!tpu.dma_semaphore, #tpu.memory_space<semaphore_mem>>) src(%dma_wait3A_75 : memref<20480x640xi32, #tpu.memory_space<hbm>>) dst(%dma_wait3A_69 : memref<64x640xi32, #tpu.memory_space<vmem>>)
        %mul3A = arith.constant 64 : i32
        %mul3A_78 = arith.muli %while3A_59, %mul3A : i32
        %sub3A_79 = arith.subi %scan3A_15, %mul3A_78 : i32
        %min3A = arith.constant 64 : i32
        %min3A_80 = arith.minsi %min3A, %sub3A_79 : i32
        %while3A_81 = arith.constant 0 : i32
        %while3A_82 = arith.constant 0 : i32
        %while3A_83 = arith.subi %min3A_80, %while3A_82 : i32
        %while3A_84 = arith.addi %while3A_82, %while3A_83 : i32
        %while3A_85 = arith.constant 1 : i32
        %while3A_86 = arith.divsi %while3A_83, %while3A_85 : i32
        %while3A_87 = arith.muli %while3A_86, %while3A_85 : i32
        %while3A_88 = arith.addi %while3A_82, %while3A_87 : i32
        %while3A_89 = arith.constant 1 : i32
        scf.for %while3A_91 = %while3A_82 to %while3A_88 step %while3A_89  : i32 {
          %mul3A_92 = arith.constant 64 : i32
          %mul3A_93 = arith.muli %while3A_59, %mul3A_92 : i32
          %add3A_94 = arith.addi %mul3A_93, %while3A_91 : i32
          %get3A = arith.index_cast %add3A_94 : i32 to index
          %get3A_95 = tpu.vector_load %arg5[%get3A] {strides = array<i32>} : memref<20512xi32, #tpu.memory_space<vmem>>, vector<16xi32>,
          %slice3A = vector.extract_strided_slice %get3A_95 {offsets = [0], sizes = [1], strides = [1]} : vector<16xi32> to vector<1xi32>
          %squeeze3A = vector.extract %slice3A[0] : i32 from vector<1xi32>
          %shift_right_arithmetic3A = arith.constant 12 : i32
          %shift_right_arithmetic3A_96 = arith.shrsi %squeeze3A, %shift_right_arithmetic3A : i32
          %mul3A_97 = arith.constant 128 : i32
          %mul3A_98 = arith.muli %shift_right_arithmetic3A_96, %mul3A_97 : i32
          %and3A_99 = arith.constant 127 : i32
          %and3A_100 = arith.andi %squeeze3A, %and3A_99 : i32
          %add3A_101 = arith.addi %mul3A_98, %and3A_100 : i32
          %and3A_102 = arith.constant 4095 : i32
          %and3A_103 = arith.andi %squeeze3A, %and3A_102 : i32
          %shift_right_arithmetic3A_104 = arith.constant 7 : i32
          %shift_right_arithmetic3A_105 = arith.shrsi %and3A_103, %shift_right_arithmetic3A_104 : i32
          %get3A_106 = arith.index_cast %add3A_101 : i32 to index
          %get3A_107 = tpu.vector_load %arg9[%get3A_106] {strides = array<i32>} : memref<656xi32, #tpu.memory_space<vmem>>, vector<16xi32>,
          %slice3A_108 = vector.extract_strided_slice %get3A_107 {offsets = [0], sizes = [1], strides = [1]} : vector<16xi32> to vector<1xi32>
          %squeeze3A_109 = vector.extract %slice3A_108[0] : i32 from vector<1xi32>
          %shift_right_logical3A = arith.shrui %squeeze3A_109, %shift_right_arithmetic3A_105 : i32
          %and3A_110 = arith.constant 1 : i32
          %and3A_111 = arith.andi %shift_right_logical3A, %and3A_110 : i32
          %eq3A_112 = arith.constant 0 : i32
          %eq3A_113 = arith.cmpi eq, %and3A_111, %eq3A_112 : i32
          %convert_element_type3A_114 = arith.extui %eq3A_113 : i1 to i32
          %cond3A_115 = arith.constant 0 : i32
          %cond3A_116 = arith.cmpi ne, %convert_element_type3A_114, %cond3A_115 : i32
          scf.if %cond3A_116 {
            %shift_right_arithmetic3A_117 = arith.constant 12 : i32
            %shift_right_arithmetic3A_118 = arith.shrsi %squeeze3A, %shift_right_arithmetic3A_117 : i32
            %mul3A_119 = arith.constant 2 : i32
            %mul3A_120 = arith.muli %shift_right_arithmetic3A_118, %mul3A_119 : i32
            %while3A_121 = arith.constant 0 : i32
            %while3A_122 = arith.constant 10 : i32
            %while3A_123 = arith.subi %while3A_122, %mul3A_120 : i32
            %while3A_124 = arith.addi %mul3A_120, %while3A_123 : i32
            %while3A_125 = arith.constant 1 : i32
            %while3A_126 = arith.divsi %while3A_123, %while3A_125 : i32
            %while3A_127 = arith.muli %while3A_126, %while3A_125 : i32
            %while3A_128 = arith.addi %mul3A_120, %while3A_127 : i32
            %while3A_129 = arith.constant 1 : i32
            scf.for %while3A_131 = %mul3A_120 to %while3A_128 step %while3A_129  : i32 {
              %mul3A_132 = arith.constant 64 : i32
              %mul3A_133 = arith.muli %while3A_131, %mul3A_132 : i32
              %add3A_134 = arith.constant 0 : i32
              %add3A_135 = arith.addi %mul3A_133, %add3A_134 : i32
              %get3A_136 = arith.index_cast %add3A_135 : i32 to index
              %get3A_137 = tpu.vector_load %arg9[%get3A_136] {strides = array<i32>} : memref<656xi32, #tpu.memory_space<vmem>>, vector<16xi32>,
              %get3A_138 = arith.index_cast %rem3A_61 : i32 to index
              %get3A_139 = arith.index_cast %while3A_91 : i32 to index
              %get3A_140 = arith.index_cast %add3A_135 : i32 to index
              %get3A_141 = tpu.vector_load %arg8[%get3A_138, %get3A_139, %get3A_140] {strides = array<i32>} : memref<2x64x640xi32, #tpu.memory_space<vmem>>, vector<16xi32>,
              %or3A = arith.ori %get3A_137, %get3A_141 : vector<16xi32>
              %swap3A_142 = arith.index_cast %add3A_135 : i32 to index
              %swap3A_143 = tpu.vector_load %arg9[%swap3A_142] {strides = array<i32>} : memref<656xi32, #tpu.memory_space<vmem>>, vector<16xi32>,
              tpu.vector_store %arg9[%swap3A_142], %or3A {strides = array<i32>} : memref<656xi32, #tpu.memory_space<vmem>>, vector<16xi32>,
              %mul3A_144 = arith.constant 64 : i32
              %mul3A_145 = arith.muli %while3A_131, %mul3A_144 : i32
              %add3A_146 = arith.constant 16 : i32
              %add3A_147 = arith.addi %mul3A_145, %add3A_146 : i32
              %get3A_148 = arith.index_cast %add3A_147 : i32 to index
              %get3A_149 = tpu.vector_load %arg9[%get3A_148] {strides = array<i32>} : memref<656xi32, #tpu.memory_space<vmem>>, vector<16xi32>,
              %get3A_150 = arith.index_cast %rem3A_61 : i32 to index
              %get3A_151 = arith.index_cast %while3A_91 : i32 to index
              %get3A_152 = arith.index_cast %add3A_147 : i32 to index
              %get3A_153 = tpu.vector_load %arg8[%get3A_150, %get3A_151, %get3A_152] {strides = array<i32>} : memref<2x64x640xi32, #tpu.memory_space<vmem>>, vector<16xi32>,
              %or3A_154 = arith.ori %get3A_149, %get3A_153 : vector<16xi32>
              %swap3A_155 = arith.index_cast %add3A_147 : i32 to index
              %swap3A_156 = tpu.vector_load %arg9[%swap3A_155] {strides = array<i32>} : memref<656xi32, #tpu.memory_space<vmem>>, vector<16xi32>,
              tpu.vector_store %arg9[%swap3A_155], %or3A_154 {strides = array<i32>} : memref<656xi32, #tpu.memory_space<vmem>>, vector<16xi32>,
              %mul3A_157 = arith.constant 64 : i32
              %mul3A_158 = arith.muli %while3A_131, %mul3A_157 : i32
              %add3A_159 = arith.constant 32 : i32
              %add3A_160 = arith.addi %mul3A_158, %add3A_159 : i32
              %get3A_161 = arith.index_cast %add3A_160 : i32 to index
              %get3A_162 = tpu.vector_load %arg9[%get3A_161] {strides = array<i32>} : memref<656xi32, #tpu.memory_space<vmem>>, vector<16xi32>,
              %get3A_163 = arith.index_cast %rem3A_61 : i32 to index
              %get3A_164 = arith.index_cast %while3A_91 : i32 to index
              %get3A_165 = arith.index_cast %add3A_160 : i32 to index
              %get3A_166 = tpu.vector_load %arg8[%get3A_163, %get3A_164, %get3A_165] {strides = array<i32>} : memref<2x64x640xi32, #tpu.memory_space<vmem>>, vector<16xi32>,
              %or3A_167 = arith.ori %get3A_162, %get3A_166 : vector<16xi32>
              %swap3A_168 = arith.index_cast %add3A_160 : i32 to index
              %swap3A_169 = tpu.vector_load %arg9[%swap3A_168] {strides = array<i32>} : memref<656xi32, #tpu.memory_space<vmem>>, vector<16xi32>,
              tpu.vector_store %arg9[%swap3A_168], %or3A_167 {strides = array<i32>} : memref<656xi32, #tpu.memory_space<vmem>>, vector<16xi32>,
              %mul3A_170 = arith.constant 64 : i32
              %mul3A_171 = arith.muli %while3A_131, %mul3A_170 : i32
              %add3A_172 = arith.constant 48 : i32
              %add3A_173 = arith.addi %mul3A_171, %add3A_172 : i32
              %get3A_174 = arith.index_cast %add3A_173 : i32 to index
              %get3A_175 = tpu.vector_load %arg9[%get3A_174] {strides = array<i32>} : memref<656xi32, #tpu.memory_space<vmem>>, vector<16xi32>,
              %get3A_176 = arith.index_cast %rem3A_61 : i32 to index
              %get3A_177 = arith.index_cast %while3A_91 : i32 to index
              %get3A_178 = arith.index_cast %add3A_173 : i32 to index
              %get3A_179 = tpu.vector_load %arg8[%get3A_176, %get3A_177, %get3A_178] {strides = array<i32>} : memref<2x64x640xi32, #tpu.memory_space<vmem>>, vector<16xi32>,
              %or3A_180 = arith.ori %get3A_175, %get3A_179 : vector<16xi32>
              %swap3A_181 = arith.index_cast %add3A_173 : i32 to index
              %swap3A_182 = tpu.vector_load %arg9[%swap3A_181] {strides = array<i32>} : memref<656xi32, #tpu.memory_space<vmem>>, vector<16xi32>,
              tpu.vector_store %arg9[%swap3A_181], %or3A_180 {strides = array<i32>} : memref<656xi32, #tpu.memory_space<vmem>>, vector<16xi32>,
            }
            %while3A_130 = arith.constant 1 : i32
            scf.for %while3A_131 = %while3A_128 to %while3A_124 step %while3A_130  : i32 {
              %mul3A_132 = arith.constant 64 : i32
              %mul3A_133 = arith.muli %while3A_131, %mul3A_132 : i32
              %add3A_134 = arith.constant 0 : i32
              %add3A_135 = arith.addi %mul3A_133, %add3A_134 : i32
              %get3A_136 = arith.index_cast %add3A_135 : i32 to index
              %get3A_137 = tpu.vector_load %arg9[%get3A_136] {strides = array<i32>} : memref<656xi32, #tpu.memory_space<vmem>>, vector<16xi32>,
              %get3A_138 = arith.index_cast %rem3A_61 : i32 to index
              %get3A_139 = arith.index_cast %while3A_91 : i32 to index
              %get3A_140 = arith.index_cast %add3A_135 : i32 to index
              %get3A_141 = tpu.vector_load %arg8[%get3A_138, %get3A_139, %get3A_140] {strides = array<i32>} : memref<2x64x640xi32, #tpu.memory_space<vmem>>, vector<16xi32>,
              %or3A = arith.ori %get3A_137, %get3A_141 : vector<16xi32>
              %swap3A_142 = arith.index_cast %add3A_135 : i32 to index
              %swap3A_143 = tpu.vector_load %arg9[%swap3A_142] {strides = array<i32>} : memref<656xi32, #tpu.memory_space<vmem>>, vector<16xi32>,
              tpu.vector_store %arg9[%swap3A_142], %or3A {strides = array<i32>} : memref<656xi32, #tpu.memory_space<vmem>>, vector<16xi32>,
              %mul3A_144 = arith.constant 64 : i32
              %mul3A_145 = arith.muli %while3A_131, %mul3A_144 : i32
              %add3A_146 = arith.constant 16 : i32
              %add3A_147 = arith.addi %mul3A_145, %add3A_146 : i32
              %get3A_148 = arith.index_cast %add3A_147 : i32 to index
              %get3A_149 = tpu.vector_load %arg9[%get3A_148] {strides = array<i32>} : memref<656xi32, #tpu.memory_space<vmem>>, vector<16xi32>,
              %get3A_150 = arith.index_cast %rem3A_61 : i32 to index
              %get3A_151 = arith.index_cast %while3A_91 : i32 to index
              %get3A_152 = arith.index_cast %add3A_147 : i32 to index
              %get3A_153 = tpu.vector_load %arg8[%get3A_150, %get3A_151, %get3A_152] {strides = array<i32>} : memref<2x64x640xi32, #tpu.memory_space<vmem>>, vector<16xi32>,
              %or3A_154 = arith.ori %get3A_149, %get3A_153 : vector<16xi32>
              %swap3A_155 = arith.index_cast %add3A_147 : i32 to index
              %swap3A_156 = tpu.vector_load %arg9[%swap3A_155] {strides = array<i32>} : memref<656xi32, #tpu.memory_space<vmem>>, vector<16xi32>,
              tpu.vector_store %arg9[%swap3A_155], %or3A_154 {strides = array<i32>} : memref<656xi32, #tpu.memory_space<vmem>>, vector<16xi32>,
              %mul3A_157 = arith.constant 64 : i32
              %mul3A_158 = arith.muli %while3A_131, %mul3A_157 : i32
              %add3A_159 = arith.constant 32 : i32
              %add3A_160 = arith.addi %mul3A_158, %add3A_159 : i32
              %get3A_161 = arith.index_cast %add3A_160 : i32 to index
              %get3A_162 = tpu.vector_load %arg9[%get3A_161] {strides = array<i32>} : memref<656xi32, #tpu.memory_space<vmem>>, vector<16xi32>,
              %get3A_163 = arith.index_cast %rem3A_61 : i32 to index
              %get3A_164 = arith.index_cast %while3A_91 : i32 to index
              %get3A_165 = arith.index_cast %add3A_160 : i32 to index
              %get3A_166 = tpu.vector_load %arg8[%get3A_163, %get3A_164, %get3A_165] {strides = array<i32>} : memref<2x64x640xi32, #tpu.memory_space<vmem>>, vector<16xi32>,
              %or3A_167 = arith.ori %get3A_162, %get3A_166 : vector<16xi32>
              %swap3A_168 = arith.index_cast %add3A_160 : i32 to index
              %swap3A_169 = tpu.vector_load %arg9[%swap3A_168] {strides = array<i32>} : memref<656xi32, #tpu.memory_space<vmem>>, vector<16xi32>,
              tpu.vector_store %arg9[%swap3A_168], %or3A_167 {strides = array<i32>} : memref<656xi32, #tpu.memory_space<vmem>>, vector<16xi32>,
              %mul3A_170 = arith.constant 64 : i32
              %mul3A_171 = arith.muli %while3A_131, %mul3A_170 : i32
              %add3A_172 = arith.constant 48 : i32
              %add3A_173 = arith.addi %mul3A_171, %add3A_172 : i32
              %get3A_174 = arith.index_cast %add3A_173 : i32 to index
              %get3A_175 = tpu.vector_load %arg9[%get3A_174] {strides = array<i32>} : memref<656xi32, #tpu.memory_space<vmem>>, vector<16xi32>,
              %get3A_176 = arith.index_cast %rem3A_61 : i32 to index
              %get3A_177 = arith.index_cast %while3A_91 : i32 to index
              %get3A_178 = arith.index_cast %add3A_173 : i32 to index
              %get3A_179 = tpu.vector_load %arg8[%get3A_176, %get3A_177, %get3A_178] {strides = array<i32>} : memref<2x64x640xi32, #tpu.memory_space<vmem>>, vector<16xi32>,
              %or3A_180 = arith.ori %get3A_175, %get3A_179 : vector<16xi32>
              %swap3A_181 = arith.index_cast %add3A_173 : i32 to index
              %swap3A_182 = tpu.vector_load %arg9[%swap3A_181] {strides = array<i32>} : memref<656xi32, #tpu.memory_space<vmem>>, vector<16xi32>,
              tpu.vector_store %arg9[%swap3A_181], %or3A_180 {strides = array<i32>} : memref<656xi32, #tpu.memory_space<vmem>>, vector<16xi32>,
            }
          } else {
          }
        }
        %while3A_90 = arith.constant 1 : i32
        scf.for %while3A_91 = %while3A_88 to %while3A_84 step %while3A_90  : i32 {
          %mul3A_92 = arith.constant 64 : i32
          %mul3A_93 = arith.muli %while3A_59, %mul3A_92 : i32
          %add3A_94 = arith.addi %mul3A_93, %while3A_91 : i32
          %get3A = arith.index_cast %add3A_94 : i32 to index
          %get3A_95 = tpu.vector_load %arg5[%get3A] {strides = array<i32>} : memref<20512xi32, #tpu.memory_space<vmem>>, vector<16xi32>,
          %slice3A = vector.extract_strided_slice %get3A_95 {offsets = [0], sizes = [1], strides = [1]} : vector<16xi32> to vector<1xi32>
          %squeeze3A = vector.extract %slice3A[0] : i32 from vector<1xi32>
          %shift_right_arithmetic3A = arith.constant 12 : i32
          %shift_right_arithmetic3A_96 = arith.shrsi %squeeze3A, %shift_right_arithmetic3A : i32
          %mul3A_97 = arith.constant 128 : i32
          %mul3A_98 = arith.muli %shift_right_arithmetic3A_96, %mul3A_97 : i32
          %and3A_99 = arith.constant 127 : i32
          %and3A_100 = arith.andi %squeeze3A, %and3A_99 : i32
          %add3A_101 = arith.addi %mul3A_98, %and3A_100 : i32
          %and3A_102 = arith.constant 4095 : i32
          %and3A_103 = arith.andi %squeeze3A, %and3A_102 : i32
          %shift_right_arithmetic3A_104 = arith.constant 7 : i32
          %shift_right_arithmetic3A_105 = arith.shrsi %and3A_103, %shift_right_arithmetic3A_104 : i32
          %get3A_106 = arith.index_cast %add3A_101 : i32 to index
          %get3A_107 = tpu.vector_load %arg9[%get3A_106] {strides = array<i32>} : memref<656xi32, #tpu.memory_space<vmem>>, vector<16xi32>,
          %slice3A_108 = vector.extract_strided_slice %get3A_107 {offsets = [0], sizes = [1], strides = [1]} : vector<16xi32> to vector<1xi32>
          %squeeze3A_109 = vector.extract %slice3A_108[0] : i32 from vector<1xi32>
          %shift_right_logical3A = arith.shrui %squeeze3A_109, %shift_right_arithmetic3A_105 : i32
          %and3A_110 = arith.constant 1 : i32
          %and3A_111 = arith.andi %shift_right_logical3A, %and3A_110 : i32
          %eq3A_112 = arith.constant 0 : i32
          %eq3A_113 = arith.cmpi eq, %and3A_111, %eq3A_112 : i32
          %convert_element_type3A_114 = arith.extui %eq3A_113 : i1 to i32
          %cond3A_115 = arith.constant 0 : i32
          %cond3A_116 = arith.cmpi ne, %convert_element_type3A_114, %cond3A_115 : i32
          scf.if %cond3A_116 {
            %shift_right_arithmetic3A_117 = arith.constant 12 : i32
            %shift_right_arithmetic3A_118 = arith.shrsi %squeeze3A, %shift_right_arithmetic3A_117 : i32
            %mul3A_119 = arith.constant 2 : i32
            %mul3A_120 = arith.muli %shift_right_arithmetic3A_118, %mul3A_119 : i32
            %while3A_121 = arith.constant 0 : i32
            %while3A_122 = arith.constant 10 : i32
            %while3A_123 = arith.subi %while3A_122, %mul3A_120 : i32
            %while3A_124 = arith.addi %mul3A_120, %while3A_123 : i32
            %while3A_125 = arith.constant 1 : i32
            %while3A_126 = arith.divsi %while3A_123, %while3A_125 : i32
            %while3A_127 = arith.muli %while3A_126, %while3A_125 : i32
            %while3A_128 = arith.addi %mul3A_120, %while3A_127 : i32
            %while3A_129 = arith.constant 1 : i32
            scf.for %while3A_131 = %mul3A_120 to %while3A_128 step %while3A_129  : i32 {
              %mul3A_132 = arith.constant 64 : i32
              %mul3A_133 = arith.muli %while3A_131, %mul3A_132 : i32
              %add3A_134 = arith.constant 0 : i32
              %add3A_135 = arith.addi %mul3A_133, %add3A_134 : i32
              %get3A_136 = arith.index_cast %add3A_135 : i32 to index
              %get3A_137 = tpu.vector_load %arg9[%get3A_136] {strides = array<i32>} : memref<656xi32, #tpu.memory_space<vmem>>, vector<16xi32>,
              %get3A_138 = arith.index_cast %rem3A_61 : i32 to index
              %get3A_139 = arith.index_cast %while3A_91 : i32 to index
              %get3A_140 = arith.index_cast %add3A_135 : i32 to index
              %get3A_141 = tpu.vector_load %arg8[%get3A_138, %get3A_139, %get3A_140] {strides = array<i32>} : memref<2x64x640xi32, #tpu.memory_space<vmem>>, vector<16xi32>,
              %or3A = arith.ori %get3A_137, %get3A_141 : vector<16xi32>
              %swap3A_142 = arith.index_cast %add3A_135 : i32 to index
              %swap3A_143 = tpu.vector_load %arg9[%swap3A_142] {strides = array<i32>} : memref<656xi32, #tpu.memory_space<vmem>>, vector<16xi32>,
              tpu.vector_store %arg9[%swap3A_142], %or3A {strides = array<i32>} : memref<656xi32, #tpu.memory_space<vmem>>, vector<16xi32>,
              %mul3A_144 = arith.constant 64 : i32
              %mul3A_145 = arith.muli %while3A_131, %mul3A_144 : i32
              %add3A_146 = arith.constant 16 : i32
              %add3A_147 = arith.addi %mul3A_145, %add3A_146 : i32
              %get3A_148 = arith.index_cast %add3A_147 : i32 to index
              %get3A_149 = tpu.vector_load %arg9[%get3A_148] {strides = array<i32>} : memref<656xi32, #tpu.memory_space<vmem>>, vector<16xi32>,
              %get3A_150 = arith.index_cast %rem3A_61 : i32 to index
              %get3A_151 = arith.index_cast %while3A_91 : i32 to index
              %get3A_152 = arith.index_cast %add3A_147 : i32 to index
              %get3A_153 = tpu.vector_load %arg8[%get3A_150, %get3A_151, %get3A_152] {strides = array<i32>} : memref<2x64x640xi32, #tpu.memory_space<vmem>>, vector<16xi32>,
              %or3A_154 = arith.ori %get3A_149, %get3A_153 : vector<16xi32>
              %swap3A_155 = arith.index_cast %add3A_147 : i32 to index
              %swap3A_156 = tpu.vector_load %arg9[%swap3A_155] {strides = array<i32>} : memref<656xi32, #tpu.memory_space<vmem>>, vector<16xi32>,
              tpu.vector_store %arg9[%swap3A_155], %or3A_154 {strides = array<i32>} : memref<656xi32, #tpu.memory_space<vmem>>, vector<16xi32>,
              %mul3A_157 = arith.constant 64 : i32
              %mul3A_158 = arith.muli %while3A_131, %mul3A_157 : i32
              %add3A_159 = arith.constant 32 : i32
              %add3A_160 = arith.addi %mul3A_158, %add3A_159 : i32
              %get3A_161 = arith.index_cast %add3A_160 : i32 to index
              %get3A_162 = tpu.vector_load %arg9[%get3A_161] {strides = array<i32>} : memref<656xi32, #tpu.memory_space<vmem>>, vector<16xi32>,
              %get3A_163 = arith.index_cast %rem3A_61 : i32 to index
              %get3A_164 = arith.index_cast %while3A_91 : i32 to index
              %get3A_165 = arith.index_cast %add3A_160 : i32 to index
              %get3A_166 = tpu.vector_load %arg8[%get3A_163, %get3A_164, %get3A_165] {strides = array<i32>} : memref<2x64x640xi32, #tpu.memory_space<vmem>>, vector<16xi32>,
              %or3A_167 = arith.ori %get3A_162, %get3A_166 : vector<16xi32>
              %swap3A_168 = arith.index_cast %add3A_160 : i32 to index
              %swap3A_169 = tpu.vector_load %arg9[%swap3A_168] {strides = array<i32>} : memref<656xi32, #tpu.memory_space<vmem>>, vector<16xi32>,
              tpu.vector_store %arg9[%swap3A_168], %or3A_167 {strides = array<i32>} : memref<656xi32, #tpu.memory_space<vmem>>, vector<16xi32>,
              %mul3A_170 = arith.constant 64 : i32
              %mul3A_171 = arith.muli %while3A_131, %mul3A_170 : i32
              %add3A_172 = arith.constant 48 : i32
              %add3A_173 = arith.addi %mul3A_171, %add3A_172 : i32
              %get3A_174 = arith.index_cast %add3A_173 : i32 to index
              %get3A_175 = tpu.vector_load %arg9[%get3A_174] {strides = array<i32>} : memref<656xi32, #tpu.memory_space<vmem>>, vector<16xi32>,
              %get3A_176 = arith.index_cast %rem3A_61 : i32 to index
              %get3A_177 = arith.index_cast %while3A_91 : i32 to index
              %get3A_178 = arith.index_cast %add3A_173 : i32 to index
              %get3A_179 = tpu.vector_load %arg8[%get3A_176, %get3A_177, %get3A_178] {strides = array<i32>} : memref<2x64x640xi32, #tpu.memory_space<vmem>>, vector<16xi32>,
              %or3A_180 = arith.ori %get3A_175, %get3A_179 : vector<16xi32>
              %swap3A_181 = arith.index_cast %add3A_173 : i32 to index
              %swap3A_182 = tpu.vector_load %arg9[%swap3A_181] {strides = array<i32>} : memref<656xi32, #tpu.memory_space<vmem>>, vector<16xi32>,
              tpu.vector_store %arg9[%swap3A_181], %or3A_180 {strides = array<i32>} : memref<656xi32, #tpu.memory_space<vmem>>, vector<16xi32>,
            }
            %while3A_130 = arith.constant 1 : i32
            scf.for %while3A_131 = %while3A_128 to %while3A_124 step %while3A_130  : i32 {
              %mul3A_132 = arith.constant 64 : i32
              %mul3A_133 = arith.muli %while3A_131, %mul3A_132 : i32
              %add3A_134 = arith.constant 0 : i32
              %add3A_135 = arith.addi %mul3A_133, %add3A_134 : i32
              %get3A_136 = arith.index_cast %add3A_135 : i32 to index
              %get3A_137 = tpu.vector_load %arg9[%get3A_136] {strides = array<i32>} : memref<656xi32, #tpu.memory_space<vmem>>, vector<16xi32>,
              %get3A_138 = arith.index_cast %rem3A_61 : i32 to index
              %get3A_139 = arith.index_cast %while3A_91 : i32 to index
              %get3A_140 = arith.index_cast %add3A_135 : i32 to index
              %get3A_141 = tpu.vector_load %arg8[%get3A_138, %get3A_139, %get3A_140] {strides = array<i32>} : memref<2x64x640xi32, #tpu.memory_space<vmem>>, vector<16xi32>,
              %or3A = arith.ori %get3A_137, %get3A_141 : vector<16xi32>
              %swap3A_142 = arith.index_cast %add3A_135 : i32 to index
              %swap3A_143 = tpu.vector_load %arg9[%swap3A_142] {strides = array<i32>} : memref<656xi32, #tpu.memory_space<vmem>>, vector<16xi32>,
              tpu.vector_store %arg9[%swap3A_142], %or3A {strides = array<i32>} : memref<656xi32, #tpu.memory_space<vmem>>, vector<16xi32>,
              %mul3A_144 = arith.constant 64 : i32
              %mul3A_145 = arith.muli %while3A_131, %mul3A_144 : i32
              %add3A_146 = arith.constant 16 : i32
              %add3A_147 = arith.addi %mul3A_145, %add3A_146 : i32
              %get3A_148 = arith.index_cast %add3A_147 : i32 to index
              %get3A_149 = tpu.vector_load %arg9[%get3A_148] {strides = array<i32>} : memref<656xi32, #tpu.memory_space<vmem>>, vector<16xi32>,
              %get3A_150 = arith.index_cast %rem3A_61 : i32 to index
              %get3A_151 = arith.index_cast %while3A_91 : i32 to index
              %get3A_152 = arith.index_cast %add3A_147 : i32 to index
              %get3A_153 = tpu.vector_load %arg8[%get3A_150, %get3A_151, %get3A_152] {strides = array<i32>} : memref<2x64x640xi32, #tpu.memory_space<vmem>>, vector<16xi32>,
              %or3A_154 = arith.ori %get3A_149, %get3A_153 : vector<16xi32>
              %swap3A_155 = arith.index_cast %add3A_147 : i32 to index
              %swap3A_156 = tpu.vector_load %arg9[%swap3A_155] {strides = array<i32>} : memref<656xi32, #tpu.memory_space<vmem>>, vector<16xi32>,
              tpu.vector_store %arg9[%swap3A_155], %or3A_154 {strides = array<i32>} : memref<656xi32, #tpu.memory_space<vmem>>, vector<16xi32>,
              %mul3A_157 = arith.constant 64 : i32
              %mul3A_158 = arith.muli %while3A_131, %mul3A_157 : i32
              %add3A_159 = arith.constant 32 : i32
              %add3A_160 = arith.addi %mul3A_158, %add3A_159 : i32
              %get3A_161 = arith.index_cast %add3A_160 : i32 to index
              %get3A_162 = tpu.vector_load %arg9[%get3A_161] {strides = array<i32>} : memref<656xi32, #tpu.memory_space<vmem>>, vector<16xi32>,
              %get3A_163 = arith.index_cast %rem3A_61 : i32 to index
              %get3A_164 = arith.index_cast %while3A_91 : i32 to index
              %get3A_165 = arith.index_cast %add3A_160 : i32 to index
              %get3A_166 = tpu.vector_load %arg8[%get3A_163, %get3A_164, %get3A_165] {strides = array<i32>} : memref<2x64x640xi32, #tpu.memory_space<vmem>>, vector<16xi32>,
              %or3A_167 = arith.ori %get3A_162, %get3A_166 : vector<16xi32>
              %swap3A_168 = arith.index_cast %add3A_160 : i32 to index
              %swap3A_169 = tpu.vector_load %arg9[%swap3A_168] {strides = array<i32>} : memref<656xi32, #tpu.memory_space<vmem>>, vector<16xi32>,
              tpu.vector_store %arg9[%swap3A_168], %or3A_167 {strides = array<i32>} : memref<656xi32, #tpu.memory_space<vmem>>, vector<16xi32>,
              %mul3A_170 = arith.constant 64 : i32
              %mul3A_171 = arith.muli %while3A_131, %mul3A_170 : i32
              %add3A_172 = arith.constant 48 : i32
              %add3A_173 = arith.addi %mul3A_171, %add3A_172 : i32
              %get3A_174 = arith.index_cast %add3A_173 : i32 to index
              %get3A_175 = tpu.vector_load %arg9[%get3A_174] {strides = array<i32>} : memref<656xi32, #tpu.memory_space<vmem>>, vector<16xi32>,
              %get3A_176 = arith.index_cast %rem3A_61 : i32 to index
              %get3A_177 = arith.index_cast %while3A_91 : i32 to index
              %get3A_178 = arith.index_cast %add3A_173 : i32 to index
              %get3A_179 = tpu.vector_load %arg8[%get3A_176, %get3A_177, %get3A_178] {strides = array<i32>} : memref<2x64x640xi32, #tpu.memory_space<vmem>>, vector<16xi32>,
              %or3A_180 = arith.ori %get3A_175, %get3A_179 : vector<16xi32>
              %swap3A_181 = arith.index_cast %add3A_173 : i32 to index
              %swap3A_182 = tpu.vector_load %arg9[%swap3A_181] {strides = array<i32>} : memref<656xi32, #tpu.memory_space<vmem>>, vector<16xi32>,
              tpu.vector_store %arg9[%swap3A_181], %or3A_180 {strides = array<i32>} : memref<656xi32, #tpu.memory_space<vmem>>, vector<16xi32>,
            }
          } else {
          }
        }
      }
      "tpu.region"() ({
        %run_scoped3A = tpu.sem_alloc : memref<!tpu.dma_semaphore, #tpu.memory_space<semaphore_mem>>
        %dma_start3A = arith.constant 0 : i32
        %dma_start3A_59 = tpu.memref_slice %arg9[%dma_start3A] : memref<656xi32, #tpu.memory_space<vmem>> -> memref<640xi32, #tpu.memory_space<vmem>>
        %dma_start3A_60 = arith.constant 0 : i32
        %dma_start3A_61 = tpu.memref_slice %arg9[%dma_start3A_60] : memref<656xi32, #tpu.memory_space<vmem>> -> memref<640xi32, #tpu.memory_space<vmem>>
        tpu.enqueue_dma source(%dma_start3A_61 : memref<640xi32, #tpu.memory_space<vmem>>) target(%arg4 : memref<640xi32, #tpu.memory_space<hbm>>) target_semaphore(%run_scoped3A : memref<!tpu.dma_semaphore, #tpu.memory_space<semaphore_mem>>)
        %dma_wait3A = arith.constant 0 : i32
        %dma_wait3A_62 = tpu.memref_slice %arg9[%dma_wait3A] : memref<656xi32, #tpu.memory_space<vmem>> -> memref<640xi32, #tpu.memory_space<vmem>>
        %dma_wait3A_63 = arith.constant 0 : i32
        %dma_wait3A_64 = tpu.memref_slice %arg9[%dma_wait3A_63] : memref<656xi32, #tpu.memory_space<vmem>> -> memref<640xi32, #tpu.memory_space<vmem>>
        tpu.wait_dma2 semaphore(%run_scoped3A : memref<!tpu.dma_semaphore, #tpu.memory_space<semaphore_mem>>) src(%dma_wait3A_64 : memref<640xi32, #tpu.memory_space<vmem>>) dst(%arg4 : memref<640xi32, #tpu.memory_space<hbm>>)
        tpu.yield
      }) : () -> ()
    } else {
    }
    return
  }
}

module attributes {stable_mosaic.version = 14 : i64} {
  func.func @_pairs_body(%arg0: i32, %arg1: i32, %arg2: memref<512x1xf32, #tpu.memory_space<vmem>>, %arg3: memref<512x1xf32, #tpu.memory_space<vmem>>, %arg4: memref<512x1xf32, #tpu.memory_space<vmem>>, %arg5: memref<512x1xf32, #tpu.memory_space<vmem>>, %arg6: memref<512x1xf32, #tpu.memory_space<vmem>>, %arg7: memref<1x4096xf32, #tpu.memory_space<vmem>>, %arg8: memref<1x4096xf32, #tpu.memory_space<vmem>>, %arg9: memref<1x4096xf32, #tpu.memory_space<vmem>>, %arg10: memref<1x4096xf32, #tpu.memory_space<vmem>>, %arg11: memref<1x4096xf32, #tpu.memory_space<vmem>>, %arg12: memref<512x128xi32, #tpu.memory_space<vmem>>, %arg13: memref<1x512x1xi32, #tpu.memory_space<vmem>>) attributes {dimension_semantics = [#tpu.dimension_semantics<arbitrary>, #tpu.dimension_semantics<arbitrary>], iteration_bounds = array<i64: 40, 5>, scalar_prefetch = 0 : i64, scratch_operands = 0 : i64, tpu.core_type = #tpu.core_type<tc>, window_params = [{transform_indices = @transform_0, window_bounds = array<i64: 512, 1>}, {transform_indices = @transform_1, window_bounds = array<i64: 512, 1>}, {transform_indices = @transform_2, window_bounds = array<i64: 512, 1>}, {transform_indices = @transform_3, window_bounds = array<i64: 512, 1>}, {transform_indices = @transform_4, window_bounds = array<i64: 512, 1>}, {transform_indices = @transform_5, window_bounds = array<i64: 1, 4096>}, {transform_indices = @transform_6, window_bounds = array<i64: 1, 4096>}, {transform_indices = @transform_7, window_bounds = array<i64: 1, 4096>}, {transform_indices = @transform_8, window_bounds = array<i64: 1, 4096>}, {transform_indices = @transform_9, window_bounds = array<i64: 1, 4096>}, {transform_indices = @transform_10, window_bounds = array<i64: 512, 128>}, {transform_indices = @transform_11, window_bounds = array<i64: 1, 512, 1>}]} {
    %mul3A = arith.constant 4096 : i32
    %mul3A_0 = arith.muli %arg1, %mul3A : i32
    %mul3A_1 = arith.constant 512 : i32
    %mul3A_2 = arith.muli %arg0, %mul3A_1 : i32
    %add3A = arith.constant 511 : i32
    %add3A_3 = arith.addi %mul3A_2, %add3A : i32
    %gt3A = arith.cmpi sgt, %mul3A_0, %add3A_3 : i32
    %mul3A_4 = arith.constant 4096 : i32
    %mul3A_5 = arith.muli %arg1, %mul3A_4 : i32
    %add3A_6 = arith.constant 4095 : i32
    %add3A_7 = arith.addi %mul3A_5, %add3A_6 : i32
    %mul3A_8 = arith.constant 512 : i32
    %mul3A_9 = arith.muli %arg0, %mul3A_8 : i32
    %le3A = arith.cmpi sle, %add3A_7, %mul3A_9 : i32
    %convert_element_type3A = arith.extui %gt3A : i1 to i32
    %cond3A = arith.constant 0 : i32
    %cond3A_10 = arith.cmpi ne, %convert_element_type3A, %cond3A : i32
    scf.if %cond3A_10 {
      %get3A = arith.constant 0 : index
      %get3A_18 = arith.constant 0 : index
      %get3A_19 = vector.load %arg2[%get3A, %get3A_18] : memref<512x1xf32, #tpu.memory_space<vmem>>, vector<512x1xf32>
      %get3A_20 = arith.constant 0 : index
      %get3A_21 = arith.constant 0 : index
      %get3A_22 = vector.load %arg7[%get3A_20, %get3A_21] : memref<1x4096xf32, #tpu.memory_space<vmem>>, vector<1x4096xf32>
      %max3A = vector.broadcast %get3A_19 : vector<512x1xf32> to vector<512x4096xf32>
      %max3A_23 = vector.broadcast %get3A_22 : vector<1x4096xf32> to vector<512x4096xf32>
      %max3A_24 = arith.maximumf %max3A, %max3A_23 : vector<512x4096xf32>
      %get3A_25 = arith.constant 0 : index
      %get3A_26 = arith.constant 0 : index
      %get3A_27 = vector.load %arg3[%get3A_25, %get3A_26] : memref<512x1xf32, #tpu.memory_space<vmem>>, vector<512x1xf32>
      %get3A_28 = arith.constant 0 : index
      %get3A_29 = arith.constant 0 : index
      %get3A_30 = vector.load %arg8[%get3A_28, %get3A_29] : memref<1x4096xf32, #tpu.memory_space<vmem>>, vector<1x4096xf32>
      %max3A_31 = vector.broadcast %get3A_27 : vector<512x1xf32> to vector<512x4096xf32>
      %max3A_32 = vector.broadcast %get3A_30 : vector<1x4096xf32> to vector<512x4096xf32>
      %max3A_33 = arith.maximumf %max3A_31, %max3A_32 : vector<512x4096xf32>
      %get3A_34 = arith.constant 0 : index
      %get3A_35 = arith.constant 0 : index
      %get3A_36 = vector.load %arg4[%get3A_34, %get3A_35] : memref<512x1xf32, #tpu.memory_space<vmem>>, vector<512x1xf32>
      %get3A_37 = arith.constant 0 : index
      %get3A_38 = arith.constant 0 : index
      %get3A_39 = vector.load %arg9[%get3A_37, %get3A_38] : memref<1x4096xf32, #tpu.memory_space<vmem>>, vector<1x4096xf32>
      %min3A = vector.broadcast %get3A_36 : vector<512x1xf32> to vector<512x4096xf32>
      %min3A_40 = vector.broadcast %get3A_39 : vector<1x4096xf32> to vector<512x4096xf32>
      %min3A_41 = arith.minimumf %min3A, %min3A_40 : vector<512x4096xf32>
      %get3A_42 = arith.constant 0 : index
      %get3A_43 = arith.constant 0 : index
      %get3A_44 = vector.load %arg5[%get3A_42, %get3A_43] : memref<512x1xf32, #tpu.memory_space<vmem>>, vector<512x1xf32>
      %get3A_45 = arith.constant 0 : index
      %get3A_46 = arith.constant 0 : index
      %get3A_47 = vector.load %arg10[%get3A_45, %get3A_46] : memref<1x4096xf32, #tpu.memory_space<vmem>>, vector<1x4096xf32>
      %min3A_48 = vector.broadcast %get3A_44 : vector<512x1xf32> to vector<512x4096xf32>
      %min3A_49 = vector.broadcast %get3A_47 : vector<1x4096xf32> to vector<512x4096xf32>
      %min3A_50 = arith.minimumf %min3A_48, %min3A_49 : vector<512x4096xf32>
      %sub3A = arith.subf %min3A_41, %max3A_24 : vector<512x4096xf32>
      %add3A_51 = arith.constant 1.000000e+00 : f32
      %add3A_52 = vector.broadcast %add3A_51 : f32 to vector<512x4096xf32>
      %add3A_53 = arith.addf %sub3A, %add3A_52 : vector<512x4096xf32>
      %max3A_54 = arith.constant 0.000000e+00 : f32
      %max3A_55 = vector.broadcast %max3A_54 : f32 to vector<512x4096xf32>
      %max3A_56 = arith.maximumf %add3A_53, %max3A_55 : vector<512x4096xf32>
      %sub3A_57 = arith.subf %min3A_50, %max3A_33 : vector<512x4096xf32>
      %add3A_58 = arith.constant 1.000000e+00 : f32
      %add3A_59 = vector.broadcast %add3A_58 : f32 to vector<512x4096xf32>
      %add3A_60 = arith.addf %sub3A_57, %add3A_59 : vector<512x4096xf32>
      %max3A_61 = arith.constant 0.000000e+00 : f32
      %max3A_62 = vector.broadcast %max3A_61 : f32 to vector<512x4096xf32>
      %max3A_63 = arith.maximumf %add3A_60, %max3A_62 : vector<512x4096xf32>
      %mul3A_64 = arith.mulf %max3A_56, %max3A_63 : vector<512x4096xf32>
      %get3A_65 = arith.constant 0 : index
      %get3A_66 = arith.constant 0 : index
      %get3A_67 = vector.load %arg6[%get3A_65, %get3A_66] : memref<512x1xf32, #tpu.memory_space<vmem>>, vector<512x1xf32>
      %get3A_68 = arith.constant 0 : index
      %get3A_69 = arith.constant 0 : index
      %get3A_70 = vector.load %arg11[%get3A_68, %get3A_69] : memref<1x4096xf32, #tpu.memory_space<vmem>>, vector<1x4096xf32>
      %add3A_71 = vector.broadcast %get3A_67 : vector<512x1xf32> to vector<512x4096xf32>
      %add3A_72 = vector.broadcast %get3A_70 : vector<1x4096xf32> to vector<512x4096xf32>
      %add3A_73 = arith.addf %add3A_71, %add3A_72 : vector<512x4096xf32>
      %sub3A_74 = arith.subf %add3A_73, %mul3A_64 : vector<512x4096xf32>
      %div3A = arith.divf %mul3A_64, %sub3A_74 : vector<512x4096xf32>
      %gt3A_75 = arith.constant 5.000000e-01 : f32
      %gt3A_76 = vector.broadcast %gt3A_75 : f32 to vector<512x4096xf32>
      %gt3A_77 = arith.cmpf ogt, %div3A, %gt3A_76 : vector<512x4096xf32>
      %broadcast_in_dim3A = arith.constant 0 : i32
      %broadcast_in_dim3A_78 = vector.broadcast %broadcast_in_dim3A : i32 to vector<512x128xi32>
      %slice3A = vector.extract_strided_slice %gt3A_77 {offsets = [0, 0], sizes = [512, 128], strides = [1, 1]} : vector<512x4096xi1> to vector<512x128xi1>
      %jit3A = arith.constant 1 : i32
      %jit3A_79 = arith.constant 0 : i32
      %broadcast_in_dim3A_80 = vector.broadcast %jit3A : i32 to vector<512x128xi32>
      %broadcast_in_dim3A_81 = vector.broadcast %jit3A_79 : i32 to vector<512x128xi32>
      %select_n3A = arith.select %slice3A, %broadcast_in_dim3A_80, %broadcast_in_dim3A_81 : vector<512x128xi1>, vector<512x128xi32>
      %or3A_82 = arith.ori %broadcast_in_dim3A_78, %select_n3A : vector<512x128xi32>
      %slice3A_83 = vector.extract_strided_slice %gt3A_77 {offsets = [0, 128], sizes = [512, 128], strides = [1, 1]} : vector<512x4096xi1> to vector<512x128xi1>
      %jit3A_84 = arith.constant 2 : i32
      %jit3A_85 = arith.constant 0 : i32
      %broadcast_in_dim3A_86 = vector.broadcast %jit3A_84 : i32 to vector<512x128xi32>
      %broadcast_in_dim3A_87 = vector.broadcast %jit3A_85 : i32 to vector<512x128xi32>
      %select_n3A_88 = arith.select %slice3A_83, %broadcast_in_dim3A_86, %broadcast_in_dim3A_87 : vector<512x128xi1>, vector<512x128xi32>
      %or3A_89 = arith.ori %or3A_82, %select_n3A_88 : vector<512x128xi32>
      %slice3A_90 = vector.extract_strided_slice %gt3A_77 {offsets = [0, 256], sizes = [512, 128], strides = [1, 1]} : vector<512x4096xi1> to vector<512x128xi1>
      %jit3A_91 = arith.constant 4 : i32
      %jit3A_92 = arith.constant 0 : i32
      %broadcast_in_dim3A_93 = vector.broadcast %jit3A_91 : i32 to vector<512x128xi32>
      %broadcast_in_dim3A_94 = vector.broadcast %jit3A_92 : i32 to vector<512x128xi32>
      %select_n3A_95 = arith.select %slice3A_90, %broadcast_in_dim3A_93, %broadcast_in_dim3A_94 : vector<512x128xi1>, vector<512x128xi32>
      %or3A_96 = arith.ori %or3A_89, %select_n3A_95 : vector<512x128xi32>
      %slice3A_97 = vector.extract_strided_slice %gt3A_77 {offsets = [0, 384], sizes = [512, 128], strides = [1, 1]} : vector<512x4096xi1> to vector<512x128xi1>
      %jit3A_98 = arith.constant 8 : i32
      %jit3A_99 = arith.constant 0 : i32
      %broadcast_in_dim3A_100 = vector.broadcast %jit3A_98 : i32 to vector<512x128xi32>
      %broadcast_in_dim3A_101 = vector.broadcast %jit3A_99 : i32 to vector<512x128xi32>
      %select_n3A_102 = arith.select %slice3A_97, %broadcast_in_dim3A_100, %broadcast_in_dim3A_101 : vector<512x128xi1>, vector<512x128xi32>
      %or3A_103 = arith.ori %or3A_96, %select_n3A_102 : vector<512x128xi32>
      %slice3A_104 = vector.extract_strided_slice %gt3A_77 {offsets = [0, 512], sizes = [512, 128], strides = [1, 1]} : vector<512x4096xi1> to vector<512x128xi1>
      %jit3A_105 = arith.constant 16 : i32
      %jit3A_106 = arith.constant 0 : i32
      %broadcast_in_dim3A_107 = vector.broadcast %jit3A_105 : i32 to vector<512x128xi32>
      %broadcast_in_dim3A_108 = vector.broadcast %jit3A_106 : i32 to vector<512x128xi32>
      %select_n3A_109 = arith.select %slice3A_104, %broadcast_in_dim3A_107, %broadcast_in_dim3A_108 : vector<512x128xi1>, vector<512x128xi32>
      %or3A_110 = arith.ori %or3A_103, %select_n3A_109 : vector<512x128xi32>
      %slice3A_111 = vector.extract_strided_slice %gt3A_77 {offsets = [0, 640], sizes = [512, 128], strides = [1, 1]} : vector<512x4096xi1> to vector<512x128xi1>
      %jit3A_112 = arith.constant 32 : i32
      %jit3A_113 = arith.constant 0 : i32
      %broadcast_in_dim3A_114 = vector.broadcast %jit3A_112 : i32 to vector<512x128xi32>
      %broadcast_in_dim3A_115 = vector.broadcast %jit3A_113 : i32 to vector<512x128xi32>
      %select_n3A_116 = arith.select %slice3A_111, %broadcast_in_dim3A_114, %broadcast_in_dim3A_115 : vector<512x128xi1>, vector<512x128xi32>
      %or3A_117 = arith.ori %or3A_110, %select_n3A_116 : vector<512x128xi32>
      %slice3A_118 = vector.extract_strided_slice %gt3A_77 {offsets = [0, 768], sizes = [512, 128], strides = [1, 1]} : vector<512x4096xi1> to vector<512x128xi1>
      %jit3A_119 = arith.constant 64 : i32
      %jit3A_120 = arith.constant 0 : i32
      %broadcast_in_dim3A_121 = vector.broadcast %jit3A_119 : i32 to vector<512x128xi32>
      %broadcast_in_dim3A_122 = vector.broadcast %jit3A_120 : i32 to vector<512x128xi32>
      %select_n3A_123 = arith.select %slice3A_118, %broadcast_in_dim3A_121, %broadcast_in_dim3A_122 : vector<512x128xi1>, vector<512x128xi32>
      %or3A_124 = arith.ori %or3A_117, %select_n3A_123 : vector<512x128xi32>
      %slice3A_125 = vector.extract_strided_slice %gt3A_77 {offsets = [0, 896], sizes = [512, 128], strides = [1, 1]} : vector<512x4096xi1> to vector<512x128xi1>
      %jit3A_126 = arith.constant 128 : i32
      %jit3A_127 = arith.constant 0 : i32
      %broadcast_in_dim3A_128 = vector.broadcast %jit3A_126 : i32 to vector<512x128xi32>
      %broadcast_in_dim3A_129 = vector.broadcast %jit3A_127 : i32 to vector<512x128xi32>
      %select_n3A_130 = arith.select %slice3A_125, %broadcast_in_dim3A_128, %broadcast_in_dim3A_129 : vector<512x128xi1>, vector<512x128xi32>
      %or3A_131 = arith.ori %or3A_124, %select_n3A_130 : vector<512x128xi32>
      %slice3A_132 = vector.extract_strided_slice %gt3A_77 {offsets = [0, 1024], sizes = [512, 128], strides = [1, 1]} : vector<512x4096xi1> to vector<512x128xi1>
      %jit3A_133 = arith.constant 256 : i32
      %jit3A_134 = arith.constant 0 : i32
      %broadcast_in_dim3A_135 = vector.broadcast %jit3A_133 : i32 to vector<512x128xi32>
      %broadcast_in_dim3A_136 = vector.broadcast %jit3A_134 : i32 to vector<512x128xi32>
      %select_n3A_137 = arith.select %slice3A_132, %broadcast_in_dim3A_135, %broadcast_in_dim3A_136 : vector<512x128xi1>, vector<512x128xi32>
      %or3A_138 = arith.ori %or3A_131, %select_n3A_137 : vector<512x128xi32>
      %slice3A_139 = vector.extract_strided_slice %gt3A_77 {offsets = [0, 1152], sizes = [512, 128], strides = [1, 1]} : vector<512x4096xi1> to vector<512x128xi1>
      %jit3A_140 = arith.constant 512 : i32
      %jit3A_141 = arith.constant 0 : i32
      %broadcast_in_dim3A_142 = vector.broadcast %jit3A_140 : i32 to vector<512x128xi32>
      %broadcast_in_dim3A_143 = vector.broadcast %jit3A_141 : i32 to vector<512x128xi32>
      %select_n3A_144 = arith.select %slice3A_139, %broadcast_in_dim3A_142, %broadcast_in_dim3A_143 : vector<512x128xi1>, vector<512x128xi32>
      %or3A_145 = arith.ori %or3A_138, %select_n3A_144 : vector<512x128xi32>
      %slice3A_146 = vector.extract_strided_slice %gt3A_77 {offsets = [0, 1280], sizes = [512, 128], strides = [1, 1]} : vector<512x4096xi1> to vector<512x128xi1>
      %jit3A_147 = arith.constant 1024 : i32
      %jit3A_148 = arith.constant 0 : i32
      %broadcast_in_dim3A_149 = vector.broadcast %jit3A_147 : i32 to vector<512x128xi32>
      %broadcast_in_dim3A_150 = vector.broadcast %jit3A_148 : i32 to vector<512x128xi32>
      %select_n3A_151 = arith.select %slice3A_146, %broadcast_in_dim3A_149, %broadcast_in_dim3A_150 : vector<512x128xi1>, vector<512x128xi32>
      %or3A_152 = arith.ori %or3A_145, %select_n3A_151 : vector<512x128xi32>
      %slice3A_153 = vector.extract_strided_slice %gt3A_77 {offsets = [0, 1408], sizes = [512, 128], strides = [1, 1]} : vector<512x4096xi1> to vector<512x128xi1>
      %jit3A_154 = arith.constant 2048 : i32
      %jit3A_155 = arith.constant 0 : i32
      %broadcast_in_dim3A_156 = vector.broadcast %jit3A_154 : i32 to vector<512x128xi32>
      %broadcast_in_dim3A_157 = vector.broadcast %jit3A_155 : i32 to vector<512x128xi32>
      %select_n3A_158 = arith.select %slice3A_153, %broadcast_in_dim3A_156, %broadcast_in_dim3A_157 : vector<512x128xi1>, vector<512x128xi32>
      %or3A_159 = arith.ori %or3A_152, %select_n3A_158 : vector<512x128xi32>
      %slice3A_160 = vector.extract_strided_slice %gt3A_77 {offsets = [0, 1536], sizes = [512, 128], strides = [1, 1]} : vector<512x4096xi1> to vector<512x128xi1>
      %jit3A_161 = arith.constant 4096 : i32
      %jit3A_162 = arith.constant 0 : i32
      %broadcast_in_dim3A_163 = vector.broadcast %jit3A_161 : i32 to vector<512x128xi32>
      %broadcast_in_dim3A_164 = vector.broadcast %jit3A_162 : i32 to vector<512x128xi32>
      %select_n3A_165 = arith.select %slice3A_160, %broadcast_in_dim3A_163, %broadcast_in_dim3A_164 : vector<512x128xi1>, vector<512x128xi32>
      %or3A_166 = arith.ori %or3A_159, %select_n3A_165 : vector<512x128xi32>
      %slice3A_167 = vector.extract_strided_slice %gt3A_77 {offsets = [0, 1664], sizes = [512, 128], strides = [1, 1]} : vector<512x4096xi1> to vector<512x128xi1>
      %jit3A_168 = arith.constant 8192 : i32
      %jit3A_169 = arith.constant 0 : i32
      %broadcast_in_dim3A_170 = vector.broadcast %jit3A_168 : i32 to vector<512x128xi32>
      %broadcast_in_dim3A_171 = vector.broadcast %jit3A_169 : i32 to vector<512x128xi32>
      %select_n3A_172 = arith.select %slice3A_167, %broadcast_in_dim3A_170, %broadcast_in_dim3A_171 : vector<512x128xi1>, vector<512x128xi32>
      %or3A_173 = arith.ori %or3A_166, %select_n3A_172 : vector<512x128xi32>
      %slice3A_174 = vector.extract_strided_slice %gt3A_77 {offsets = [0, 1792], sizes = [512, 128], strides = [1, 1]} : vector<512x4096xi1> to vector<512x128xi1>
      %jit3A_175 = arith.constant 16384 : i32
      %jit3A_176 = arith.constant 0 : i32
      %broadcast_in_dim3A_177 = vector.broadcast %jit3A_175 : i32 to vector<512x128xi32>
      %broadcast_in_dim3A_178 = vector.broadcast %jit3A_176 : i32 to vector<512x128xi32>
      %select_n3A_179 = arith.select %slice3A_174, %broadcast_in_dim3A_177, %broadcast_in_dim3A_178 : vector<512x128xi1>, vector<512x128xi32>
      %or3A_180 = arith.ori %or3A_173, %select_n3A_179 : vector<512x128xi32>
      %slice3A_181 = vector.extract_strided_slice %gt3A_77 {offsets = [0, 1920], sizes = [512, 128], strides = [1, 1]} : vector<512x4096xi1> to vector<512x128xi1>
      %jit3A_182 = arith.constant 32768 : i32
      %jit3A_183 = arith.constant 0 : i32
      %broadcast_in_dim3A_184 = vector.broadcast %jit3A_182 : i32 to vector<512x128xi32>
      %broadcast_in_dim3A_185 = vector.broadcast %jit3A_183 : i32 to vector<512x128xi32>
      %select_n3A_186 = arith.select %slice3A_181, %broadcast_in_dim3A_184, %broadcast_in_dim3A_185 : vector<512x128xi1>, vector<512x128xi32>
      %or3A_187 = arith.ori %or3A_180, %select_n3A_186 : vector<512x128xi32>
      %slice3A_188 = vector.extract_strided_slice %gt3A_77 {offsets = [0, 2048], sizes = [512, 128], strides = [1, 1]} : vector<512x4096xi1> to vector<512x128xi1>
      %jit3A_189 = arith.constant 65536 : i32
      %jit3A_190 = arith.constant 0 : i32
      %broadcast_in_dim3A_191 = vector.broadcast %jit3A_189 : i32 to vector<512x128xi32>
      %broadcast_in_dim3A_192 = vector.broadcast %jit3A_190 : i32 to vector<512x128xi32>
      %select_n3A_193 = arith.select %slice3A_188, %broadcast_in_dim3A_191, %broadcast_in_dim3A_192 : vector<512x128xi1>, vector<512x128xi32>
      %or3A_194 = arith.ori %or3A_187, %select_n3A_193 : vector<512x128xi32>
      %slice3A_195 = vector.extract_strided_slice %gt3A_77 {offsets = [0, 2176], sizes = [512, 128], strides = [1, 1]} : vector<512x4096xi1> to vector<512x128xi1>
      %jit3A_196 = arith.constant 131072 : i32
      %jit3A_197 = arith.constant 0 : i32
      %broadcast_in_dim3A_198 = vector.broadcast %jit3A_196 : i32 to vector<512x128xi32>
      %broadcast_in_dim3A_199 = vector.broadcast %jit3A_197 : i32 to vector<512x128xi32>
      %select_n3A_200 = arith.select %slice3A_195, %broadcast_in_dim3A_198, %broadcast_in_dim3A_199 : vector<512x128xi1>, vector<512x128xi32>
      %or3A_201 = arith.ori %or3A_194, %select_n3A_200 : vector<512x128xi32>
      %slice3A_202 = vector.extract_strided_slice %gt3A_77 {offsets = [0, 2304], sizes = [512, 128], strides = [1, 1]} : vector<512x4096xi1> to vector<512x128xi1>
      %jit3A_203 = arith.constant 262144 : i32
      %jit3A_204 = arith.constant 0 : i32
      %broadcast_in_dim3A_205 = vector.broadcast %jit3A_203 : i32 to vector<512x128xi32>
      %broadcast_in_dim3A_206 = vector.broadcast %jit3A_204 : i32 to vector<512x128xi32>
      %select_n3A_207 = arith.select %slice3A_202, %broadcast_in_dim3A_205, %broadcast_in_dim3A_206 : vector<512x128xi1>, vector<512x128xi32>
      %or3A_208 = arith.ori %or3A_201, %select_n3A_207 : vector<512x128xi32>
      %slice3A_209 = vector.extract_strided_slice %gt3A_77 {offsets = [0, 2432], sizes = [512, 128], strides = [1, 1]} : vector<512x4096xi1> to vector<512x128xi1>
      %jit3A_210 = arith.constant 524288 : i32
      %jit3A_211 = arith.constant 0 : i32
      %broadcast_in_dim3A_212 = vector.broadcast %jit3A_210 : i32 to vector<512x128xi32>
      %broadcast_in_dim3A_213 = vector.broadcast %jit3A_211 : i32 to vector<512x128xi32>
      %select_n3A_214 = arith.select %slice3A_209, %broadcast_in_dim3A_212, %broadcast_in_dim3A_213 : vector<512x128xi1>, vector<512x128xi32>
      %or3A_215 = arith.ori %or3A_208, %select_n3A_214 : vector<512x128xi32>
      %slice3A_216 = vector.extract_strided_slice %gt3A_77 {offsets = [0, 2560], sizes = [512, 128], strides = [1, 1]} : vector<512x4096xi1> to vector<512x128xi1>
      %jit3A_217 = arith.constant 1048576 : i32
      %jit3A_218 = arith.constant 0 : i32
      %broadcast_in_dim3A_219 = vector.broadcast %jit3A_217 : i32 to vector<512x128xi32>
      %broadcast_in_dim3A_220 = vector.broadcast %jit3A_218 : i32 to vector<512x128xi32>
      %select_n3A_221 = arith.select %slice3A_216, %broadcast_in_dim3A_219, %broadcast_in_dim3A_220 : vector<512x128xi1>, vector<512x128xi32>
      %or3A_222 = arith.ori %or3A_215, %select_n3A_221 : vector<512x128xi32>
      %slice3A_223 = vector.extract_strided_slice %gt3A_77 {offsets = [0, 2688], sizes = [512, 128], strides = [1, 1]} : vector<512x4096xi1> to vector<512x128xi1>
      %jit3A_224 = arith.constant 2097152 : i32
      %jit3A_225 = arith.constant 0 : i32
      %broadcast_in_dim3A_226 = vector.broadcast %jit3A_224 : i32 to vector<512x128xi32>
      %broadcast_in_dim3A_227 = vector.broadcast %jit3A_225 : i32 to vector<512x128xi32>
      %select_n3A_228 = arith.select %slice3A_223, %broadcast_in_dim3A_226, %broadcast_in_dim3A_227 : vector<512x128xi1>, vector<512x128xi32>
      %or3A_229 = arith.ori %or3A_222, %select_n3A_228 : vector<512x128xi32>
      %slice3A_230 = vector.extract_strided_slice %gt3A_77 {offsets = [0, 2816], sizes = [512, 128], strides = [1, 1]} : vector<512x4096xi1> to vector<512x128xi1>
      %jit3A_231 = arith.constant 4194304 : i32
      %jit3A_232 = arith.constant 0 : i32
      %broadcast_in_dim3A_233 = vector.broadcast %jit3A_231 : i32 to vector<512x128xi32>
      %broadcast_in_dim3A_234 = vector.broadcast %jit3A_232 : i32 to vector<512x128xi32>
      %select_n3A_235 = arith.select %slice3A_230, %broadcast_in_dim3A_233, %broadcast_in_dim3A_234 : vector<512x128xi1>, vector<512x128xi32>
      %or3A_236 = arith.ori %or3A_229, %select_n3A_235 : vector<512x128xi32>
      %slice3A_237 = vector.extract_strided_slice %gt3A_77 {offsets = [0, 2944], sizes = [512, 128], strides = [1, 1]} : vector<512x4096xi1> to vector<512x128xi1>
      %jit3A_238 = arith.constant 8388608 : i32
      %jit3A_239 = arith.constant 0 : i32
      %broadcast_in_dim3A_240 = vector.broadcast %jit3A_238 : i32 to vector<512x128xi32>
      %broadcast_in_dim3A_241 = vector.broadcast %jit3A_239 : i32 to vector<512x128xi32>
      %select_n3A_242 = arith.select %slice3A_237, %broadcast_in_dim3A_240, %broadcast_in_dim3A_241 : vector<512x128xi1>, vector<512x128xi32>
      %or3A_243 = arith.ori %or3A_236, %select_n3A_242 : vector<512x128xi32>
      %slice3A_244 = vector.extract_strided_slice %gt3A_77 {offsets = [0, 3072], sizes = [512, 128], strides = [1, 1]} : vector<512x4096xi1> to vector<512x128xi1>
      %jit3A_245 = arith.constant 16777216 : i32
      %jit3A_246 = arith.constant 0 : i32
      %broadcast_in_dim3A_247 = vector.broadcast %jit3A_245 : i32 to vector<512x128xi32>
      %broadcast_in_dim3A_248 = vector.broadcast %jit3A_246 : i32 to vector<512x128xi32>
      %select_n3A_249 = arith.select %slice3A_244, %broadcast_in_dim3A_247, %broadcast_in_dim3A_248 : vector<512x128xi1>, vector<512x128xi32>
      %or3A_250 = arith.ori %or3A_243, %select_n3A_249 : vector<512x128xi32>
      %slice3A_251 = vector.extract_strided_slice %gt3A_77 {offsets = [0, 3200], sizes = [512, 128], strides = [1, 1]} : vector<512x4096xi1> to vector<512x128xi1>
      %jit3A_252 = arith.constant 33554432 : i32
      %jit3A_253 = arith.constant 0 : i32
      %broadcast_in_dim3A_254 = vector.broadcast %jit3A_252 : i32 to vector<512x128xi32>
      %broadcast_in_dim3A_255 = vector.broadcast %jit3A_253 : i32 to vector<512x128xi32>
      %select_n3A_256 = arith.select %slice3A_251, %broadcast_in_dim3A_254, %broadcast_in_dim3A_255 : vector<512x128xi1>, vector<512x128xi32>
      %or3A_257 = arith.ori %or3A_250, %select_n3A_256 : vector<512x128xi32>
      %slice3A_258 = vector.extract_strided_slice %gt3A_77 {offsets = [0, 3328], sizes = [512, 128], strides = [1, 1]} : vector<512x4096xi1> to vector<512x128xi1>
      %jit3A_259 = arith.constant 67108864 : i32
      %jit3A_260 = arith.constant 0 : i32
      %broadcast_in_dim3A_261 = vector.broadcast %jit3A_259 : i32 to vector<512x128xi32>
      %broadcast_in_dim3A_262 = vector.broadcast %jit3A_260 : i32 to vector<512x128xi32>
      %select_n3A_263 = arith.select %slice3A_258, %broadcast_in_dim3A_261, %broadcast_in_dim3A_262 : vector<512x128xi1>, vector<512x128xi32>
      %or3A_264 = arith.ori %or3A_257, %select_n3A_263 : vector<512x128xi32>
      %slice3A_265 = vector.extract_strided_slice %gt3A_77 {offsets = [0, 3456], sizes = [512, 128], strides = [1, 1]} : vector<512x4096xi1> to vector<512x128xi1>
      %jit3A_266 = arith.constant 134217728 : i32
      %jit3A_267 = arith.constant 0 : i32
      %broadcast_in_dim3A_268 = vector.broadcast %jit3A_266 : i32 to vector<512x128xi32>
      %broadcast_in_dim3A_269 = vector.broadcast %jit3A_267 : i32 to vector<512x128xi32>
      %select_n3A_270 = arith.select %slice3A_265, %broadcast_in_dim3A_268, %broadcast_in_dim3A_269 : vector<512x128xi1>, vector<512x128xi32>
      %or3A_271 = arith.ori %or3A_264, %select_n3A_270 : vector<512x128xi32>
      %slice3A_272 = vector.extract_strided_slice %gt3A_77 {offsets = [0, 3584], sizes = [512, 128], strides = [1, 1]} : vector<512x4096xi1> to vector<512x128xi1>
      %jit3A_273 = arith.constant 268435456 : i32
      %jit3A_274 = arith.constant 0 : i32
      %broadcast_in_dim3A_275 = vector.broadcast %jit3A_273 : i32 to vector<512x128xi32>
      %broadcast_in_dim3A_276 = vector.broadcast %jit3A_274 : i32 to vector<512x128xi32>
      %select_n3A_277 = arith.select %slice3A_272, %broadcast_in_dim3A_275, %broadcast_in_dim3A_276 : vector<512x128xi1>, vector<512x128xi32>
      %or3A_278 = arith.ori %or3A_271, %select_n3A_277 : vector<512x128xi32>
      %slice3A_279 = vector.extract_strided_slice %gt3A_77 {offsets = [0, 3712], sizes = [512, 128], strides = [1, 1]} : vector<512x4096xi1> to vector<512x128xi1>
      %jit3A_280 = arith.constant 536870912 : i32
      %jit3A_281 = arith.constant 0 : i32
      %broadcast_in_dim3A_282 = vector.broadcast %jit3A_280 : i32 to vector<512x128xi32>
      %broadcast_in_dim3A_283 = vector.broadcast %jit3A_281 : i32 to vector<512x128xi32>
      %select_n3A_284 = arith.select %slice3A_279, %broadcast_in_dim3A_282, %broadcast_in_dim3A_283 : vector<512x128xi1>, vector<512x128xi32>
      %or3A_285 = arith.ori %or3A_278, %select_n3A_284 : vector<512x128xi32>
      %slice3A_286 = vector.extract_strided_slice %gt3A_77 {offsets = [0, 3840], sizes = [512, 128], strides = [1, 1]} : vector<512x4096xi1> to vector<512x128xi1>
      %jit3A_287 = arith.constant 1073741824 : i32
      %jit3A_288 = arith.constant 0 : i32
      %broadcast_in_dim3A_289 = vector.broadcast %jit3A_287 : i32 to vector<512x128xi32>
      %broadcast_in_dim3A_290 = vector.broadcast %jit3A_288 : i32 to vector<512x128xi32>
      %select_n3A_291 = arith.select %slice3A_286, %broadcast_in_dim3A_289, %broadcast_in_dim3A_290 : vector<512x128xi1>, vector<512x128xi32>
      %or3A_292 = arith.ori %or3A_285, %select_n3A_291 : vector<512x128xi32>
      %slice3A_293 = vector.extract_strided_slice %gt3A_77 {offsets = [0, 3968], sizes = [512, 128], strides = [1, 1]} : vector<512x4096xi1> to vector<512x128xi1>
      %jit3A_294 = arith.constant -2147483648 : i32
      %jit3A_295 = arith.constant 0 : i32
      %broadcast_in_dim3A_296 = vector.broadcast %jit3A_294 : i32 to vector<512x128xi32>
      %broadcast_in_dim3A_297 = vector.broadcast %jit3A_295 : i32 to vector<512x128xi32>
      %select_n3A_298 = arith.select %slice3A_293, %broadcast_in_dim3A_296, %broadcast_in_dim3A_297 : vector<512x128xi1>, vector<512x128xi32>
      %or3A_299 = arith.ori %or3A_292, %select_n3A_298 : vector<512x128xi32>
      %swap3A = arith.constant 0 : index
      %swap3A_300 = arith.constant 0 : index
      %swap3A_301 = vector.load %arg12[%swap3A, %swap3A_300] : memref<512x128xi32, #tpu.memory_space<vmem>>, vector<512x128xi32>
      tpu.vector_store %arg12[%swap3A, %swap3A_300], %or3A_299 {strides = array<i32>} : memref<512x128xi32, #tpu.memory_space<vmem>>, vector<512x128xi32>,
      %ne3A = arith.constant 0 : i32
      %ne3A_302 = vector.broadcast %ne3A : i32 to vector<512x128xi32>
      %ne3A_303 = arith.cmpi ne, %or3A_299, %ne3A_302 : vector<512x128xi32>
      %reduce_or3A = arith.constant 1.000000e+00 : f32
      %reduce_or3A_304 = arith.constant 0.000000e+00 : f32
      %reduce_or3A_305 = vector.broadcast %reduce_or3A : f32 to vector<512x128xf32>
      %reduce_or3A_306 = vector.broadcast %reduce_or3A_304 : f32 to vector<512x128xf32>
      %reduce_or3A_307 = arith.select %ne3A_303, %reduce_or3A_305, %reduce_or3A_306 : vector<512x128xi1>, vector<512x128xf32>
      %reduce_or3A_308 = arith.constant dense<0xFF800000> : vector<512xf32>
      %reduce_or3A_309 = vector.multi_reduction <maximumf>, %reduce_or3A_307, %reduce_or3A_308 [1] : vector<512x128xf32> to vector<512xf32>
      %reduce_or3A_310 = arith.constant 0.000000e+00 : f32
      %reduce_or3A_311 = vector.broadcast %reduce_or3A_310 : f32 to vector<512xf32>
      %reduce_or3A_312 = arith.cmpf ogt, %reduce_or3A_309, %reduce_or3A_311 : vector<512xf32>
      %broadcast_in_dim3A_313 = vector.shape_cast %reduce_or3A_312 : vector<512xi1> to vector<512x1xi1>
      %convert_element_type3A_314 = arith.extui %broadcast_in_dim3A_313 : vector<512x1xi1> to vector<512x1xi32>
      %reshape3A = vector.shape_cast %convert_element_type3A_314 : vector<512x1xi32> to vector<1x512x1xi32>
      %swap3A_315 = arith.constant 0 : index
      %swap3A_316 = arith.constant 0 : index
      %swap3A_317 = arith.constant 0 : index
      %swap3A_318 = vector.load %arg13[%swap3A_315, %swap3A_316, %swap3A_317] : memref<1x512x1xi32, #tpu.memory_space<vmem>>, vector<1x512x1xi32>
      tpu.vector_store %arg13[%swap3A_315, %swap3A_316, %swap3A_317], %reshape3A {strides = array<i32>} : memref<1x512x1xi32, #tpu.memory_space<vmem>>, vector<1x512x1xi32>,
    } else {
    }
    %or3A = arith.ori %gt3A, %le3A : i1
    %not3A = arith.constant true
    %not3A_11 = arith.xori %or3A, %not3A : i1
    %convert_element_type3A_12 = arith.extui %not3A_11 : i1 to i32
    %cond3A_13 = arith.constant 0 : i32
    %cond3A_14 = arith.cmpi ne, %convert_element_type3A_12, %cond3A_13 : i32
    scf.if %cond3A_14 {
      %get3A = arith.constant 0 : index
      %get3A_18 = arith.constant 0 : index
      %get3A_19 = vector.load %arg2[%get3A, %get3A_18] : memref<512x1xf32, #tpu.memory_space<vmem>>, vector<512x1xf32>
      %get3A_20 = arith.constant 0 : index
      %get3A_21 = arith.constant 0 : index
      %get3A_22 = vector.load %arg7[%get3A_20, %get3A_21] : memref<1x4096xf32, #tpu.memory_space<vmem>>, vector<1x4096xf32>
      %max3A = vector.broadcast %get3A_19 : vector<512x1xf32> to vector<512x4096xf32>
      %max3A_23 = vector.broadcast %get3A_22 : vector<1x4096xf32> to vector<512x4096xf32>
      %max3A_24 = arith.maximumf %max3A, %max3A_23 : vector<512x4096xf32>
      %get3A_25 = arith.constant 0 : index
      %get3A_26 = arith.constant 0 : index
      %get3A_27 = vector.load %arg3[%get3A_25, %get3A_26] : memref<512x1xf32, #tpu.memory_space<vmem>>, vector<512x1xf32>
      %get3A_28 = arith.constant 0 : index
      %get3A_29 = arith.constant 0 : index
      %get3A_30 = vector.load %arg8[%get3A_28, %get3A_29] : memref<1x4096xf32, #tpu.memory_space<vmem>>, vector<1x4096xf32>
      %max3A_31 = vector.broadcast %get3A_27 : vector<512x1xf32> to vector<512x4096xf32>
      %max3A_32 = vector.broadcast %get3A_30 : vector<1x4096xf32> to vector<512x4096xf32>
      %max3A_33 = arith.maximumf %max3A_31, %max3A_32 : vector<512x4096xf32>
      %get3A_34 = arith.constant 0 : index
      %get3A_35 = arith.constant 0 : index
      %get3A_36 = vector.load %arg4[%get3A_34, %get3A_35] : memref<512x1xf32, #tpu.memory_space<vmem>>, vector<512x1xf32>
      %get3A_37 = arith.constant 0 : index
      %get3A_38 = arith.constant 0 : index
      %get3A_39 = vector.load %arg9[%get3A_37, %get3A_38] : memref<1x4096xf32, #tpu.memory_space<vmem>>, vector<1x4096xf32>
      %min3A = vector.broadcast %get3A_36 : vector<512x1xf32> to vector<512x4096xf32>
      %min3A_40 = vector.broadcast %get3A_39 : vector<1x4096xf32> to vector<512x4096xf32>
      %min3A_41 = arith.minimumf %min3A, %min3A_40 : vector<512x4096xf32>
      %get3A_42 = arith.constant 0 : index
      %get3A_43 = arith.constant 0 : index
      %get3A_44 = vector.load %arg5[%get3A_42, %get3A_43] : memref<512x1xf32, #tpu.memory_space<vmem>>, vector<512x1xf32>
      %get3A_45 = arith.constant 0 : index
      %get3A_46 = arith.constant 0 : index
      %get3A_47 = vector.load %arg10[%get3A_45, %get3A_46] : memref<1x4096xf32, #tpu.memory_space<vmem>>, vector<1x4096xf32>
      %min3A_48 = vector.broadcast %get3A_44 : vector<512x1xf32> to vector<512x4096xf32>
      %min3A_49 = vector.broadcast %get3A_47 : vector<1x4096xf32> to vector<512x4096xf32>
      %min3A_50 = arith.minimumf %min3A_48, %min3A_49 : vector<512x4096xf32>
      %sub3A = arith.subf %min3A_41, %max3A_24 : vector<512x4096xf32>
      %add3A_51 = arith.constant 1.000000e+00 : f32
      %add3A_52 = vector.broadcast %add3A_51 : f32 to vector<512x4096xf32>
      %add3A_53 = arith.addf %sub3A, %add3A_52 : vector<512x4096xf32>
      %max3A_54 = arith.constant 0.000000e+00 : f32
      %max3A_55 = vector.broadcast %max3A_54 : f32 to vector<512x4096xf32>
      %max3A_56 = arith.maximumf %add3A_53, %max3A_55 : vector<512x4096xf32>
      %sub3A_57 = arith.subf %min3A_50, %max3A_33 : vector<512x4096xf32>
      %add3A_58 = arith.constant 1.000000e+00 : f32
      %add3A_59 = vector.broadcast %add3A_58 : f32 to vector<512x4096xf32>
      %add3A_60 = arith.addf %sub3A_57, %add3A_59 : vector<512x4096xf32>
      %max3A_61 = arith.constant 0.000000e+00 : f32
      %max3A_62 = vector.broadcast %max3A_61 : f32 to vector<512x4096xf32>
      %max3A_63 = arith.maximumf %add3A_60, %max3A_62 : vector<512x4096xf32>
      %mul3A_64 = arith.mulf %max3A_56, %max3A_63 : vector<512x4096xf32>
      %get3A_65 = arith.constant 0 : index
      %get3A_66 = arith.constant 0 : index
      %get3A_67 = vector.load %arg6[%get3A_65, %get3A_66] : memref<512x1xf32, #tpu.memory_space<vmem>>, vector<512x1xf32>
      %get3A_68 = arith.constant 0 : index
      %get3A_69 = arith.constant 0 : index
      %get3A_70 = vector.load %arg11[%get3A_68, %get3A_69] : memref<1x4096xf32, #tpu.memory_space<vmem>>, vector<1x4096xf32>
      %add3A_71 = vector.broadcast %get3A_67 : vector<512x1xf32> to vector<512x4096xf32>
      %add3A_72 = vector.broadcast %get3A_70 : vector<1x4096xf32> to vector<512x4096xf32>
      %add3A_73 = arith.addf %add3A_71, %add3A_72 : vector<512x4096xf32>
      %sub3A_74 = arith.subf %add3A_73, %mul3A_64 : vector<512x4096xf32>
      %div3A = arith.divf %mul3A_64, %sub3A_74 : vector<512x4096xf32>
      %gt3A_75 = arith.constant 5.000000e-01 : f32
      %gt3A_76 = vector.broadcast %gt3A_75 : f32 to vector<512x4096xf32>
      %gt3A_77 = arith.cmpf ogt, %div3A, %gt3A_76 : vector<512x4096xf32>
      %iota3A = tpu.iota {dimensions = array<i32: 0>} : vector<512x4096xi32>
      %mul3A_78 = arith.constant 512 : i32
      %mul3A_79 = arith.muli %arg0, %mul3A_78 : i32
      %add3A_80 = vector.broadcast %mul3A_79 : i32 to vector<512x4096xi32>
      %add3A_81 = arith.addi %iota3A, %add3A_80 : vector<512x4096xi32>
      %iota3A_82 = tpu.iota {dimensions = array<i32: 1>} : vector<512x4096xi32>
      %mul3A_83 = arith.constant 4096 : i32
      %mul3A_84 = arith.muli %arg1, %mul3A_83 : i32
      %add3A_85 = vector.broadcast %mul3A_84 : i32 to vector<512x4096xi32>
      %add3A_86 = arith.addi %iota3A_82, %add3A_85 : vector<512x4096xi32>
      %gt3A_87 = arith.cmpi sgt, %add3A_86, %add3A_81 : vector<512x4096xi32>
      %and3A = arith.andi %gt3A_77, %gt3A_87 : vector<512x4096xi1>
      %broadcast_in_dim3A = arith.constant 0 : i32
      %broadcast_in_dim3A_88 = vector.broadcast %broadcast_in_dim3A : i32 to vector<512x128xi32>
      %slice3A = vector.extract_strided_slice %and3A {offsets = [0, 0], sizes = [512, 128], strides = [1, 1]} : vector<512x4096xi1> to vector<512x128xi1>
      %jit3A = arith.constant 1 : i32
      %jit3A_89 = arith.constant 0 : i32
      %broadcast_in_dim3A_90 = vector.broadcast %jit3A : i32 to vector<512x128xi32>
      %broadcast_in_dim3A_91 = vector.broadcast %jit3A_89 : i32 to vector<512x128xi32>
      %select_n3A = arith.select %slice3A, %broadcast_in_dim3A_90, %broadcast_in_dim3A_91 : vector<512x128xi1>, vector<512x128xi32>
      %or3A_92 = arith.ori %broadcast_in_dim3A_88, %select_n3A : vector<512x128xi32>
      %slice3A_93 = vector.extract_strided_slice %and3A {offsets = [0, 128], sizes = [512, 128], strides = [1, 1]} : vector<512x4096xi1> to vector<512x128xi1>
      %jit3A_94 = arith.constant 2 : i32
      %jit3A_95 = arith.constant 0 : i32
      %broadcast_in_dim3A_96 = vector.broadcast %jit3A_94 : i32 to vector<512x128xi32>
      %broadcast_in_dim3A_97 = vector.broadcast %jit3A_95 : i32 to vector<512x128xi32>
      %select_n3A_98 = arith.select %slice3A_93, %broadcast_in_dim3A_96, %broadcast_in_dim3A_97 : vector<512x128xi1>, vector<512x128xi32>
      %or3A_99 = arith.ori %or3A_92, %select_n3A_98 : vector<512x128xi32>
      %slice3A_100 = vector.extract_strided_slice %and3A {offsets = [0, 256], sizes = [512, 128], strides = [1, 1]} : vector<512x4096xi1> to vector<512x128xi1>
      %jit3A_101 = arith.constant 4 : i32
      %jit3A_102 = arith.constant 0 : i32
      %broadcast_in_dim3A_103 = vector.broadcast %jit3A_101 : i32 to vector<512x128xi32>
      %broadcast_in_dim3A_104 = vector.broadcast %jit3A_102 : i32 to vector<512x128xi32>
      %select_n3A_105 = arith.select %slice3A_100, %broadcast_in_dim3A_103, %broadcast_in_dim3A_104 : vector<512x128xi1>, vector<512x128xi32>
      %or3A_106 = arith.ori %or3A_99, %select_n3A_105 : vector<512x128xi32>
      %slice3A_107 = vector.extract_strided_slice %and3A {offsets = [0, 384], sizes = [512, 128], strides = [1, 1]} : vector<512x4096xi1> to vector<512x128xi1>
      %jit3A_108 = arith.constant 8 : i32
      %jit3A_109 = arith.constant 0 : i32
      %broadcast_in_dim3A_110 = vector.broadcast %jit3A_108 : i32 to vector<512x128xi32>
      %broadcast_in_dim3A_111 = vector.broadcast %jit3A_109 : i32 to vector<512x128xi32>
      %select_n3A_112 = arith.select %slice3A_107, %broadcast_in_dim3A_110, %broadcast_in_dim3A_111 : vector<512x128xi1>, vector<512x128xi32>
      %or3A_113 = arith.ori %or3A_106, %select_n3A_112 : vector<512x128xi32>
      %slice3A_114 = vector.extract_strided_slice %and3A {offsets = [0, 512], sizes = [512, 128], strides = [1, 1]} : vector<512x4096xi1> to vector<512x128xi1>
      %jit3A_115 = arith.constant 16 : i32
      %jit3A_116 = arith.constant 0 : i32
      %broadcast_in_dim3A_117 = vector.broadcast %jit3A_115 : i32 to vector<512x128xi32>
      %broadcast_in_dim3A_118 = vector.broadcast %jit3A_116 : i32 to vector<512x128xi32>
      %select_n3A_119 = arith.select %slice3A_114, %broadcast_in_dim3A_117, %broadcast_in_dim3A_118 : vector<512x128xi1>, vector<512x128xi32>
      %or3A_120 = arith.ori %or3A_113, %select_n3A_119 : vector<512x128xi32>
      %slice3A_121 = vector.extract_strided_slice %and3A {offsets = [0, 640], sizes = [512, 128], strides = [1, 1]} : vector<512x4096xi1> to vector<512x128xi1>
      %jit3A_122 = arith.constant 32 : i32
      %jit3A_123 = arith.constant 0 : i32
      %broadcast_in_dim3A_124 = vector.broadcast %jit3A_122 : i32 to vector<512x128xi32>
      %broadcast_in_dim3A_125 = vector.broadcast %jit3A_123 : i32 to vector<512x128xi32>
      %select_n3A_126 = arith.select %slice3A_121, %broadcast_in_dim3A_124, %broadcast_in_dim3A_125 : vector<512x128xi1>, vector<512x128xi32>
      %or3A_127 = arith.ori %or3A_120, %select_n3A_126 : vector<512x128xi32>
      %slice3A_128 = vector.extract_strided_slice %and3A {offsets = [0, 768], sizes = [512, 128], strides = [1, 1]} : vector<512x4096xi1> to vector<512x128xi1>
      %jit3A_129 = arith.constant 64 : i32
      %jit3A_130 = arith.constant 0 : i32
      %broadcast_in_dim3A_131 = vector.broadcast %jit3A_129 : i32 to vector<512x128xi32>
      %broadcast_in_dim3A_132 = vector.broadcast %jit3A_130 : i32 to vector<512x128xi32>
      %select_n3A_133 = arith.select %slice3A_128, %broadcast_in_dim3A_131, %broadcast_in_dim3A_132 : vector<512x128xi1>, vector<512x128xi32>
      %or3A_134 = arith.ori %or3A_127, %select_n3A_133 : vector<512x128xi32>
      %slice3A_135 = vector.extract_strided_slice %and3A {offsets = [0, 896], sizes = [512, 128], strides = [1, 1]} : vector<512x4096xi1> to vector<512x128xi1>
      %jit3A_136 = arith.constant 128 : i32
      %jit3A_137 = arith.constant 0 : i32
      %broadcast_in_dim3A_138 = vector.broadcast %jit3A_136 : i32 to vector<512x128xi32>
      %broadcast_in_dim3A_139 = vector.broadcast %jit3A_137 : i32 to vector<512x128xi32>
      %select_n3A_140 = arith.select %slice3A_135, %broadcast_in_dim3A_138, %broadcast_in_dim3A_139 : vector<512x128xi1>, vector<512x128xi32>
      %or3A_141 = arith.ori %or3A_134, %select_n3A_140 : vector<512x128xi32>
      %slice3A_142 = vector.extract_strided_slice %and3A {offsets = [0, 1024], sizes = [512, 128], strides = [1, 1]} : vector<512x4096xi1> to vector<512x128xi1>
      %jit3A_143 = arith.constant 256 : i32
      %jit3A_144 = arith.constant 0 : i32
      %broadcast_in_dim3A_145 = vector.broadcast %jit3A_143 : i32 to vector<512x128xi32>
      %broadcast_in_dim3A_146 = vector.broadcast %jit3A_144 : i32 to vector<512x128xi32>
      %select_n3A_147 = arith.select %slice3A_142, %broadcast_in_dim3A_145, %broadcast_in_dim3A_146 : vector<512x128xi1>, vector<512x128xi32>
      %or3A_148 = arith.ori %or3A_141, %select_n3A_147 : vector<512x128xi32>
      %slice3A_149 = vector.extract_strided_slice %and3A {offsets = [0, 1152], sizes = [512, 128], strides = [1, 1]} : vector<512x4096xi1> to vector<512x128xi1>
      %jit3A_150 = arith.constant 512 : i32
      %jit3A_151 = arith.constant 0 : i32
      %broadcast_in_dim3A_152 = vector.broadcast %jit3A_150 : i32 to vector<512x128xi32>
      %broadcast_in_dim3A_153 = vector.broadcast %jit3A_151 : i32 to vector<512x128xi32>
      %select_n3A_154 = arith.select %slice3A_149, %broadcast_in_dim3A_152, %broadcast_in_dim3A_153 : vector<512x128xi1>, vector<512x128xi32>
      %or3A_155 = arith.ori %or3A_148, %select_n3A_154 : vector<512x128xi32>
      %slice3A_156 = vector.extract_strided_slice %and3A {offsets = [0, 1280], sizes = [512, 128], strides = [1, 1]} : vector<512x4096xi1> to vector<512x128xi1>
      %jit3A_157 = arith.constant 1024 : i32
      %jit3A_158 = arith.constant 0 : i32
      %broadcast_in_dim3A_159 = vector.broadcast %jit3A_157 : i32 to vector<512x128xi32>
      %broadcast_in_dim3A_160 = vector.broadcast %jit3A_158 : i32 to vector<512x128xi32>
      %select_n3A_161 = arith.select %slice3A_156, %broadcast_in_dim3A_159, %broadcast_in_dim3A_160 : vector<512x128xi1>, vector<512x128xi32>
      %or3A_162 = arith.ori %or3A_155, %select_n3A_161 : vector<512x128xi32>
      %slice3A_163 = vector.extract_strided_slice %and3A {offsets = [0, 1408], sizes = [512, 128], strides = [1, 1]} : vector<512x4096xi1> to vector<512x128xi1>
      %jit3A_164 = arith.constant 2048 : i32
      %jit3A_165 = arith.constant 0 : i32
      %broadcast_in_dim3A_166 = vector.broadcast %jit3A_164 : i32 to vector<512x128xi32>
      %broadcast_in_dim3A_167 = vector.broadcast %jit3A_165 : i32 to vector<512x128xi32>
      %select_n3A_168 = arith.select %slice3A_163, %broadcast_in_dim3A_166, %broadcast_in_dim3A_167 : vector<512x128xi1>, vector<512x128xi32>
      %or3A_169 = arith.ori %or3A_162, %select_n3A_168 : vector<512x128xi32>
      %slice3A_170 = vector.extract_strided_slice %and3A {offsets = [0, 1536], sizes = [512, 128], strides = [1, 1]} : vector<512x4096xi1> to vector<512x128xi1>
      %jit3A_171 = arith.constant 4096 : i32
      %jit3A_172 = arith.constant 0 : i32
      %broadcast_in_dim3A_173 = vector.broadcast %jit3A_171 : i32 to vector<512x128xi32>
      %broadcast_in_dim3A_174 = vector.broadcast %jit3A_172 : i32 to vector<512x128xi32>
      %select_n3A_175 = arith.select %slice3A_170, %broadcast_in_dim3A_173, %broadcast_in_dim3A_174 : vector<512x128xi1>, vector<512x128xi32>
      %or3A_176 = arith.ori %or3A_169, %select_n3A_175 : vector<512x128xi32>
      %slice3A_177 = vector.extract_strided_slice %and3A {offsets = [0, 1664], sizes = [512, 128], strides = [1, 1]} : vector<512x4096xi1> to vector<512x128xi1>
      %jit3A_178 = arith.constant 8192 : i32
      %jit3A_179 = arith.constant 0 : i32
      %broadcast_in_dim3A_180 = vector.broadcast %jit3A_178 : i32 to vector<512x128xi32>
      %broadcast_in_dim3A_181 = vector.broadcast %jit3A_179 : i32 to vector<512x128xi32>
      %select_n3A_182 = arith.select %slice3A_177, %broadcast_in_dim3A_180, %broadcast_in_dim3A_181 : vector<512x128xi1>, vector<512x128xi32>
      %or3A_183 = arith.ori %or3A_176, %select_n3A_182 : vector<512x128xi32>
      %slice3A_184 = vector.extract_strided_slice %and3A {offsets = [0, 1792], sizes = [512, 128], strides = [1, 1]} : vector<512x4096xi1> to vector<512x128xi1>
      %jit3A_185 = arith.constant 16384 : i32
      %jit3A_186 = arith.constant 0 : i32
      %broadcast_in_dim3A_187 = vector.broadcast %jit3A_185 : i32 to vector<512x128xi32>
      %broadcast_in_dim3A_188 = vector.broadcast %jit3A_186 : i32 to vector<512x128xi32>
      %select_n3A_189 = arith.select %slice3A_184, %broadcast_in_dim3A_187, %broadcast_in_dim3A_188 : vector<512x128xi1>, vector<512x128xi32>
      %or3A_190 = arith.ori %or3A_183, %select_n3A_189 : vector<512x128xi32>
      %slice3A_191 = vector.extract_strided_slice %and3A {offsets = [0, 1920], sizes = [512, 128], strides = [1, 1]} : vector<512x4096xi1> to vector<512x128xi1>
      %jit3A_192 = arith.constant 32768 : i32
      %jit3A_193 = arith.constant 0 : i32
      %broadcast_in_dim3A_194 = vector.broadcast %jit3A_192 : i32 to vector<512x128xi32>
      %broadcast_in_dim3A_195 = vector.broadcast %jit3A_193 : i32 to vector<512x128xi32>
      %select_n3A_196 = arith.select %slice3A_191, %broadcast_in_dim3A_194, %broadcast_in_dim3A_195 : vector<512x128xi1>, vector<512x128xi32>
      %or3A_197 = arith.ori %or3A_190, %select_n3A_196 : vector<512x128xi32>
      %slice3A_198 = vector.extract_strided_slice %and3A {offsets = [0, 2048], sizes = [512, 128], strides = [1, 1]} : vector<512x4096xi1> to vector<512x128xi1>
      %jit3A_199 = arith.constant 65536 : i32
      %jit3A_200 = arith.constant 0 : i32
      %broadcast_in_dim3A_201 = vector.broadcast %jit3A_199 : i32 to vector<512x128xi32>
      %broadcast_in_dim3A_202 = vector.broadcast %jit3A_200 : i32 to vector<512x128xi32>
      %select_n3A_203 = arith.select %slice3A_198, %broadcast_in_dim3A_201, %broadcast_in_dim3A_202 : vector<512x128xi1>, vector<512x128xi32>
      %or3A_204 = arith.ori %or3A_197, %select_n3A_203 : vector<512x128xi32>
      %slice3A_205 = vector.extract_strided_slice %and3A {offsets = [0, 2176], sizes = [512, 128], strides = [1, 1]} : vector<512x4096xi1> to vector<512x128xi1>
      %jit3A_206 = arith.constant 131072 : i32
      %jit3A_207 = arith.constant 0 : i32
      %broadcast_in_dim3A_208 = vector.broadcast %jit3A_206 : i32 to vector<512x128xi32>
      %broadcast_in_dim3A_209 = vector.broadcast %jit3A_207 : i32 to vector<512x128xi32>
      %select_n3A_210 = arith.select %slice3A_205, %broadcast_in_dim3A_208, %broadcast_in_dim3A_209 : vector<512x128xi1>, vector<512x128xi32>
      %or3A_211 = arith.ori %or3A_204, %select_n3A_210 : vector<512x128xi32>
      %slice3A_212 = vector.extract_strided_slice %and3A {offsets = [0, 2304], sizes = [512, 128], strides = [1, 1]} : vector<512x4096xi1> to vector<512x128xi1>
      %jit3A_213 = arith.constant 262144 : i32
      %jit3A_214 = arith.constant 0 : i32
      %broadcast_in_dim3A_215 = vector.broadcast %jit3A_213 : i32 to vector<512x128xi32>
      %broadcast_in_dim3A_216 = vector.broadcast %jit3A_214 : i32 to vector<512x128xi32>
      %select_n3A_217 = arith.select %slice3A_212, %broadcast_in_dim3A_215, %broadcast_in_dim3A_216 : vector<512x128xi1>, vector<512x128xi32>
      %or3A_218 = arith.ori %or3A_211, %select_n3A_217 : vector<512x128xi32>
      %slice3A_219 = vector.extract_strided_slice %and3A {offsets = [0, 2432], sizes = [512, 128], strides = [1, 1]} : vector<512x4096xi1> to vector<512x128xi1>
      %jit3A_220 = arith.constant 524288 : i32
      %jit3A_221 = arith.constant 0 : i32
      %broadcast_in_dim3A_222 = vector.broadcast %jit3A_220 : i32 to vector<512x128xi32>
      %broadcast_in_dim3A_223 = vector.broadcast %jit3A_221 : i32 to vector<512x128xi32>
      %select_n3A_224 = arith.select %slice3A_219, %broadcast_in_dim3A_222, %broadcast_in_dim3A_223 : vector<512x128xi1>, vector<512x128xi32>
      %or3A_225 = arith.ori %or3A_218, %select_n3A_224 : vector<512x128xi32>
      %slice3A_226 = vector.extract_strided_slice %and3A {offsets = [0, 2560], sizes = [512, 128], strides = [1, 1]} : vector<512x4096xi1> to vector<512x128xi1>
      %jit3A_227 = arith.constant 1048576 : i32
      %jit3A_228 = arith.constant 0 : i32
      %broadcast_in_dim3A_229 = vector.broadcast %jit3A_227 : i32 to vector<512x128xi32>
      %broadcast_in_dim3A_230 = vector.broadcast %jit3A_228 : i32 to vector<512x128xi32>
      %select_n3A_231 = arith.select %slice3A_226, %broadcast_in_dim3A_229, %broadcast_in_dim3A_230 : vector<512x128xi1>, vector<512x128xi32>
      %or3A_232 = arith.ori %or3A_225, %select_n3A_231 : vector<512x128xi32>
      %slice3A_233 = vector.extract_strided_slice %and3A {offsets = [0, 2688], sizes = [512, 128], strides = [1, 1]} : vector<512x4096xi1> to vector<512x128xi1>
      %jit3A_234 = arith.constant 2097152 : i32
      %jit3A_235 = arith.constant 0 : i32
      %broadcast_in_dim3A_236 = vector.broadcast %jit3A_234 : i32 to vector<512x128xi32>
      %broadcast_in_dim3A_237 = vector.broadcast %jit3A_235 : i32 to vector<512x128xi32>
      %select_n3A_238 = arith.select %slice3A_233, %broadcast_in_dim3A_236, %broadcast_in_dim3A_237 : vector<512x128xi1>, vector<512x128xi32>
      %or3A_239 = arith.ori %or3A_232, %select_n3A_238 : vector<512x128xi32>
      %slice3A_240 = vector.extract_strided_slice %and3A {offsets = [0, 2816], sizes = [512, 128], strides = [1, 1]} : vector<512x4096xi1> to vector<512x128xi1>
      %jit3A_241 = arith.constant 4194304 : i32
      %jit3A_242 = arith.constant 0 : i32
      %broadcast_in_dim3A_243 = vector.broadcast %jit3A_241 : i32 to vector<512x128xi32>
      %broadcast_in_dim3A_244 = vector.broadcast %jit3A_242 : i32 to vector<512x128xi32>
      %select_n3A_245 = arith.select %slice3A_240, %broadcast_in_dim3A_243, %broadcast_in_dim3A_244 : vector<512x128xi1>, vector<512x128xi32>
      %or3A_246 = arith.ori %or3A_239, %select_n3A_245 : vector<512x128xi32>
      %slice3A_247 = vector.extract_strided_slice %and3A {offsets = [0, 2944], sizes = [512, 128], strides = [1, 1]} : vector<512x4096xi1> to vector<512x128xi1>
      %jit3A_248 = arith.constant 8388608 : i32
      %jit3A_249 = arith.constant 0 : i32
      %broadcast_in_dim3A_250 = vector.broadcast %jit3A_248 : i32 to vector<512x128xi32>
      %broadcast_in_dim3A_251 = vector.broadcast %jit3A_249 : i32 to vector<512x128xi32>
      %select_n3A_252 = arith.select %slice3A_247, %broadcast_in_dim3A_250, %broadcast_in_dim3A_251 : vector<512x128xi1>, vector<512x128xi32>
      %or3A_253 = arith.ori %or3A_246, %select_n3A_252 : vector<512x128xi32>
      %slice3A_254 = vector.extract_strided_slice %and3A {offsets = [0, 3072], sizes = [512, 128], strides = [1, 1]} : vector<512x4096xi1> to vector<512x128xi1>
      %jit3A_255 = arith.constant 16777216 : i32
      %jit3A_256 = arith.constant 0 : i32
      %broadcast_in_dim3A_257 = vector.broadcast %jit3A_255 : i32 to vector<512x128xi32>
      %broadcast_in_dim3A_258 = vector.broadcast %jit3A_256 : i32 to vector<512x128xi32>
      %select_n3A_259 = arith.select %slice3A_254, %broadcast_in_dim3A_257, %broadcast_in_dim3A_258 : vector<512x128xi1>, vector<512x128xi32>
      %or3A_260 = arith.ori %or3A_253, %select_n3A_259 : vector<512x128xi32>
      %slice3A_261 = vector.extract_strided_slice %and3A {offsets = [0, 3200], sizes = [512, 128], strides = [1, 1]} : vector<512x4096xi1> to vector<512x128xi1>
      %jit3A_262 = arith.constant 33554432 : i32
      %jit3A_263 = arith.constant 0 : i32
      %broadcast_in_dim3A_264 = vector.broadcast %jit3A_262 : i32 to vector<512x128xi32>
      %broadcast_in_dim3A_265 = vector.broadcast %jit3A_263 : i32 to vector<512x128xi32>
      %select_n3A_266 = arith.select %slice3A_261, %broadcast_in_dim3A_264, %broadcast_in_dim3A_265 : vector<512x128xi1>, vector<512x128xi32>
      %or3A_267 = arith.ori %or3A_260, %select_n3A_266 : vector<512x128xi32>
      %slice3A_268 = vector.extract_strided_slice %and3A {offsets = [0, 3328], sizes = [512, 128], strides = [1, 1]} : vector<512x4096xi1> to vector<512x128xi1>
      %jit3A_269 = arith.constant 67108864 : i32
      %jit3A_270 = arith.constant 0 : i32
      %broadcast_in_dim3A_271 = vector.broadcast %jit3A_269 : i32 to vector<512x128xi32>
      %broadcast_in_dim3A_272 = vector.broadcast %jit3A_270 : i32 to vector<512x128xi32>
      %select_n3A_273 = arith.select %slice3A_268, %broadcast_in_dim3A_271, %broadcast_in_dim3A_272 : vector<512x128xi1>, vector<512x128xi32>
      %or3A_274 = arith.ori %or3A_267, %select_n3A_273 : vector<512x128xi32>
      %slice3A_275 = vector.extract_strided_slice %and3A {offsets = [0, 3456], sizes = [512, 128], strides = [1, 1]} : vector<512x4096xi1> to vector<512x128xi1>
      %jit3A_276 = arith.constant 134217728 : i32
      %jit3A_277 = arith.constant 0 : i32
      %broadcast_in_dim3A_278 = vector.broadcast %jit3A_276 : i32 to vector<512x128xi32>
      %broadcast_in_dim3A_279 = vector.broadcast %jit3A_277 : i32 to vector<512x128xi32>
      %select_n3A_280 = arith.select %slice3A_275, %broadcast_in_dim3A_278, %broadcast_in_dim3A_279 : vector<512x128xi1>, vector<512x128xi32>
      %or3A_281 = arith.ori %or3A_274, %select_n3A_280 : vector<512x128xi32>
      %slice3A_282 = vector.extract_strided_slice %and3A {offsets = [0, 3584], sizes = [512, 128], strides = [1, 1]} : vector<512x4096xi1> to vector<512x128xi1>
      %jit3A_283 = arith.constant 268435456 : i32
      %jit3A_284 = arith.constant 0 : i32
      %broadcast_in_dim3A_285 = vector.broadcast %jit3A_283 : i32 to vector<512x128xi32>
      %broadcast_in_dim3A_286 = vector.broadcast %jit3A_284 : i32 to vector<512x128xi32>
      %select_n3A_287 = arith.select %slice3A_282, %broadcast_in_dim3A_285, %broadcast_in_dim3A_286 : vector<512x128xi1>, vector<512x128xi32>
      %or3A_288 = arith.ori %or3A_281, %select_n3A_287 : vector<512x128xi32>
      %slice3A_289 = vector.extract_strided_slice %and3A {offsets = [0, 3712], sizes = [512, 128], strides = [1, 1]} : vector<512x4096xi1> to vector<512x128xi1>
      %jit3A_290 = arith.constant 536870912 : i32
      %jit3A_291 = arith.constant 0 : i32
      %broadcast_in_dim3A_292 = vector.broadcast %jit3A_290 : i32 to vector<512x128xi32>
      %broadcast_in_dim3A_293 = vector.broadcast %jit3A_291 : i32 to vector<512x128xi32>
      %select_n3A_294 = arith.select %slice3A_289, %broadcast_in_dim3A_292, %broadcast_in_dim3A_293 : vector<512x128xi1>, vector<512x128xi32>
      %or3A_295 = arith.ori %or3A_288, %select_n3A_294 : vector<512x128xi32>
      %slice3A_296 = vector.extract_strided_slice %and3A {offsets = [0, 3840], sizes = [512, 128], strides = [1, 1]} : vector<512x4096xi1> to vector<512x128xi1>
      %jit3A_297 = arith.constant 1073741824 : i32
      %jit3A_298 = arith.constant 0 : i32
      %broadcast_in_dim3A_299 = vector.broadcast %jit3A_297 : i32 to vector<512x128xi32>
      %broadcast_in_dim3A_300 = vector.broadcast %jit3A_298 : i32 to vector<512x128xi32>
      %select_n3A_301 = arith.select %slice3A_296, %broadcast_in_dim3A_299, %broadcast_in_dim3A_300 : vector<512x128xi1>, vector<512x128xi32>
      %or3A_302 = arith.ori %or3A_295, %select_n3A_301 : vector<512x128xi32>
      %slice3A_303 = vector.extract_strided_slice %and3A {offsets = [0, 3968], sizes = [512, 128], strides = [1, 1]} : vector<512x4096xi1> to vector<512x128xi1>
      %jit3A_304 = arith.constant -2147483648 : i32
      %jit3A_305 = arith.constant 0 : i32
      %broadcast_in_dim3A_306 = vector.broadcast %jit3A_304 : i32 to vector<512x128xi32>
      %broadcast_in_dim3A_307 = vector.broadcast %jit3A_305 : i32 to vector<512x128xi32>
      %select_n3A_308 = arith.select %slice3A_303, %broadcast_in_dim3A_306, %broadcast_in_dim3A_307 : vector<512x128xi1>, vector<512x128xi32>
      %or3A_309 = arith.ori %or3A_302, %select_n3A_308 : vector<512x128xi32>
      %swap3A = arith.constant 0 : index
      %swap3A_310 = arith.constant 0 : index
      %swap3A_311 = vector.load %arg12[%swap3A, %swap3A_310] : memref<512x128xi32, #tpu.memory_space<vmem>>, vector<512x128xi32>
      tpu.vector_store %arg12[%swap3A, %swap3A_310], %or3A_309 {strides = array<i32>} : memref<512x128xi32, #tpu.memory_space<vmem>>, vector<512x128xi32>,
      %ne3A = arith.constant 0 : i32
      %ne3A_312 = vector.broadcast %ne3A : i32 to vector<512x128xi32>
      %ne3A_313 = arith.cmpi ne, %or3A_309, %ne3A_312 : vector<512x128xi32>
      %reduce_or3A = arith.constant 1.000000e+00 : f32
      %reduce_or3A_314 = arith.constant 0.000000e+00 : f32
      %reduce_or3A_315 = vector.broadcast %reduce_or3A : f32 to vector<512x128xf32>
      %reduce_or3A_316 = vector.broadcast %reduce_or3A_314 : f32 to vector<512x128xf32>
      %reduce_or3A_317 = arith.select %ne3A_313, %reduce_or3A_315, %reduce_or3A_316 : vector<512x128xi1>, vector<512x128xf32>
      %reduce_or3A_318 = arith.constant dense<0xFF800000> : vector<512xf32>
      %reduce_or3A_319 = vector.multi_reduction <maximumf>, %reduce_or3A_317, %reduce_or3A_318 [1] : vector<512x128xf32> to vector<512xf32>
      %reduce_or3A_320 = arith.constant 0.000000e+00 : f32
      %reduce_or3A_321 = vector.broadcast %reduce_or3A_320 : f32 to vector<512xf32>
      %reduce_or3A_322 = arith.cmpf ogt, %reduce_or3A_319, %reduce_or3A_321 : vector<512xf32>
      %broadcast_in_dim3A_323 = vector.shape_cast %reduce_or3A_322 : vector<512xi1> to vector<512x1xi1>
      %convert_element_type3A_324 = arith.extui %broadcast_in_dim3A_323 : vector<512x1xi1> to vector<512x1xi32>
      %reshape3A = vector.shape_cast %convert_element_type3A_324 : vector<512x1xi32> to vector<1x512x1xi32>
      %swap3A_325 = arith.constant 0 : index
      %swap3A_326 = arith.constant 0 : index
      %swap3A_327 = arith.constant 0 : index
      %swap3A_328 = vector.load %arg13[%swap3A_325, %swap3A_326, %swap3A_327] : memref<1x512x1xi32, #tpu.memory_space<vmem>>, vector<1x512x1xi32>
      tpu.vector_store %arg13[%swap3A_325, %swap3A_326, %swap3A_327], %reshape3A {strides = array<i32>} : memref<1x512x1xi32, #tpu.memory_space<vmem>>, vector<1x512x1xi32>,
    } else {
    }
    %convert_element_type3A_15 = arith.extui %le3A : i1 to i32
    %cond3A_16 = arith.constant 0 : i32
    %cond3A_17 = arith.cmpi ne, %convert_element_type3A_15, %cond3A_16 : i32
    scf.if %cond3A_17 {
      %broadcast_in_dim3A = arith.constant 0 : i32
      %broadcast_in_dim3A_18 = vector.broadcast %broadcast_in_dim3A : i32 to vector<512x128xi32>
      %swap3A = arith.constant 0 : index
      %swap3A_19 = arith.constant 0 : index
      %swap3A_20 = vector.load %arg12[%swap3A, %swap3A_19] : memref<512x128xi32, #tpu.memory_space<vmem>>, vector<512x128xi32>
      tpu.vector_store %arg12[%swap3A, %swap3A_19], %broadcast_in_dim3A_18 {strides = array<i32>} : memref<512x128xi32, #tpu.memory_space<vmem>>, vector<512x128xi32>,
      %broadcast_in_dim3A_21 = arith.constant 0 : i32
      %broadcast_in_dim3A_22 = vector.broadcast %broadcast_in_dim3A_21 : i32 to vector<1x512x1xi32>
      %swap3A_23 = arith.constant 0 : index
      %swap3A_24 = arith.constant 0 : index
      %swap3A_25 = arith.constant 0 : index
      %swap3A_26 = vector.load %arg13[%swap3A_23, %swap3A_24, %swap3A_25] : memref<1x512x1xi32, #tpu.memory_space<vmem>>, vector<1x512x1xi32>
      tpu.vector_store %arg13[%swap3A_23, %swap3A_24, %swap3A_25], %broadcast_in_dim3A_22 {strides = array<i32>} : memref<1x512x1xi32, #tpu.memory_space<vmem>>, vector<1x512x1xi32>,
    } else {
    }
    return
  }
  func.func @transform_0(%arg0: i32, %arg1: i32) -> (i32, i32) {
    %c0_i32 = arith.constant 0 : i32
    %c0_i32_0 = arith.constant 0 : i32
    return %arg0, %c0_i32 : i32, i32
  }
  func.func @transform_1(%arg0: i32, %arg1: i32) -> (i32, i32) {
    %c0_i32 = arith.constant 0 : i32
    %c0_i32_0 = arith.constant 0 : i32
    return %arg0, %c0_i32 : i32, i32
  }
  func.func @transform_2(%arg0: i32, %arg1: i32) -> (i32, i32) {
    %c0_i32 = arith.constant 0 : i32
    %c0_i32_0 = arith.constant 0 : i32
    return %arg0, %c0_i32 : i32, i32
  }
  func.func @transform_3(%arg0: i32, %arg1: i32) -> (i32, i32) {
    %c0_i32 = arith.constant 0 : i32
    %c0_i32_0 = arith.constant 0 : i32
    return %arg0, %c0_i32 : i32, i32
  }
  func.func @transform_4(%arg0: i32, %arg1: i32) -> (i32, i32) {
    %c0_i32 = arith.constant 0 : i32
    %c0_i32_0 = arith.constant 0 : i32
    return %arg0, %c0_i32 : i32, i32
  }
  func.func @transform_5(%arg0: i32, %arg1: i32) -> (i32, i32) {
    %c0_i32 = arith.constant 0 : i32
    %c0_i32_0 = arith.constant 0 : i32
    return %c0_i32, %arg1 : i32, i32
  }
  func.func @transform_6(%arg0: i32, %arg1: i32) -> (i32, i32) {
    %c0_i32 = arith.constant 0 : i32
    %c0_i32_0 = arith.constant 0 : i32
    return %c0_i32, %arg1 : i32, i32
  }
  func.func @transform_7(%arg0: i32, %arg1: i32) -> (i32, i32) {
    %c0_i32 = arith.constant 0 : i32
    %c0_i32_0 = arith.constant 0 : i32
    return %c0_i32, %arg1 : i32, i32
  }
  func.func @transform_8(%arg0: i32, %arg1: i32) -> (i32, i32) {
    %c0_i32 = arith.constant 0 : i32
    %c0_i32_0 = arith.constant 0 : i32
    return %c0_i32, %arg1 : i32, i32
  }
  func.func @transform_9(%arg0: i32, %arg1: i32) -> (i32, i32) {
    %c0_i32 = arith.constant 0 : i32
    %c0_i32_0 = arith.constant 0 : i32
    return %c0_i32, %arg1 : i32, i32
  }
  func.func @transform_10(%arg0: i32, %arg1: i32) -> (i32, i32) {
    %c0_i32 = arith.constant 0 : i32
    return %arg0, %arg1 : i32, i32
  }
  func.func @transform_11(%arg0: i32, %arg1: i32) -> (i32, i32, i32) {
    %c0_i32 = arith.constant 0 : i32
    %c0_i32_0 = arith.constant 0 : i32
    return %arg1, %arg0, %c0_i32 : i32, i32, i32
  }
}

</mosaic_0001>

<sc_bundles>
// kernel: gather_offload_async_start.1
scs
__scs_entry_jumppad:
0x0: {  	(pc) =	sbr.rel $0x88, $3  }
0x1: {  	(tag) =	ssettag $0x0;
	lr =	simm.s32 $0x1  }
0x2: {  	[smem:$0x3F9E] =	sst lr;
	_ =	strace $0xD0000000  }
0x3: {  	_ = 	snop  }
0x4: {  	_ = 	snop  }
0x5: {  	_ = 	snop  }
0x6: {  	_ = 	snop  }
0x7: {  	_ = 	snop  }
__scs_overlays_trampoline_lowered:
0x8: {  	[smem:$0x3FAD] =	sst s0  }
0x9: {  	[smem:$0x3FAE] =	sst s1  }
0xa: {  	[smem:$0x3FAF] =	sst s2  }
0xb: {  	[smem:$0x3FB0] =	sst s3  }
0xc: {  	[smem:$0x3FB1] =	sst s4  }
0xd: {  	[smem:$0x3FB2] =	sst s5  }
0xe: {  	[smem:$0x3FB3] =	sst s6  }
0xf: {  	[smem:$0x3FB4] =	sst s7  }
0x10: {  	[smem:$0x3FB5] =	sst s8  }
0x11: {  	[smem:$0x3FB6] =	sst s9;
	s0 =	simm.s32 @!p0 $0x0  }
0x12: {  	s1 =	sld [smem:$0x3F9C];
	s0 =	simm.s32 @p0 $0x1  }
0x13: {  	[smem:$0x3FB7] =	sst s0;
	s0 =	simm.s32 @!p1 $0x0  }
0x14: {  	s2 =	sld [smem:$0x3F9B];
	s0 =	simm.s32 @p1 $0x1  }
0x15: {  	[smem:$0x3FB8] =	sst s0;
	s0 =	simm.s32 @!p2 $0x0  }
0x16: {  	s3 =	sld [smem:$0x3FDB];
	s0 =	simm.s32 @p2 $0x1  }
0x17: {  	s4 =	simm.s32 $0x1BF5;
	[smem:$0x3FBA] =	sst s0  }
0x18: {  	s0 =	sld [smem:$0x3F9D];
	_ =	swait.ge [sflag:s4], $0x0  }
0x19: {  	s7 =	sld [smem:$0x3F9E]  }
0x1a: {  	s8 =	sadd.s32 $0xFFFFE003, lr  }
0x1b: {  	s9 =	sadd.s32 $0xFFFFFEF7, lr;
	s5 =	simm.s32 $0xFFFFFFFF;
	p2 =	slt.u32 s8, $0xFFFFF086  }
0x1c: {  	p1 =	slt.u32 s9, $0xF7A;
	s5 =	simm.s32 @!p2 $0x0  }
0x1d: {  	s5 =	simm.s32 @p1 $0x1;
	p0 =	seq.s32 s7, s2  }
0x1e: {  	s7 =	smul.u32 @!p0 $0xF7A, s2;
	p2 =	seq.s32 @!p0 s5, $0x0  }
0x1f: {  	s9 =	smul.u32 $0xF7A, s1;
	s8 =	simm.s32 @!p0 $0x1BF5;
	p2 =	por !p2, p0  }
0x20: {  	[sflag:s8] =	ssyncset.s32 @!p0 $0xFFFFF086;
	s6 =	sadd.s32 @!p0 s3, s7;
	s7 =	simm.s32 @!p0 $0x108  }
0x21: {  	s3 =	sadd.s32 s3, s9;
	s6 =	sadd.s32 @!p0 $0x88, s6;
	s7 =	simm.s32 @p2 $0x1082  }
0x22: {  	[simem:s7], [sflag:s8] =	dma.local @!p0 [hbm:s6], $0xF7A  }
0x23: {  	s9 =	sor.u32 $0xD0000000, s2;
	s6 =	simm.s32 $0x108;
	_ =	swait.ge @!p0 [sflag:s8], $0x0  }
0x24: {  	s3 =	sadd.s32 $0x88, s3;
	s6 =	simm.s32 @!p1 $0x1082;
	[sflag:s4] =	ssyncset.s32 $0xFFFFF086  }
0x25: {  	[simem:s6], [sflag:s4] =	dma.local [hbm:s3], $0xF7A  }
0x26: {  	[smem:$0x3F9E] =	sst s1;
	(tag) =	ssettag s2;
	_ =	strace s9  }
0x27: {  	s1 =	sld [smem:$0x3FAE]  }
0x28: {  	s2 =	sld [smem:$0x3FAF]  }
0x29: {  	s4 =	sld [smem:$0x3FB1]  }
0x2a: {  	p0 =	seq.s32 s5, $0x0;
	s5 =	sld [smem:$0x3FB2]  }
0x2b: {  	s6 =	sld [smem:$0x3FB3]  }
0x2c: {  	s7 =	sld [smem:$0x3FB4]  }
0x2d: {  	s3 =	simm.s32 $0x108;
	s8 =	sld [smem:$0x3FB5]  }
0x2e: {  	s3 =	simm.s32 @!p0 $0x1082;
	s9 =	sld [smem:$0x3FB6]  }
0x2f: {  	lr =	sadd.s32 s0, s3;
	s0 =	sld [smem:$0x3FAD]  }
0x30: {  	s3 =	sld [smem:$0x3FB0]  }
0x31: {  	[smem:$0x3FB9] =	sst s10  }
0x32: {  	s10 =	sld [smem:$0x3FB7];
	_ =	sdelay $0x3  }
0x33: {  	p0 =	seq.s32 s10, $0x1;
	s10 =	sld [smem:$0x3FB9];
	_ =	sdelay $0x3  }
0x34: {  	[smem:$0x3FB9] =	sst s10  }
0x35: {  	s10 =	sld [smem:$0x3FB8];
	_ =	sdelay $0x3  }
0x36: {  	p1 =	seq.s32 s10, $0x1;
	s10 =	sld [smem:$0x3FB9];
	_ =	sdelay $0x3  }
0x37: {  	[smem:$0x3FB9] =	sst s10  }
0x38: {  	s10 =	sld [smem:$0x3FBA]  }
0x39: {  	_ = 	snop;
	(pc) =	sbr.ind lr, $3  }
0x3a: {  	_ = 	snop  }
0x3b: {  	_ = 	snop  }
0x3c: {  	p2 =	seq.s32 s10, $0x1;
	s10 =	sld [smem:$0x3FB9]  }
0x3d: {  	_ =	shalt  }
0x3e: {  	_ =	shalt  }
0x3f: {  	_ =	shalt  }
0x40: {  	_ =	shalt  }
0x41: {  	_ =	shalt  }
0x42: {  	_ =	shalt  }
0x43: {  	_ =	shalt  }
0x44: {  	_ =	shalt  }
0x45: {  	_ =	shalt  }
0x46: {  	_ =	shalt  }
0x47: {  	_ =	shalt  }
0x48: {  	_ =	shalt  }
0x49: {  	_ =	shalt  }
0x4a: {  	_ =	shalt  }
0x4b: {  	_ =	shalt  }
0x4c: {  	_ =	shalt  }
0x4d: {  	_ =	shalt  }
0x4e: {  	_ =	shalt  }
0x4f: {  	_ =	shalt  }
0x50: {  	_ =	shalt  }
0x51: {  	_ =	shalt  }
0x52: {  	_ =	shalt  }
0x53: {  	_ =	shalt  }
0x54: {  	_ =	shalt  }
0x55: {  	_ =	shalt  }
0x56: {  	_ =	shalt  }
0x57: {  	_ =	shalt  }
0x58: {  	_ =	shalt  }
0x59: {  	_ =	shalt  }
0x5a: {  	_ =	shalt  }
0x5b: {  	_ =	shalt  }
0x5c: {  	_ =	shalt  }
0x5d: {  	_ =	shalt  }
0x5e: {  	_ =	shalt  }
0x5f: {  	_ =	shalt  }
0x60: {  	_ =	shalt  }
0x61: {  	_ =	shalt  }
0x62: {  	_ =	shalt  }
0x63: {  	_ =	shalt  }
0x64: {  	_ =	shalt  }
0x65: {  	_ =	shalt  }
0x66: {  	_ =	shalt  }
0x67: {  	_ =	shalt  }
0x68: {  	_ =	shalt  }
0x69: {  	_ =	shalt  }
0x6a: {  	_ =	shalt  }
0x6b: {  	_ =	shalt  }
0x6c: {  	_ =	shalt  }
0x6d: {  	_ =	shalt  }
0x6e: {  	_ =	shalt  }
0x6f: {  	_ =	shalt  }
0x70: {  	_ =	shalt  }
0x71: {  	_ =	shalt  }
0x72: {  	_ =	shalt  }
0x73: {  	_ =	shalt  }
0x74: {  	_ =	shalt  }
0x75: {  	_ =	shalt  }
0x76: {  	_ =	shalt  }
0x77: {  	_ =	shalt  }
0x78: {  	_ =	shalt  }
0x79: {  	_ =	shalt  }
0x7a: {  	_ =	shalt  }
0x7b: {  	_ =	shalt  }
0x7c: {  	_ =	shalt  }
0x7d: {  	_ =	shalt  }
0x7e: {  	_ =	shalt  }
0x7f: {  	_ =	shalt  }
0x80: {  	_ =	shalt  }
0x81: {  	_ =	shalt  }
0x82: {  	_ =	shalt  }
0x83: {  	_ =	shalt  }
0x84: {  	_ =	shalt  }
0x85: {  	_ =	shalt  }
0x86: {  	_ =	shalt  }
0x87: {  	_ =	shalt  }
.Lfunc_end0:
.L_simem_size_0:
called_computation.1_lowered:
.L_overlay_start_0:
0x88: {  	s2 =	sld [smem:$0x3FD9]  }
0x89: {  	s3 =	sld [smem:$0x3FFE];
	_ =	sdelay $0x1  }
0x8a: {  	s1 =	srdreg.scid  }
0x8b: {  	s0 =	sand.u32 $0x1, s1  }
0x8c: {  	s15 =	sshll.u32 s0, $0xA;
	s2 =	sadd.s32 s3, s2  }
0x8d: {  	s2 =	sadd.s32 s2, s15  }
0x8e: {  	[smem:$0x3FC5] =	sst s2  }
0x8f: {  	_ = 	snop  }
0x90: {  	s2 =	sld [smem:$0x3FD0];
	_ =	sdelay $0x2  }
0x91: {  	s16 =	simm.s32 $0xB;
	s4 =	simm.s32 $0x10  }
0x92: {  	[smem:s4], [sflag:s16] =	dma.local [hbm:s2], $0x1  }
0x93: {  	_ =	swait.eq [sflag:s16], $0x1  }
0x94: {  	[sflag:s16] =	ssyncset.done $0x0  }
0x95: {  	[sflag:s16] =	ssyncadd.s32 $0xFFFFFFFF  }
0x96: {  	s17 =	sld [smem:$0x10];
	(tm) =	ssettm $0x1  }
0x97: {  	s18 =	sld [smem:$0x3FFB];
	_ =	sdelay $0x3  }
0x98: {  	_ =	strace s18  }
0x99: {  	s2 =	sld [smem:$0x3FFC];
	_ =	sdelay $0x3  }
0x9a: {  	_ =	strace s2  }
0x9b: {  	s2 =	sld [smem:$0x3FFD];
	_ =	sdelay $0x3  }
0x9c: {  	_ =	strace s2  }
0x9d: {  	_ =	strace $0x8FFFFFFF  }
0x9e: {  	s19 =	sld [smem:$0x3FDB];
	_ =	sdelay $0x1  }
0x9f: {  	s20 =	simm.s32 $_scs_section_size  }
0xa0: {  	s5 =	simm.s32 $_size__tile_overlayer_lowered;
	s6 =	simm.s32 $_tile_overlayer_lowered  }
0xa1: {  	s7 =	simm.s32 $0x1BFF;
	s21 =	sshll.u32 s6, $0x1;
	s4 =	sadd.s32 s20, s19  }
0xa2: {  	s22 =	simm.s32 $0x0;
	s5 =	sshll.u32 s5, $0x1;
	s6 =	sadd.s32 s21, s4  }
0xa3: {  	[timem:s22], [sflag:s7] =	dma.local [hbm:s6], s5  }
0xa4: {  	_ =	swait.ge [sflag:s7], s5  }
0xa5: {  	s5 =	ssub.s32 $0x0, s5;
	[sflag:s7] =	ssyncset.done $0x0  }
0xa6: {  	[sflag:s7] =	ssyncadd.s32 s5;
	_ =	sdelay $0x1  }
0xa7: {  	s23 =	simm.s32 $0x1B8B  }
0xa8: {  	_ =	swait.ge [sflag:s23], $0x1  }
0xa9: {  	[sflag:s23] =	ssyncset.done $0x0  }
0xaa: {  	[sflag:s23] =	ssyncadd.s32 $0xFFFFFFFF  }
0xab: {  	s5 =	sld [smem:$0x0]  }
0xac: {  	s6 =	sand.u32 $0xFFFFFFFE, s1  }
0xad: {  	p0 =	sne.s32 s1, s6  }
0xae: {  	s6 =	sshll.u32 @p0 s6, $0xE  }
0xaf: {  	s6 =	sadd.s32 @p0 $0x11B8D, s6;
	s7 =	sshll.u32 @p0 s5, $0x11  }
0xb0: {  	s6 =	sor.u32 @p0 s7, s6  }
0xb1: {  	[sflag:s6] =	ssyncadd.remote.s32 @p0 $0x1;
	_ =	sdelay $0x1  }
0xb2: {  	s6 =	simm.s32 @p0 $0x1B8D  }
0xb3: {  	_ =	swait.eq @p0 [sflag:s6], $0x1  }
0xb4: {  	[sflag:s6] =	ssyncadd.s32 @p0 $0xFFFFFFFF  }
0xb5: {  	s7 =	sshll.u32 @!p0 s1, $0xE  }
0xb6: {  	s7 =	sor.u32 @!p0 $0x4000, s7;
	s6 =	simm.s32 @!p0 $0x1B8D  }
0xb7: {  	s5 =	sshll.u32 @!p0 s5, $0x11;
	s7 =	sadd.s32 @!p0 $0x11B8D, s7;
	_ =	swait.eq @!p0 [sflag:s6], $0x1  }
0xb8: {  	s5 =	sor.u32 @!p0 s5, s7;
	[sflag:s6] =	ssyncadd.s32 @!p0 $0xFFFFFFFF  }
0xb9: {  	s25 =	simm.s32 $0x1B8E;
	s24 =	sld [smem:$0x3FFE];
	[sflag:s5] =	ssyncadd.remote.s32 @!p0 $0x1  }
0xba: {  	s26 =	simm.s32 $execute0_lowered;
	[smem:$0x3FD2] =	sst s25  }
0xbb: {  	s6 =	sshll.u32 s26, $0x1;
	_ =	strace $0x8000004F;
	[dreg:$0x1] =	wrdreg $0xFFFFFFFF  }
0xbc: {  	s28 =	simm.s32 $_size_execute0_lowered;
	s4 =	sadd.s32 s4, s6;
	[dreg:$0x0] =	wrdreg $0x0  }
0xbd: {  	s6 =	sshll.u32 s28, $0x1;
	[dreg:$0x2] =	wrdreg s4  }
0xbe: {  	[dreg:$0x3] =	wrdreg s6  }
0xbf: {  	[dreg:$0x4] =	wrdreg $0xC0  }
0xc0: {  	_ =	task [dreg:s22], $0x5FFFF  }
0xc1: {  	[dreg:$0x1] =	wrdreg $0xFFFFFFFF  }
0xc2: {  	[dreg:$0x0] =	wrdreg $0x60  }
0xc3: {  	[dreg:$0x2] =	wrdreg s24  }
0xc4: {  	[dreg:$0x3] =	wrdreg s17  }
0xc5: {  	[dreg:$0x4] =	wrdreg $0xA  }
0xc6: {  	_ =	task.clear_ibuf [dreg:s22], $0x5FFFF;
	_ =	strace $0x9000004F  }
0xc7: {  	s29 =	simm.s32 $0xA;
	_ =	strace $0x80000051  }
0xc8: {  	_ =	swait.ge [sflag:s29], $0x1  }
0xc9: {  	[sflag:s29] =	ssyncadd.s32 $0xFFFFFFFF  }
0xca: {  	_ =	strace $0x90000051  }
0xcb: {  	_ =	sfence  }
0xcc: {  	s30 =	sld [smem:$0x0];
	_ =	sdelay $0x2  }
0xcd: {  	s31 =	sshll.u32 s1, $0xD;
	s1 =	sshrl.u32 s1, $0x2  }
0xce: {  	s4 =	sand.u32 $0x4000, s31;
	s1 =	sadd.s32 s1, s30  }
0xcf: {  	s0 =	sor.u32 s4, s0;
	s1 =	sshll.u32 s1, $0x11  }
0xd0: {  	s0 =	sor.u32 s1, s0  }
0xd1: {  	s0 =	sadd.s32 $0x8F2B, s0  }
0xd2: {  	[sflag:s0] =	ssyncadd.remote.s32 $0x1  }
0xd3: {  	_ =	sfence.sel $0xFFFF  }
0xd4: {  	[dreg:$0x0] =	wrdreg $0xFFFFFFFF;
	(pc) =	sbr.abs _section_cstart, $3  }
0xd5: {  	[dreg:$0x1] =	wrdreg $0xFFFFFFFF  }
0xd6: {  	_ =	task.clear_ibuf [dreg:s22], $0x2FFFF;
	_ =	strace $0x9FFFFFFF  }
0xd7: {  	(tm) =	ssettm $0x7FFFFFFF  }
tec
execute0_lowered:
.L_overlay_start_1:
0x0: {  	(tag) =	ssettag $0x1  }
0x1: {  	s0 =	srdreg.scid  }
0x2: {  	s1 =	sshll.u32 s0, $0x4  }
0x3: {  	s0 =	stileid.u32;
	s1 =	sand.u32 $0x10, s1  }
0x4: {  	s2 =	sor.u32 s0, s1  }
0x5: {  	s1 =	smin.u32 s2, $0x12  }
0x6: {  	s1 =	sadd.s32 s2, s1  }
0x7: {  	p0 =	slt.u32 s2, $0x12;
	s2 =	simm.s32 $0x320;
	s1 =	smul.u32 $0x190, s1  }
0x8: {  	s2 =	simm.s32 @!p0 $0x190  }
0x9: {  	s2 =	sadd.s32 s2, s1  }
0xa: {  	s3 =	smin.u32 s2, $0x4E20  }
0xb: {  	s7 =	ssub.s32 s3, s1  }
0xc: {  	p0 =	sgt.s32 s7, $0x0  }
0xd: {  	s7 =	simm.s32 @!p0 $0x0  }
0xe: {  	s31 =	sand.u32 $0xFFF0, s7  }
0xf: {  	s2 =	sshrl.u32 s31, $0x4  }
0x10: {  	s4 =	rddreg [dreg:$0x0];
	s2 =	smul.u32 $0xA3E, s2  }
0x11: {  	s5 =	rddreg [dreg:$0x1]  }
0x12: {  	s6 =	simm.s32 $0x1;
	s10 =	simm.s32 $0x3;
	s8 =	sshrl.u32 s2, $0x10  }
0x13: {  	s13 =	simm.s32 $0x0;
	s12 =	simm.s32 $0x0;
	s9 =	smul.u32 $0x190, s8  }
.Ltmp0:
0x14: {  	s11 =	smov.u32 s1;
	s2 =	rddreg [dreg:$0x2];
	(pc) =	sbr.rel .LBB2_1-.Ltmp0, $4  }
0x15: {  	_ =	strace $0x80000050;
	p0 =	sne.s32 s7, s9;
	s9 =	simm.s32 $0x1  }
0x16: {  	[sflag:s6] =	ssyncpa.u1 $0x0;
	s7 =	simm.s32 $0x2;
	s9 =	simm.s32 @!p0 $0x0  }
0x17: {  	[sflag:s7] =	ssyncpa.u1 $0x0;
	p0 =	por $0x0, $0x0;
	s8 =	sadd.s32 s8, s9  }
0x18: {  	vm0 =	vmmov $0xff;
	vm1 =	vcmask $0x3F20;
	s9 =	sadd.s32 $0x4EC00, s4;
	[sflag:s10] =	ssyncpa.u1 $0x0;
	s10 =	sadd.s32 $0x1, s8  }
.LBB2_6:
0x19: {  	[hbm:s17] =	stream.linear.scatter [tilespmem:s14], [sflag:$0x3], $0x400, $0x38;
	[tilespmem:$0x19320] =	vst v63  }
.LBB2_7:
0x1a: {  	s13 =	sadd.s32 $0x190, s11  }
0x1b: {  	s15 =	smov.u32 s1;
	p2 =	slt.s32 s13, s3  }
0x1c: {  	s15 =	smov.u32 @p2 s13;
	p2 =	sne.s32 s12, s10  }
.Ltmp1:
0x1d: {  	p1 =	slt.u32 s12, $0x2;
	(pc) =	sbr.rel @!p2 .LBB2_8-.Ltmp1, $4  }
0x1e: {  	s14 =	simm.s32 @!p1 $0x3  }
0x1f: {  	s16 =	sadd.s32 $0x1, s12;
	_ =	swait.ge @!p1 [sflag:s14], $0xC800  }
0x20: {  	p0 =	por !p0, !p0;
	s13 =	smov.u32 s11;
	[sflag:s14] =	ssyncset.done @!p1 $0x0  }
0x21: {  	s12 =	smov.u32 s16;
	s11 =	smov.u32 s15;
	[sflag:s14] =	ssyncadd.s32 @!p1 $0xFFFF3800  }
.LBB2_1:
0x22: {  	p1 =	sge.u32 s12, s8  }
0x23: {  	s14 =	sxor.u32 @!p1 $0xFFFFFFFF, s12  }
0x24: {  	s14 =	sand.u32 @!p1 $0x1, s14  }
0x25: {  	s14 =	smul.u32 @!p1 $0x640, s14  }
0x26: {  	s31 =	sadd.s32 $0xFFFFFFFF, s12;
	s15 =	sshrl.u32 @!p1 s11, $0x3  }
0x27: {  	s16 =	sand.u32 @!p1 $0x7, s11;
	s15 =	sadd.s32 @!p1 s5, s15;
	s14 =	sshrl.u32 @!p1 s14, $0x2  }
0x28: {  	[tilespmem:s14], [sflag:$0x2] =	stream.linear.gather @!p1 [hbm4b:s15+s16], $0x190, $0x38;
	[tilespmem:$0x19320] =	vst v63  }
0x29: {  	p1 =	sge.u32 s31, s8  }
.Ltmp2:
0x2a: {  	_ = 	snop;
	(pc) =	sbr.rel @p1 .LBB2_7-.Ltmp2, $1  }
0x2b: {  	_ =	sdelay $0x3  }
0x2c: {  	s14 =	simm.s32 $0x1  }
0x2d: {  	s14 =	simm.s32 @!p0 $0x0  }
0x2e: {  	s15 =	smul.u32 $0x640, s14  }
0x2f: {  	_ =	swait.ge [sflag:s7], $0x190  }
0x30: {  	[sflag:s7] =	ssyncset.done $0x0;
	s16 =	sshrl.u32 s15, $0x2  }
0x31: {  	[sflag:s7] =	ssyncadd.s32 $0xFFFFFE70;
	s15 =	sadd.s32 $0x0, s16  }
0x32: {  	v0 =	vld.msk [tilespmem:s15+$0x0 ss:$0x1], $0xffff;
	_ =	sdelay $0x4  }
0x33: {  	vm2 =	vgt.s32 v0, $0x0  }
0x34: {  	v0 =	vnsel vm2, $0x0, v0  }
0x35: {  	v0 =	vmin.u32 v0, $0x4E1F  }
0x36: {  	v0 =	vshll.u32 v0, $0x4  }
0x37: {  	s14 =	smul.u32 $0x32000, s14;
	_ =	sdelay $0x1  }
0x38: {  	s14 =	sshrl.u32 s14, $0x2  }
0x39: {  	s14 =	sor.u32 $0x320, s14  }
0x3a: {  	[tilespmem:s14], [sflag:$0x1] =	stream.indirect_vreg.gather [hbm:s4], $0x80, v0, vm0, $0x38;
	[tilespmem:$0x19320] =	vst v63  }
0x3b: {  	s17 =	sadd.s32 $0x10, s16;
	s15 =	sadd.s32 $0x400, s14  }
0x3c: {  	[tilespmem:s15], [sflag:$0x1] =	stream.indirect_vreg.gather [hbm:s4], $0x80, v0, vm1, $0x38;
	[tilespmem:$0x19320] =	vst v63  }
0x3d: {  	s18 =	simm.s32 $0x80;
	v0 =	vld.msk [tilespmem:s17+$0x0 ss:$0x1], $0xffff;
	s17 =	smov.u32 s14  }
.LBB2_3:
0x3e: {  	p1 =	sne.s32 s18, $0x600;
	_ =	sdelay $0x4  }
0x3f: {  	vm2 =	vgt.s32 v0, $0x0  }
0x40: {  	v0 =	vnsel vm2, $0x0, v0  }
0x41: {  	v0 =	vmin.u32 v0, $0x4E1F  }
0x42: {  	v0 =	vshll.u32 v0, $0x4;
	_ =	sdelay $0x3  }
.Ltmp3:
0x43: {  	s19 =	sshra.s32 s18, $0x2;
	s17 =	sadd.s32 $0x800, s17;
	(pc) =	sbr.rel @p1 .LBB2_3-.Ltmp3, $4  }
0x44: {  	[tilespmem:s17], [sflag:$0x1] =	stream.indirect_vreg.gather [hbm:s4], $0x80, v0, vm0, $0x38;
	[tilespmem:$0x19320] =	vst v63  }
0x45: {  	s19 =	sadd.s32 s19, s16;
	s20 =	sadd.s32 $0x400, s17  }
0x46: {  	[tilespmem:s20], [sflag:$0x1] =	stream.indirect_vreg.gather [hbm:s4], $0x80, v0, vm1, $0x38;
	[tilespmem:$0x19320] =	vst v63  }
0x47: {  	s18 =	sadd.s32 $0x40, s18;
	v0 =	vld.msk [tilespmem:s19+$0x0 ss:$0x1], $0xffff  }
0x48: {  	_ =	sdelay $0x3  }
0x49: {  	vm2 =	vgt.s32 v0, $0x0  }
0x4a: {  	v0 =	vnsel vm2, $0x0, v0  }
0x4b: {  	v0 =	vmin.u32 v0, $0x4E1F  }
0x4c: {  	v0 =	vshll.u32 v0, $0x4;
	_ =	sdelay $0x3  }
0x4d: {  	s16 =	sadd.s32 $0x800, s17  }
0x4e: {  	[tilespmem:s16], [sflag:$0x1] =	stream.indirect_vreg.gather [hbm:s4], $0x80, v0, vm0, $0x38;
	[tilespmem:$0x19320] =	vst v63  }
0x4f: {  	s16 =	sadd.s32 $0x400, s16  }
0x50: {  	[tilespmem:s16], [sflag:$0x1] =	stream.indirect_vreg.gather [hbm:s4], $0x80, v0, vm1, $0x38;
	[tilespmem:$0x19320] =	vst v63  }
0x51: {  	s13 =	sshll.u32 s13, $0x4;
	_ =	swait.ge [sflag:s6], $0xC800  }
0x52: {  	s13 =	sadd.s32 s13, s9;
	[sflag:s6] =	ssyncset.done $0x0  }
0x53: {  	s17 =	sadd.s32 $0x0, s13;
	s16 =	simm.s32 $0x80;
	[sflag:s6] =	ssyncadd.s32 $0xFFFF3800  }
.LBB2_5:
0x54: {  	[hbm:s17] =	stream.linear.scatter [tilespmem:s14], [sflag:$0x3], $0x400, $0x38;
	[tilespmem:$0x19320] =	vst v63  }
0x55: {  	s17 =	smov.u32 s16;
	s14 =	smov.u32 s15;
	p1 =	sne.s32 s16, $0x1880  }
.Ltmp4:
0x56: {  	s16 =	sadd.s32 $0x80, s16;
	(pc) =	sbr.rel @p1 .LBB2_5-.Ltmp4, $2  }
0x57: {  	_ =	sdelay $0x2  }
0x58: {  	s15 =	sadd.s32 $0x400, s15;
	s17 =	sadd.s32 s17, s13  }
.Ltmp5:
0x59: {  	_ = 	snop;
	(pc) =	sbr.rel .LBB2_6-.Ltmp5, $1  }
0x5a: {  	_ =	sdelay $0x3  }
.LBB2_8:
0x5b: {  	_ =	sfence.sel $0x180000  }
0x5c: {  	s1 =	simm.s32 $0x2;
	[bflag:$0x0] =	sbarrier.arrive $0xFFFF  }
0x5d: {  	s30 =	simm.s32 $0x3;
	[sflag:s1] =	ssyncpa.u1 $0x1  }
0x5e: {  	s31 =	simm.s32 $0x1;
	[sflag:s30] =	ssyncpa.u1 $0x1  }
0x5f: {  	[sflag:s31] =	ssyncpa.u1 $0x1  }
0x60: {  	p0 =	sne.s32 s0, $0x0;
	_ =	strace $0x90000050  }
0x61: {  	s0 =	sadd.s32 @!p0 $0x100000, s2;
	[bflag:$0x2] =	sbarrier.arrive $0xFFFF  }
0x62: {  	[sflag:s0] =	ssyncadd.tile.s32 @!p0 $0x1;
	_ =	shalt  }
.Lfunc_end2:
_tile_overlayer_lowered:
.L_overlay_start_2:
0x63: {  	(tag) =	ssettag $0x2  }
0x64: {  	s0 =	rddreg [dreg:$0x0];
	s2 =	stileid.u32  }
0x65: {  	s1 =	rddreg [dreg:$0x1];
	p0 =	sne.s32 s2, $0x0  }
0x66: {  	s3 =	rddreg [dreg:$0x2];
	[bflag:$0x3] =	sbarrier.arrive $0xFFFF;
	s2 =	simm.s32 @!p0 $0x1C01  }
0x67: {  	[timem:s3], [sflag:s2] =	dma.local @!p0 [hbm:s0], s1  }
0x68: {  	s0 =	simm.s32 @!p0 $0x1  }
0x69: {  	_ =	swait.ge @!p0 [sflag:s0], s1  }
0x6a: {  	s1 =	ssub.s32 @!p0 $0x0, s1;
	[sflag:s0] =	ssyncset.done @!p0 $0x0  }
0x6b: {  	[sflag:s0] =	ssyncadd.s32 @!p0 s1  }
0x6c: {  	[bflag:$0x3] =	sbarrier.arrive $0xFFFF  }
0x6d: {  	_ =	shalt  }

// kernel: gather_offload_async_start.2
scs
__scs_entry_jumppad:
0x0: {  	(pc) =	sbr.rel $0x88, $3  }
0x1: {  	(tag) =	ssettag $0x0;
	lr =	simm.s32 $0x1  }
0x2: {  	[smem:$0x3F9E] =	sst lr;
	_ =	strace $0xD0000000  }
0x3: {  	_ = 	snop  }
0x4: {  	_ = 	snop  }
0x5: {  	_ = 	snop  }
0x6: {  	_ = 	snop  }
0x7: {  	_ = 	snop  }
__scs_overlays_trampoline_lowered:
0x8: {  	[smem:$0x3FAD] =	sst s0  }
0x9: {  	[smem:$0x3FAE] =	sst s1  }
0xa: {  	[smem:$0x3FAF] =	sst s2  }
0xb: {  	[smem:$0x3FB0] =	sst s3  }
0xc: {  	[smem:$0x3FB1] =	sst s4  }
0xd: {  	[smem:$0x3FB2] =	sst s5  }
0xe: {  	[smem:$0x3FB3] =	sst s6  }
0xf: {  	[smem:$0x3FB4] =	sst s7  }
0x10: {  	[smem:$0x3FB5] =	sst s8  }
0x11: {  	[smem:$0x3FB6] =	sst s9;
	s0 =	simm.s32 @!p0 $0x0  }
0x12: {  	s1 =	sld [smem:$0x3F9C];
	s0 =	simm.s32 @p0 $0x1  }
0x13: {  	[smem:$0x3FB7] =	sst s0;
	s0 =	simm.s32 @!p1 $0x0  }
0x14: {  	s2 =	sld [smem:$0x3F9B];
	s0 =	simm.s32 @p1 $0x1  }
0x15: {  	[smem:$0x3FB8] =	sst s0;
	s0 =	simm.s32 @!p2 $0x0  }
0x16: {  	s3 =	sld [smem:$0x3FDB];
	s0 =	simm.s32 @p2 $0x1  }
0x17: {  	s4 =	simm.s32 $0x1BF5;
	[smem:$0x3FBA] =	sst s0  }
0x18: {  	s0 =	sld [smem:$0x3F9D];
	_ =	swait.ge [sflag:s4], $0x0  }
0x19: {  	s7 =	sld [smem:$0x3F9E]  }
0x1a: {  	s8 =	sadd.s32 $0xFFFFE003, lr  }
0x1b: {  	s9 =	sadd.s32 $0xFFFFFEF7, lr;
	s5 =	simm.s32 $0xFFFFFFFF;
	p2 =	slt.u32 s8, $0xFFFFF086  }
0x1c: {  	p1 =	slt.u32 s9, $0xF7A;
	s5 =	simm.s32 @!p2 $0x0  }
0x1d: {  	s5 =	simm.s32 @p1 $0x1;
	p0 =	seq.s32 s7, s2  }
0x1e: {  	s7 =	smul.u32 @!p0 $0xF7A, s2;
	p2 =	seq.s32 @!p0 s5, $0x0  }
0x1f: {  	s9 =	smul.u32 $0xF7A, s1;
	s8 =	simm.s32 @!p0 $0x1BF5;
	p2 =	por !p2, p0  }
0x20: {  	[sflag:s8] =	ssyncset.s32 @!p0 $0xFFFFF086;
	s6 =	sadd.s32 @!p0 s3, s7;
	s7 =	simm.s32 @!p0 $0x108  }
0x21: {  	s3 =	sadd.s32 s3, s9;
	s6 =	sadd.s32 @!p0 $0x88, s6;
	s7 =	simm.s32 @p2 $0x1082  }
0x22: {  	[simem:s7], [sflag:s8] =	dma.local @!p0 [hbm:s6], $0xF7A  }
0x23: {  	s9 =	sor.u32 $0xD0000000, s2;
	s6 =	simm.s32 $0x108;
	_ =	swait.ge @!p0 [sflag:s8], $0x0  }
0x24: {  	s3 =	sadd.s32 $0x88, s3;
	s6 =	simm.s32 @!p1 $0x1082;
	[sflag:s4] =	ssyncset.s32 $0xFFFFF086  }
0x25: {  	[simem:s6], [sflag:s4] =	dma.local [hbm:s3], $0xF7A  }
0x26: {  	[smem:$0x3F9E] =	sst s1;
	(tag) =	ssettag s2;
	_ =	strace s9  }
0x27: {  	s1 =	sld [smem:$0x3FAE]  }
0x28: {  	s2 =	sld [smem:$0x3FAF]  }
0x29: {  	s4 =	sld [smem:$0x3FB1]  }
0x2a: {  	p0 =	seq.s32 s5, $0x0;
	s5 =	sld [smem:$0x3FB2]  }
0x2b: {  	s6 =	sld [smem:$0x3FB3]  }
0x2c: {  	s7 =	sld [smem:$0x3FB4]  }
0x2d: {  	s3 =	simm.s32 $0x108;
	s8 =	sld [smem:$0x3FB5]  }
0x2e: {  	s3 =	simm.s32 @!p0 $0x1082;
	s9 =	sld [smem:$0x3FB6]  }
0x2f: {  	lr =	sadd.s32 s0, s3;
	s0 =	sld [smem:$0x3FAD]  }
0x30: {  	s3 =	sld [smem:$0x3FB0]  }
0x31: {  	[smem:$0x3FB9] =	sst s10  }
0x32: {  	s10 =	sld [smem:$0x3FB7];
	_ =	sdelay $0x3  }
0x33: {  	p0 =	seq.s32 s10, $0x1;
	s10 =	sld [smem:$0x3FB9];
	_ =	sdelay $0x3  }
0x34: {  	[smem:$0x3FB9] =	sst s10  }
0x35: {  	s10 =	sld [smem:$0x3FB8];
	_ =	sdelay $0x3  }
0x36: {  	p1 =	seq.s32 s10, $0x1;
	s10 =	sld [smem:$0x3FB9];
	_ =	sdelay $0x3  }
0x37: {  	[smem:$0x3FB9] =	sst s10  }
0x38: {  	s10 =	sld [smem:$0x3FBA]  }
0x39: {  	_ = 	snop;
	(pc) =	sbr.ind lr, $3  }
0x3a: {  	_ = 	snop  }
0x3b: {  	_ = 	snop  }
0x3c: {  	p2 =	seq.s32 s10, $0x1;
	s10 =	sld [smem:$0x3FB9]  }
0x3d: {  	_ =	shalt  }
0x3e: {  	_ =	shalt  }
0x3f: {  	_ =	shalt  }
0x40: {  	_ =	shalt  }
0x41: {  	_ =	shalt  }
0x42: {  	_ =	shalt  }
0x43: {  	_ =	shalt  }
0x44: {  	_ =	shalt  }
0x45: {  	_ =	shalt  }
0x46: {  	_ =	shalt  }
0x47: {  	_ =	shalt  }
0x48: {  	_ =	shalt  }
0x49: {  	_ =	shalt  }
0x4a: {  	_ =	shalt  }
0x4b: {  	_ =	shalt  }
0x4c: {  	_ =	shalt  }
0x4d: {  	_ =	shalt  }
0x4e: {  	_ =	shalt  }
0x4f: {  	_ =	shalt  }
0x50: {  	_ =	shalt  }
0x51: {  	_ =	shalt  }
0x52: {  	_ =	shalt  }
0x53: {  	_ =	shalt  }
0x54: {  	_ =	shalt  }
0x55: {  	_ =	shalt  }
0x56: {  	_ =	shalt  }
0x57: {  	_ =	shalt  }
0x58: {  	_ =	shalt  }
0x59: {  	_ =	shalt  }
0x5a: {  	_ =	shalt  }
0x5b: {  	_ =	shalt  }
0x5c: {  	_ =	shalt  }
0x5d: {  	_ =	shalt  }
0x5e: {  	_ =	shalt  }
0x5f: {  	_ =	shalt  }
0x60: {  	_ =	shalt  }
0x61: {  	_ =	shalt  }
0x62: {  	_ =	shalt  }
0x63: {  	_ =	shalt  }
0x64: {  	_ =	shalt  }
0x65: {  	_ =	shalt  }
0x66: {  	_ =	shalt  }
0x67: {  	_ =	shalt  }
0x68: {  	_ =	shalt  }
0x69: {  	_ =	shalt  }
0x6a: {  	_ =	shalt  }
0x6b: {  	_ =	shalt  }
0x6c: {  	_ =	shalt  }
0x6d: {  	_ =	shalt  }
0x6e: {  	_ =	shalt  }
0x6f: {  	_ =	shalt  }
0x70: {  	_ =	shalt  }
0x71: {  	_ =	shalt  }
0x72: {  	_ =	shalt  }
0x73: {  	_ =	shalt  }
0x74: {  	_ =	shalt  }
0x75: {  	_ =	shalt  }
0x76: {  	_ =	shalt  }
0x77: {  	_ =	shalt  }
0x78: {  	_ =	shalt  }
0x79: {  	_ =	shalt  }
0x7a: {  	_ =	shalt  }
0x7b: {  	_ =	shalt  }
0x7c: {  	_ =	shalt  }
0x7d: {  	_ =	shalt  }
0x7e: {  	_ =	shalt  }
0x7f: {  	_ =	shalt  }
0x80: {  	_ =	shalt  }
0x81: {  	_ =	shalt  }
0x82: {  	_ =	shalt  }
0x83: {  	_ =	shalt  }
0x84: {  	_ =	shalt  }
0x85: {  	_ =	shalt  }
0x86: {  	_ =	shalt  }
0x87: {  	_ =	shalt  }
.Lfunc_end0:
.L_simem_size_0:
called_computation.2_lowered:
.L_overlay_start_0:
0x88: {  	s2 =	sld [smem:$0x3FD9]  }
0x89: {  	s3 =	sld [smem:$0x3FFE];
	_ =	sdelay $0x1  }
0x8a: {  	s1 =	srdreg.scid  }
0x8b: {  	s0 =	sand.u32 $0x1, s1  }
0x8c: {  	s15 =	sshll.u32 s0, $0xA;
	s2 =	sadd.s32 s3, s2  }
0x8d: {  	s2 =	sadd.s32 s2, s15  }
0x8e: {  	[smem:$0x3FC5] =	sst s2  }
0x8f: {  	_ = 	snop  }
0x90: {  	s16 =	sld [smem:$0x3FD0];
	_ =	sdelay $0x2  }
0x91: {  	s4 =	simm.s32 $0xB;
	s5 =	simm.s32 $0x10;
	s2 =	sld [smem:$0x3FC8]  }
0x92: {  	[smem:s5], [sflag:s4] =	dma.local [hbm:s16], $0x1  }
0x93: {  	_ =	swait.eq [sflag:s4], $0x1  }
0x94: {  	[sflag:s4] =	ssyncset.done $0x0  }
0x95: {  	[sflag:s4] =	ssyncadd.s32 $0xFFFFFFFF  }
0x96: {  	s17 =	sld [smem:$0x10];
	(tm) =	ssettm $0x1  }
0x97: {  	s18 =	sld [smem:$0x3FFB];
	_ =	sdelay $0x3  }
0x98: {  	_ =	strace s18  }
0x99: {  	s3 =	sld [smem:$0x3FFC];
	_ =	sdelay $0x3  }
0x9a: {  	_ =	strace s3  }
0x9b: {  	s3 =	sld [smem:$0x3FFD];
	_ =	sdelay $0x3  }
0x9c: {  	_ =	strace s3  }
0x9d: {  	_ =	strace $0x8FFFFFFF  }
0x9e: {  	s19 =	sld [smem:$0x3FDB];
	_ =	sdelay $0x1  }
0x9f: {  	s20 =	simm.s32 $_scs_section_size  }
0xa0: {  	s6 =	simm.s32 $_size__tile_overlayer_lowered;
	s7 =	simm.s32 $_tile_overlayer_lowered  }
0xa1: {  	s8 =	simm.s32 $0x1BFF;
	s21 =	sshll.u32 s7, $0x1;
	s5 =	sadd.s32 s20, s19  }
0xa2: {  	s22 =	simm.s32 $0x0;
	s6 =	sshll.u32 s6, $0x1;
	s7 =	sadd.s32 s21, s5  }
0xa3: {  	[timem:s22], [sflag:s8] =	dma.local [hbm:s7], s6  }
0xa4: {  	_ =	swait.ge [sflag:s8], s6  }
0xa5: {  	s6 =	ssub.s32 $0x0, s6;
	[sflag:s8] =	ssyncset.done $0x0  }
0xa6: {  	[sflag:s8] =	ssyncadd.s32 s6;
	_ =	sdelay $0x1  }
0xa7: {  	s23 =	simm.s32 $0x1B8B  }
0xa8: {  	_ =	swait.ge [sflag:s23], $0x1  }
0xa9: {  	[sflag:s23] =	ssyncset.done $0x0  }
0xaa: {  	[sflag:s23] =	ssyncadd.s32 $0xFFFFFFFF  }
0xab: {  	s6 =	sld [smem:$0x0]  }
0xac: {  	s7 =	sand.u32 $0xFFFFFFFE, s1  }
0xad: {  	p0 =	sne.s32 s1, s7  }
0xae: {  	s7 =	sshll.u32 @p0 s7, $0xE  }
0xaf: {  	s7 =	sadd.s32 @p0 $0x11B8D, s7;
	s8 =	sshll.u32 @p0 s6, $0x11  }
0xb0: {  	s7 =	sor.u32 @p0 s8, s7  }
0xb1: {  	[sflag:s7] =	ssyncadd.remote.s32 @p0 $0x1;
	_ =	sdelay $0x1  }
0xb2: {  	s7 =	simm.s32 @p0 $0x1B8D  }
0xb3: {  	_ =	swait.eq @p0 [sflag:s7], $0x1  }
0xb4: {  	[sflag:s7] =	ssyncadd.s32 @p0 $0xFFFFFFFF  }
0xb5: {  	s8 =	sshll.u32 @!p0 s1, $0xE  }
0xb6: {  	s8 =	sor.u32 @!p0 $0x4000, s8;
	s7 =	simm.s32 @!p0 $0x1B8D  }
0xb7: {  	s6 =	sshll.u32 @!p0 s6, $0x11;
	s8 =	sadd.s32 @!p0 $0x11B8D, s8;
	_ =	swait.eq @!p0 [sflag:s7], $0x1  }
0xb8: {  	s6 =	sor.u32 @!p0 s6, s8;
	[sflag:s7] =	ssyncadd.s32 @!p0 $0xFFFFFFFF  }
0xb9: {  	s25 =	simm.s32 $0x1B8E;
	s24 =	sld [smem:$0x3FFE];
	[sflag:s6] =	ssyncadd.remote.s32 @!p0 $0x1  }
0xba: {  	s26 =	simm.s32 $execute0_lowered;
	[smem:$0x3FD2] =	sst s25  }
0xbb: {  	s7 =	sshll.u32 s26, $0x1;
	_ =	strace $0x8000004C;
	[dreg:$0x1] =	wrdreg $0xFFFFFFFF  }
0xbc: {  	s28 =	simm.s32 $_size_execute0_lowered;
	s5 =	sadd.s32 s5, s7;
	[dreg:$0x0] =	wrdreg $0x0  }
0xbd: {  	s7 =	sshll.u32 s28, $0x1;
	[dreg:$0x2] =	wrdreg s5  }
0xbe: {  	[dreg:$0x3] =	wrdreg s7  }
0xbf: {  	[dreg:$0x4] =	wrdreg $0xC0  }
0xc0: {  	_ =	task [dreg:s22], $0x5FFFF  }
0xc1: {  	[dreg:$0x1] =	wrdreg $0xFFFFFFFF  }
0xc2: {  	[dreg:$0x0] =	wrdreg $0x60  }
0xc3: {  	[dreg:$0x2] =	wrdreg s2  }
0xc4: {  	[dreg:$0x3] =	wrdreg s17  }
0xc5: {  	[dreg:$0x4] =	wrdreg s24  }
0xc6: {  	[dreg:$0x5] =	wrdreg $0x9  }
0xc7: {  	_ =	task.clear_ibuf [dreg:s22], $0x6FFFF;
	_ =	strace $0x9000004C  }
0xc8: {  	s29 =	simm.s32 $0x9;
	_ =	strace $0x8000004E  }
0xc9: {  	_ =	swait.ge [sflag:s29], $0x1  }
0xca: {  	[sflag:s29] =	ssyncadd.s32 $0xFFFFFFFF  }
0xcb: {  	_ =	strace $0x9000004E  }
0xcc: {  	_ =	sfence  }
0xcd: {  	s30 =	sld [smem:$0x0];
	_ =	sdelay $0x2  }
0xce: {  	s31 =	sshll.u32 s1, $0xD;
	s1 =	sshrl.u32 s1, $0x2  }
0xcf: {  	s4 =	sand.u32 $0x4000, s31;
	s1 =	sadd.s32 s1, s30  }
0xd0: {  	s0 =	sor.u32 s4, s0;
	s1 =	sshll.u32 s1, $0x11  }
0xd1: {  	s0 =	sor.u32 s1, s0  }
0xd2: {  	s0 =	sadd.s32 $0x8F2B, s0  }
0xd3: {  	[sflag:s0] =	ssyncadd.remote.s32 $0x1  }
0xd4: {  	_ =	sfence.sel $0xFFFF  }
0xd5: {  	[dreg:$0x0] =	wrdreg $0xFFFFFFFF;
	(pc) =	sbr.abs _section_cstart, $3  }
0xd6: {  	[dreg:$0x1] =	wrdreg $0xFFFFFFFF  }
0xd7: {  	_ =	task.clear_ibuf [dreg:s22], $0x2FFFF;
	_ =	strace $0x9FFFFFFF  }
0xd8: {  	(tm) =	ssettm $0x7FFFFFFF  }
0xd9: {  	_ =	shalt  }
tec
execute0_lowered:
.L_overlay_start_1:
0x0: {  	(tag) =	ssettag $0x1  }
0x1: {  	s2 =	rddreg [dreg:$0x0]  }
0x2: {  	s3 =	rddreg [dreg:$0x1]  }
0x3: {  	s8 =	rddreg [dreg:$0x2];
	s1 =	stileid.u32  }
0x4: {  	s4 =	srdreg.scid;
	s0 =	rddreg [dreg:$0x3];
	_ =	strace $0x8000004D  }
0x5: {  	s7 =	simm.s32 $0x1;
	s9 =	simm.s32 $0x1;
	s10 =	simm.s32 $0x3  }
0x6: {  	s13 =	simm.s32 $0x0;
	s5 =	sand.u32 $0x1, s4;
	s6 =	sshll.u32 s1, $0x1  }
0x7: {  	s12 =	simm.s32 $0x0;
	s4 =	simm.s32 $0x1;
	s5 =	sor.u32 s6, s5  }
.Ltmp0:
0x8: {  	[sflag:s4] =	ssyncpa.u1 $0x0;
	p0 =	slt.u32 s5, $0x13;
	(pc) =	sbr.rel .LBB2_1-.Ltmp0, $4  }
0x9: {  	s6 =	simm.s32 $0x2;
	s7 =	simm.s32 @!p0 $0x0;
	p0 =	sne.s32 s5, $0x12  }
0xa: {  	[sflag:s6] =	ssyncpa.u1 $0x0;
	s5 =	smul.u32 $0x190, s5;
	s9 =	simm.s32 @!p0 $0x0  }
0xb: {  	s8 =	sadd.s32 $0x4E200, s8;
	[sflag:s10] =	ssyncpa.u1 $0x0;
	s7 =	sadd.s32 s9, s7  }
0xc: {  	vm0 =	vmmov $0xffff;
	s10 =	simm.s32 $0x0;
	s11 =	smov.u32 s5;
	s9 =	sadd.s32 $0x1, s7  }
.LBB2_4:
0xd: {  	v2 =	vnsel vm1, $0x0, v2  }
0xe: {  	vm1 =	vgt.s32 v0, $0x0;
	v2 =	vmin.u32 v2, $0x4E1F  }
0xf: {  	v0 =	vnsel vm1, $0x0, v0  }
0x10: {  	v0 =	vmin.u32 v0, $0x4E1F  }
0x11: {  	[tilespmem:s18], [sflag:$0x1] =	stream.indirect_vreg.gather [hbm4b:s2+s10], $0x1, v1, vm0, $0x4038;
	[tilespmem:$0x640] =	vst v63  }
0x12: {  	(ifvalue) =	ssetifvalue $0x7FFFFFFF  }
0x13: {  	[tilespmem:s15], [sflag:$0x1] =	stream.indirect_vreg.gather [hbm4b:s2+s10], $0x1, v2, vm0, $0x4038;
	[tilespmem:$0x640] =	vst v63  }
0x14: {  	s29 =	sadd.s32 $0x10, s15;
	(ifvalue) =	ssetifvalue $0x7FFFFFFF  }
0x15: {  	[tilespmem:s29], [sflag:$0x1] =	stream.indirect_vreg.gather [hbm4b:s2+s10], $0x1, v0, vm0, $0x4038;
	[tilespmem:$0x640] =	vst v63  }
0x16: {  	_ =	swait.ge [sflag:s4], $0x190  }
0x17: {  	s30 =	sshrl.u32 s13, $0x3;
	[sflag:s4] =	ssyncset.done $0x0  }
0x18: {  	s31 =	sand.u32 $0x7, s13;
	s15 =	sadd.s32 s8, s30;
	[sflag:s4] =	ssyncadd.s32 $0xFFFFFE70  }
0x19: {  	[hbm4b:s15+s31] =	stream.linear.scatter [tilespmem:s14], [sflag:$0x3], $0x190, $0x38;
	[tilespmem:$0x640] =	vst v63  }
.LBB2_5:
0x1a: {  	s15 =	sadd.s32 $0x3200, s11  }
0x1b: {  	p1 =	sgt.s32 s15, $0x4E1F  }
0x1c: {  	s15 =	smov.u32 @p1 s5;
	p1 =	sne.s32 s12, s9  }
.Ltmp1:
0x1d: {  	p0 =	slt.u32 s12, $0x2;
	(pc) =	sbr.rel @!p1 .LBB2_6-.Ltmp1, $4  }
0x1e: {  	s14 =	simm.s32 @!p0 $0x3  }
0x1f: {  	_ =	swait.ge @!p0 [sflag:s14], $0x190  }
0x20: {  	s16 =	sadd.s32 $0x1, s12;
	s13 =	smov.u32 s11;
	[sflag:s14] =	ssyncset.done @!p0 $0x0  }
0x21: {  	s12 =	smov.u32 s16;
	s11 =	smov.u32 s15;
	[sflag:s14] =	ssyncadd.s32 @!p0 $0xFFFFFE70  }
.LBB2_1:
0x22: {  	p0 =	sge.u32 s12, s7  }
0x23: {  	s14 =	sxor.u32 @!p0 $0x1, s12  }
0x24: {  	s14 =	smul.u32 @!p0 $0x640, s14  }
0x25: {  	s31 =	sadd.s32 $0xFFFFFFFF, s12;
	s15 =	sshrl.u32 @!p0 s11, $0x3  }
0x26: {  	s16 =	sand.u32 @!p0 $0x7, s11;
	s15 =	sadd.s32 @!p0 s3, s15;
	s14 =	sshra.s32 @!p0 s14, $0x2  }
0x27: {  	[tilespmem:s14], [sflag:$0x2] =	stream.linear.gather @!p0 [hbm4b:s15+s16], $0x190, $0x38;
	[tilespmem:$0x640] =	vst v63  }
0x28: {  	p0 =	sge.u32 s31, s7  }
.Ltmp2:
0x29: {  	_ = 	snop;
	(pc) =	sbr.rel @p0 .LBB2_5-.Ltmp2, $1  }
0x2a: {  	_ =	sdelay $0x3  }
0x2b: {  	s14 =	sand.u32 $0x1, s12  }
0x2c: {  	_ =	swait.ge [sflag:s6], $0x190;
	p0 =	seq.s32 s14, $0x1;
	s14 =	simm.s32 $0x190  }
0x2d: {  	[sflag:s6] =	ssyncset.done $0x0;
	s14 =	simm.s32 @!p0 $0x0  }
0x2e: {  	[sflag:s6] =	ssyncadd.s32 $0xFFFFFE70;
	(ifvalue) =	ssetifvalue $0x7FFFFFFF;
	v0 =	vld.msk [tilespmem:s14+$0x0 ss:$0x1], $0xffff;
	_ =	sdelay $0x4  }
0x2f: {  	s15 =	sadd.s32 $0x10, s14;
	vm1 =	vgt.s32 v0, $0x0  }
0x30: {  	v2 =	vld.msk [tilespmem:s15+$0x0 ss:$0x1], $0xffff;
	v1 =	vnsel vm1, $0x0, v0  }
0x31: {  	v1 =	vmin.u32 v1, $0x4E1F;
	_ =	sdelay $0x2  }
0x32: {  	s17 =	simm.s32 $0x20;
	s14 =	sadd.s32 $0x320, s14;
	s16 =	sadd.s32 $0x10, s15  }
0x33: {  	s15 =	sadd.s32 $0x10, s14;
	s18 =	smov.u32 s14;
	v0 =	vld.msk [tilespmem:s16+$0x0 ss:$0x1], $0xffff;
	vm1 =	vgt.s32 v2, $0x0;
	(ifvalue) =	ssetifvalue $0x7FFFFFFF  }
.LBB2_3:
0x34: {  	[tilespmem:s18], [sflag:$0x1] =	stream.indirect_vreg.gather [hbm4b:s2+s10], $0x1, v1, vm0, $0x4038;
	[tilespmem:$0x640] =	vst v63  }
0x35: {  	s17 =	sadd.s32 $0x10, s17  }
0x36: {  	v2 =	vnsel vm1, $0x0, v2;
	p0 =	slt.u32 s17, $0x180  }
.Ltmp3:
0x37: {  	s18 =	smov.u32 s15;
	v1 =	vmin.u32 v2, $0x4E1F;
	(pc) =	sbr.rel @p0 .LBB2_3-.Ltmp3, $3  }
0x38: {  	_ =	sdelay $0x1  }
0x39: {  	s16 =	sadd.s32 $0x10, s16  }
0x3a: {  	vm1 =	vgt.s32 v0, $0x0;
	s15 =	sadd.s32 $0x10, s15;
	v2 =	vmov v0;
	(ifvalue) =	ssetifvalue $0x7FFFFFFF;
	v0 =	vld.msk [tilespmem:s16+$0x0 ss:$0x1], $0xffff  }
.Ltmp4:
0x3b: {  	_ = 	snop;
	(pc) =	sbr.rel .LBB2_4-.Ltmp4, $1  }
0x3c: {  	_ =	sdelay $0x3  }
.LBB2_6:
0x3d: {  	_ =	sfence.sel $0x180000  }
0x3e: {  	s2 =	simm.s32 $0x2;
	[bflag:$0x0] =	sbarrier.arrive $0xFFFF  }
0x3f: {  	s30 =	simm.s32 $0x3;
	[sflag:s2] =	ssyncpa.u1 $0x1  }
0x40: {  	s31 =	simm.s32 $0x1;
	[sflag:s30] =	ssyncpa.u1 $0x1  }
0x41: {  	[sflag:s31] =	ssyncpa.u1 $0x1  }
0x42: {  	p0 =	sne.s32 s1, $0x0;
	_ =	strace $0x9000004D  }
0x43: {  	s0 =	sadd.s32 @!p0 $0x100000, s0;
	[bflag:$0x2] =	sbarrier.arrive $0xFFFF  }
0x44: {  	[sflag:s0] =	ssyncadd.tile.s32 @!p0 $0x1;
	_ =	shalt  }
.Lfunc_end2:
_tile_overlayer_lowered:
.L_overlay_start_2:
0x45: {  	(tag) =	ssettag $0x2  }
0x46: {  	s0 =	rddreg [dreg:$0x0];
	s2 =	stileid.u32  }
0x47: {  	s1 =	rddreg [dreg:$0x1];
	p0 =	sne.s32 s2, $0x0  }
0x48: {  	s3 =	rddreg [dreg:$0x2];
	[bflag:$0x3] =	sbarrier.arrive $0xFFFF;
	s2 =	simm.s32 @!p0 $0x1C01  }
0x49: {  	[timem:s3], [sflag:s2] =	dma.local @!p0 [hbm:s0], s1  }
0x4a: {  	s0 =	simm.s32 @!p0 $0x1  }
0x4b: {  	_ =	swait.ge @!p0 [sflag:s0], s1  }
0x4c: {  	s1 =	ssub.s32 @!p0 $0x0, s1;
	[sflag:s0] =	ssyncset.done @!p0 $0x0  }
0x4d: {  	[sflag:s0] =	ssyncadd.s32 @!p0 s1  }
0x4e: {  	[bflag:$0x3] =	sbarrier.arrive $0xFFFF  }
0x4f: {  	_ =	shalt  }

// kernel: gather_offload_async_start
scs
__scs_entry_jumppad:
0x0: {  	(pc) =	sbr.rel $0x88, $3  }
0x1: {  	(tag) =	ssettag $0x0;
	lr =	simm.s32 $0x1  }
0x2: {  	[smem:$0x3F9E] =	sst lr;
	_ =	strace $0xD0000000  }
0x3: {  	_ = 	snop  }
0x4: {  	_ = 	snop  }
0x5: {  	_ = 	snop  }
0x6: {  	_ = 	snop  }
0x7: {  	_ = 	snop  }
__scs_overlays_trampoline_lowered:
0x8: {  	[smem:$0x3FAD] =	sst s0  }
0x9: {  	[smem:$0x3FAE] =	sst s1  }
0xa: {  	[smem:$0x3FAF] =	sst s2  }
0xb: {  	[smem:$0x3FB0] =	sst s3  }
0xc: {  	[smem:$0x3FB1] =	sst s4  }
0xd: {  	[smem:$0x3FB2] =	sst s5  }
0xe: {  	[smem:$0x3FB3] =	sst s6  }
0xf: {  	[smem:$0x3FB4] =	sst s7  }
0x10: {  	[smem:$0x3FB5] =	sst s8  }
0x11: {  	[smem:$0x3FB6] =	sst s9;
	s0 =	simm.s32 @!p0 $0x0  }
0x12: {  	s1 =	sld [smem:$0x3F9C];
	s0 =	simm.s32 @p0 $0x1  }
0x13: {  	[smem:$0x3FB7] =	sst s0;
	s0 =	simm.s32 @!p1 $0x0  }
0x14: {  	s2 =	sld [smem:$0x3F9B];
	s0 =	simm.s32 @p1 $0x1  }
0x15: {  	[smem:$0x3FB8] =	sst s0;
	s0 =	simm.s32 @!p2 $0x0  }
0x16: {  	s3 =	sld [smem:$0x3FDB];
	s0 =	simm.s32 @p2 $0x1  }
0x17: {  	s4 =	simm.s32 $0x1BF5;
	[smem:$0x3FBA] =	sst s0  }
0x18: {  	s0 =	sld [smem:$0x3F9D];
	_ =	swait.ge [sflag:s4], $0x0  }
0x19: {  	s7 =	sld [smem:$0x3F9E]  }
0x1a: {  	s8 =	sadd.s32 $0xFFFFE003, lr  }
0x1b: {  	s9 =	sadd.s32 $0xFFFFFEF7, lr;
	s5 =	simm.s32 $0xFFFFFFFF;
	p2 =	slt.u32 s8, $0xFFFFF086  }
0x1c: {  	p1 =	slt.u32 s9, $0xF7A;
	s5 =	simm.s32 @!p2 $0x0  }
0x1d: {  	s5 =	simm.s32 @p1 $0x1;
	p0 =	seq.s32 s7, s2  }
0x1e: {  	s7 =	smul.u32 @!p0 $0xF7A, s2;
	p2 =	seq.s32 @!p0 s5, $0x0  }
0x1f: {  	s9 =	smul.u32 $0xF7A, s1;
	s8 =	simm.s32 @!p0 $0x1BF5;
	p2 =	por !p2, p0  }
0x20: {  	[sflag:s8] =	ssyncset.s32 @!p0 $0xFFFFF086;
	s6 =	sadd.s32 @!p0 s3, s7;
	s7 =	simm.s32 @!p0 $0x108  }
0x21: {  	s3 =	sadd.s32 s3, s9;
	s6 =	sadd.s32 @!p0 $0x88, s6;
	s7 =	simm.s32 @p2 $0x1082  }
0x22: {  	[simem:s7], [sflag:s8] =	dma.local @!p0 [hbm:s6], $0xF7A  }
0x23: {  	s9 =	sor.u32 $0xD0000000, s2;
	s6 =	simm.s32 $0x108;
	_ =	swait.ge @!p0 [sflag:s8], $0x0  }
0x24: {  	s3 =	sadd.s32 $0x88, s3;
	s6 =	simm.s32 @!p1 $0x1082;
	[sflag:s4] =	ssyncset.s32 $0xFFFFF086  }
0x25: {  	[simem:s6], [sflag:s4] =	dma.local [hbm:s3], $0xF7A  }
0x26: {  	[smem:$0x3F9E] =	sst s1;
	(tag) =	ssettag s2;
	_ =	strace s9  }
0x27: {  	s1 =	sld [smem:$0x3FAE]  }
0x28: {  	s2 =	sld [smem:$0x3FAF]  }
0x29: {  	s4 =	sld [smem:$0x3FB1]  }
0x2a: {  	p0 =	seq.s32 s5, $0x0;
	s5 =	sld [smem:$0x3FB2]  }
0x2b: {  	s6 =	sld [smem:$0x3FB3]  }
0x2c: {  	s7 =	sld [smem:$0x3FB4]  }
0x2d: {  	s3 =	simm.s32 $0x108;
	s8 =	sld [smem:$0x3FB5]  }
0x2e: {  	s3 =	simm.s32 @!p0 $0x1082;
	s9 =	sld [smem:$0x3FB6]  }
0x2f: {  	lr =	sadd.s32 s0, s3;
	s0 =	sld [smem:$0x3FAD]  }
0x30: {  	s3 =	sld [smem:$0x3FB0]  }
0x31: {  	[smem:$0x3FB9] =	sst s10  }
0x32: {  	s10 =	sld [smem:$0x3FB7];
	_ =	sdelay $0x3  }
0x33: {  	p0 =	seq.s32 s10, $0x1;
	s10 =	sld [smem:$0x3FB9];
	_ =	sdelay $0x3  }
0x34: {  	[smem:$0x3FB9] =	sst s10  }
0x35: {  	s10 =	sld [smem:$0x3FB8];
	_ =	sdelay $0x3  }
0x36: {  	p1 =	seq.s32 s10, $0x1;
	s10 =	sld [smem:$0x3FB9];
	_ =	sdelay $0x3  }
0x37: {  	[smem:$0x3FB9] =	sst s10  }
0x38: {  	s10 =	sld [smem:$0x3FBA]  }
0x39: {  	_ = 	snop;
	(pc) =	sbr.ind lr, $3  }
0x3a: {  	_ = 	snop  }
0x3b: {  	_ = 	snop  }
0x3c: {  	p2 =	seq.s32 s10, $0x1;
	s10 =	sld [smem:$0x3FB9]  }
0x3d: {  	_ =	shalt  }
0x3e: {  	_ =	shalt  }
0x3f: {  	_ =	shalt  }
0x40: {  	_ =	shalt  }
0x41: {  	_ =	shalt  }
0x42: {  	_ =	shalt  }
0x43: {  	_ =	shalt  }
0x44: {  	_ =	shalt  }
0x45: {  	_ =	shalt  }
0x46: {  	_ =	shalt  }
0x47: {  	_ =	shalt  }
0x48: {  	_ =	shalt  }
0x49: {  	_ =	shalt  }
0x4a: {  	_ =	shalt  }
0x4b: {  	_ =	shalt  }
0x4c: {  	_ =	shalt  }
0x4d: {  	_ =	shalt  }
0x4e: {  	_ =	shalt  }
0x4f: {  	_ =	shalt  }
0x50: {  	_ =	shalt  }
0x51: {  	_ =	shalt  }
0x52: {  	_ =	shalt  }
0x53: {  	_ =	shalt  }
0x54: {  	_ =	shalt  }
0x55: {  	_ =	shalt  }
0x56: {  	_ =	shalt  }
0x57: {  	_ =	shalt  }
0x58: {  	_ =	shalt  }
0x59: {  	_ =	shalt  }
0x5a: {  	_ =	shalt  }
0x5b: {  	_ =	shalt  }
0x5c: {  	_ =	shalt  }
0x5d: {  	_ =	shalt  }
0x5e: {  	_ =	shalt  }
0x5f: {  	_ =	shalt  }
0x60: {  	_ =	shalt  }
0x61: {  	_ =	shalt  }
0x62: {  	_ =	shalt  }
0x63: {  	_ =	shalt  }
0x64: {  	_ =	shalt  }
0x65: {  	_ =	shalt  }
0x66: {  	_ =	shalt  }
0x67: {  	_ =	shalt  }
0x68: {  	_ =	shalt  }
0x69: {  	_ =	shalt  }
0x6a: {  	_ =	shalt  }
0x6b: {  	_ =	shalt  }
0x6c: {  	_ =	shalt  }
0x6d: {  	_ =	shalt  }
0x6e: {  	_ =	shalt  }
0x6f: {  	_ =	shalt  }
0x70: {  	_ =	shalt  }
0x71: {  	_ =	shalt  }
0x72: {  	_ =	shalt  }
0x73: {  	_ =	shalt  }
0x74: {  	_ =	shalt  }
0x75: {  	_ =	shalt  }
0x76: {  	_ =	shalt  }
0x77: {  	_ =	shalt  }
0x78: {  	_ =	shalt  }
0x79: {  	_ =	shalt  }
0x7a: {  	_ =	shalt  }
0x7b: {  	_ =	shalt  }
0x7c: {  	_ =	shalt  }
0x7d: {  	_ =	shalt  }
0x7e: {  	_ =	shalt  }
0x7f: {  	_ =	shalt  }
0x80: {  	_ =	shalt  }
0x81: {  	_ =	shalt  }
0x82: {  	_ =	shalt  }
0x83: {  	_ =	shalt  }
0x84: {  	_ =	shalt  }
0x85: {  	_ =	shalt  }
0x86: {  	_ =	shalt  }
0x87: {  	_ =	shalt  }
.Lfunc_end0:
.L_simem_size_0:
called_computation_lowered:
.L_overlay_start_0:
0x88: {  	s2 =	sld [smem:$0x3FD9]  }
0x89: {  	s3 =	sld [smem:$0x3FFE];
	_ =	sdelay $0x1  }
0x8a: {  	s1 =	srdreg.scid  }
0x8b: {  	s0 =	sand.u32 $0x1, s1  }
0x8c: {  	s14 =	sshll.u32 s0, $0xA;
	s2 =	sadd.s32 s3, s2  }
0x8d: {  	s2 =	sadd.s32 s2, s14  }
0x8e: {  	[smem:$0x3FC5] =	sst s2  }
0x8f: {  	_ = 	snop  }
0x90: {  	s2 =	sld [smem:$0x3FD0];
	_ =	sdelay $0x2  }
0x91: {  	s15 =	simm.s32 $0xB;
	s4 =	simm.s32 $0x10  }
0x92: {  	[smem:s4], [sflag:s15] =	dma.local [hbm:s2], $0x1  }
0x93: {  	_ =	swait.eq [sflag:s15], $0x1  }
0x94: {  	[sflag:s15] =	ssyncset.done $0x0  }
0x95: {  	[sflag:s15] =	ssyncadd.s32 $0xFFFFFFFF  }
0x96: {  	s16 =	sld [smem:$0x10];
	(tm) =	ssettm $0x1  }
0x97: {  	s17 =	sld [smem:$0x3FFB];
	_ =	sdelay $0x3  }
0x98: {  	_ =	strace s17  }
0x99: {  	s3 =	sld [smem:$0x3FFC];
	_ =	sdelay $0x3  }
0x9a: {  	_ =	strace s3  }
0x9b: {  	s3 =	sld [smem:$0x3FFD];
	_ =	sdelay $0x3  }
0x9c: {  	_ =	strace s3  }
0x9d: {  	_ =	strace $0x8FFFFFFF  }
0x9e: {  	s18 =	sld [smem:$0x3FDB];
	_ =	sdelay $0x1  }
0x9f: {  	s19 =	simm.s32 $_scs_section_size  }
0xa0: {  	s5 =	simm.s32 $_size__tile_overlayer_lowered;
	s6 =	simm.s32 $_tile_overlayer_lowered  }
0xa1: {  	s22 =	simm.s32 $0x1BFF;
	s21 =	sshll.u32 s6, $0x1;
	s3 =	sadd.s32 s19, s18  }
0xa2: {  	s7 =	simm.s32 $0x0;
	s20 =	sshll.u32 s5, $0x1;
	s5 =	sadd.s32 s21, s3  }
0xa3: {  	[timem:s7], [sflag:s22] =	dma.local [hbm:s5], s20  }
0xa4: {  	_ =	swait.ge [sflag:s22], s20  }
0xa5: {  	s4 =	ssub.s32 $0x0, s20;
	[sflag:s22] =	ssyncset.done $0x0  }
0xa6: {  	[sflag:s22] =	ssyncadd.s32 s4;
	_ =	sdelay $0x1  }
0xa7: {  	s23 =	simm.s32 $0x1B8B  }
0xa8: {  	_ =	swait.ge [sflag:s23], $0x1  }
0xa9: {  	[sflag:s23] =	ssyncset.done $0x0  }
0xaa: {  	s25 =	simm.s32 $0x1B8E;
	s24 =	sld [smem:$0x3FFE];
	[sflag:s23] =	ssyncadd.s32 $0xFFFFFFFF  }
0xab: {  	s26 =	simm.s32 $execute0_lowered;
	[smem:$0x3FD2] =	sst s25  }
0xac: {  	s5 =	sshll.u32 s26, $0x1;
	_ =	strace $0x80000046;
	[dreg:$0x1] =	wrdreg $0xFFFFFFFF  }
0xad: {  	s28 =	simm.s32 $_size_execute0_lowered;
	s3 =	sadd.s32 s3, s5;
	[dreg:$0x0] =	wrdreg $0x0  }
0xae: {  	s5 =	sshll.u32 s28, $0x1;
	[dreg:$0x2] =	wrdreg s3  }
0xaf: {  	[dreg:$0x3] =	wrdreg s5  }
0xb0: {  	[dreg:$0x4] =	wrdreg $0xC0  }
0xb1: {  	_ =	task [dreg:s7], $0x5FFFF  }
0xb2: {  	[dreg:$0x1] =	wrdreg $0xFFFFFFFF  }
0xb3: {  	[dreg:$0x0] =	wrdreg $0x60  }
0xb4: {  	[dreg:$0x2] =	wrdreg s24  }
0xb5: {  	[dreg:$0x3] =	wrdreg s16  }
0xb6: {  	[dreg:$0x4] =	wrdreg $0x9  }
0xb7: {  	_ =	task.clear_ibuf [dreg:s7], $0x5FFFF;
	_ =	strace $0x90000046  }
0xb8: {  	s29 =	simm.s32 $0x9;
	_ =	strace $0x80000048  }
0xb9: {  	_ =	swait.ge [sflag:s29], $0x1  }
0xba: {  	[sflag:s29] =	ssyncadd.s32 $0xFFFFFFFF  }
0xbb: {  	_ =	strace $0x90000048  }
0xbc: {  	_ =	sfence  }
0xbd: {  	s30 =	sld [smem:$0x0];
	_ =	sdelay $0x2  }
0xbe: {  	s31 =	sshll.u32 s1, $0xD;
	s1 =	sshrl.u32 s1, $0x2  }
0xbf: {  	s3 =	sand.u32 $0x4000, s31;
	s1 =	sadd.s32 s1, s30  }
0xc0: {  	s0 =	sor.u32 s3, s0;
	s1 =	sshll.u32 s1, $0x11  }
0xc1: {  	s0 =	sor.u32 s1, s0  }
0xc2: {  	s0 =	sadd.s32 $0x8F2B, s0  }
0xc3: {  	[sflag:s0] =	ssyncadd.remote.s32 $0x1  }
0xc4: {  	_ =	sfence.sel $0xFFFF  }
0xc5: {  	[dreg:$0x0] =	wrdreg $0xFFFFFFFF;
	(pc) =	sbr.abs _section_cstart, $3  }
0xc6: {  	[dreg:$0x1] =	wrdreg $0xFFFFFFFF  }
0xc7: {  	_ =	task.clear_ibuf [dreg:s7], $0x2FFFF;
	_ =	strace $0x9FFFFFFF  }
0xc8: {  	(tm) =	ssettm $0x7FFFFFFF  }
0xc9: {  	_ =	shalt  }
tec
execute0_lowered:
.L_overlay_start_1:
0x0: {  	(tag) =	ssettag $0x1  }
0x1: {  	s0 =	srdreg.scid  }
0x2: {  	s1 =	sshll.u32 s0, $0x4  }
0x3: {  	s0 =	stileid.u32;
	s1 =	sand.u32 $0x10, s1  }
0x4: {  	s2 =	sor.u32 s0, s1  }
0x5: {  	s1 =	smin.u32 s2, $0x12  }
0x6: {  	s1 =	sadd.s32 s2, s1  }
0x7: {  	p0 =	slt.u32 s2, $0x12;
	s2 =	simm.s32 $0x320;
	s1 =	smul.u32 $0x190, s1  }
0x8: {  	s2 =	simm.s32 @!p0 $0x190  }
0x9: {  	s2 =	sadd.s32 s2, s1  }
0xa: {  	s3 =	smin.u32 s2, $0x4E20  }
0xb: {  	s7 =	ssub.s32 s3, s1  }
0xc: {  	p0 =	sgt.s32 s7, $0x0  }
0xd: {  	s7 =	simm.s32 @!p0 $0x0  }
0xe: {  	s31 =	sand.u32 $0xFFF0, s7  }
0xf: {  	s2 =	sshrl.u32 s31, $0x4  }
0x10: {  	s4 =	rddreg [dreg:$0x0];
	s2 =	smul.u32 $0xA3E, s2  }
0x11: {  	s5 =	rddreg [dreg:$0x1]  }
0x12: {  	s6 =	simm.s32 $0x1;
	s10 =	simm.s32 $0x3;
	s8 =	sshrl.u32 s2, $0x10  }
0x13: {  	s13 =	simm.s32 $0x0;
	s12 =	simm.s32 $0x0;
	s9 =	smul.u32 $0x190, s8  }
.Ltmp0:
0x14: {  	s11 =	smov.u32 s1;
	s2 =	rddreg [dreg:$0x2];
	(pc) =	sbr.rel .LBB2_1-.Ltmp0, $4  }
0x15: {  	_ =	strace $0x80000047;
	p0 =	sne.s32 s7, s9;
	s9 =	simm.s32 $0x1  }
0x16: {  	[sflag:s6] =	ssyncpa.u1 $0x0;
	s7 =	simm.s32 $0x2;
	s9 =	simm.s32 @!p0 $0x0  }
0x17: {  	[sflag:s7] =	ssyncpa.u1 $0x0;
	p0 =	por $0x0, $0x0;
	s8 =	sadd.s32 s8, s9  }
0x18: {  	vm0 =	vmmov $0xff;
	vm1 =	vcmask $0x3F20;
	s9 =	sadd.s32 $0x4E200, s4;
	[sflag:s10] =	ssyncpa.u1 $0x0;
	s10 =	sadd.s32 $0x1, s8  }
.LBB2_6:
0x19: {  	[hbm:s17] =	stream.linear.scatter [tilespmem:s14], [sflag:$0x3], $0x400, $0x38;
	[tilespmem:$0x19320] =	vst v63  }
.LBB2_7:
0x1a: {  	s13 =	sadd.s32 $0x190, s11  }
0x1b: {  	s15 =	smov.u32 s1;
	p2 =	slt.s32 s13, s3  }
0x1c: {  	s15 =	smov.u32 @p2 s13;
	p2 =	sne.s32 s12, s10  }
.Ltmp1:
0x1d: {  	p1 =	slt.u32 s12, $0x2;
	(pc) =	sbr.rel @!p2 .LBB2_8-.Ltmp1, $4  }
0x1e: {  	s14 =	simm.s32 @!p1 $0x3  }
0x1f: {  	s16 =	sadd.s32 $0x1, s12;
	_ =	swait.ge @!p1 [sflag:s14], $0xC800  }
0x20: {  	p0 =	por !p0, !p0;
	s13 =	smov.u32 s11;
	[sflag:s14] =	ssyncset.done @!p1 $0x0  }
0x21: {  	s12 =	smov.u32 s16;
	s11 =	smov.u32 s15;
	[sflag:s14] =	ssyncadd.s32 @!p1 $0xFFFF3800  }
.LBB2_1:
0x22: {  	p1 =	sge.u32 s12, s8  }
0x23: {  	s14 =	sxor.u32 @!p1 $0xFFFFFFFF, s12  }
0x24: {  	s14 =	sand.u32 @!p1 $0x1, s14  }
0x25: {  	s14 =	smul.u32 @!p1 $0x640, s14  }
0x26: {  	s31 =	sadd.s32 $0xFFFFFFFF, s12;
	s15 =	sshrl.u32 @!p1 s11, $0x3  }
0x27: {  	s16 =	sand.u32 @!p1 $0x7, s11;
	s15 =	sadd.s32 @!p1 s5, s15;
	s14 =	sshrl.u32 @!p1 s14, $0x2  }
0x28: {  	[tilespmem:s14], [sflag:$0x2] =	stream.linear.gather @!p1 [hbm4b:s15+s16], $0x190, $0x38;
	[tilespmem:$0x19320] =	vst v63  }
0x29: {  	p1 =	sge.u32 s31, s8  }
.Ltmp2:
0x2a: {  	_ = 	snop;
	(pc) =	sbr.rel @p1 .LBB2_7-.Ltmp2, $1  }
0x2b: {  	_ =	sdelay $0x3  }
0x2c: {  	s14 =	simm.s32 $0x1  }
0x2d: {  	s14 =	simm.s32 @!p0 $0x0  }
0x2e: {  	s15 =	smul.u32 $0x640, s14  }
0x2f: {  	_ =	swait.ge [sflag:s7], $0x190  }
0x30: {  	[sflag:s7] =	ssyncset.done $0x0;
	s16 =	sshrl.u32 s15, $0x2  }
0x31: {  	[sflag:s7] =	ssyncadd.s32 $0xFFFFFE70;
	s15 =	sadd.s32 $0x0, s16  }
0x32: {  	v0 =	vld.msk [tilespmem:s15+$0x0 ss:$0x1], $0xffff;
	_ =	sdelay $0x4  }
0x33: {  	vm2 =	vgt.s32 v0, $0x0  }
0x34: {  	v0 =	vnsel vm2, $0x0, v0  }
0x35: {  	v0 =	vmin.u32 v0, $0x4E1F  }
0x36: {  	v0 =	vshll.u32 v0, $0x4  }
0x37: {  	s14 =	smul.u32 $0x32000, s14;
	_ =	sdelay $0x1  }
0x38: {  	s14 =	sshrl.u32 s14, $0x2  }
0x39: {  	s14 =	sor.u32 $0x320, s14  }
0x3a: {  	[tilespmem:s14], [sflag:$0x1] =	stream.indirect_vreg.gather [hbm:s4], $0x80, v0, vm0, $0x38;
	[tilespmem:$0x19320] =	vst v63  }
0x3b: {  	s17 =	sadd.s32 $0x10, s16;
	s15 =	sadd.s32 $0x400, s14  }
0x3c: {  	[tilespmem:s15], [sflag:$0x1] =	stream.indirect_vreg.gather [hbm:s4], $0x80, v0, vm1, $0x38;
	[tilespmem:$0x19320] =	vst v63  }
0x3d: {  	s18 =	simm.s32 $0x80;
	v0 =	vld.msk [tilespmem:s17+$0x0 ss:$0x1], $0xffff;
	s17 =	smov.u32 s14  }
.LBB2_3:
0x3e: {  	p1 =	sne.s32 s18, $0x600;
	_ =	sdelay $0x4  }
0x3f: {  	vm2 =	vgt.s32 v0, $0x0  }
0x40: {  	v0 =	vnsel vm2, $0x0, v0  }
0x41: {  	v0 =	vmin.u32 v0, $0x4E1F  }
0x42: {  	v0 =	vshll.u32 v0, $0x4;
	_ =	sdelay $0x3  }
.Ltmp3:
0x43: {  	s19 =	sshra.s32 s18, $0x2;
	s17 =	sadd.s32 $0x800, s17;
	(pc) =	sbr.rel @p1 .LBB2_3-.Ltmp3, $4  }
0x44: {  	[tilespmem:s17], [sflag:$0x1] =	stream.indirect_vreg.gather [hbm:s4], $0x80, v0, vm0, $0x38;
	[tilespmem:$0x19320] =	vst v63  }
0x45: {  	s19 =	sadd.s32 s19, s16;
	s20 =	sadd.s32 $0x400, s17  }
0x46: {  	[tilespmem:s20], [sflag:$0x1] =	stream.indirect_vreg.gather [hbm:s4], $0x80, v0, vm1, $0x38;
	[tilespmem:$0x19320] =	vst v63  }
0x47: {  	s18 =	sadd.s32 $0x40, s18;
	v0 =	vld.msk [tilespmem:s19+$0x0 ss:$0x1], $0xffff  }
0x48: {  	_ =	sdelay $0x3  }
0x49: {  	vm2 =	vgt.s32 v0, $0x0  }
0x4a: {  	v0 =	vnsel vm2, $0x0, v0  }
0x4b: {  	v0 =	vmin.u32 v0, $0x4E1F  }
0x4c: {  	v0 =	vshll.u32 v0, $0x4;
	_ =	sdelay $0x3  }
0x4d: {  	s16 =	sadd.s32 $0x800, s17  }
0x4e: {  	[tilespmem:s16], [sflag:$0x1] =	stream.indirect_vreg.gather [hbm:s4], $0x80, v0, vm0, $0x38;
	[tilespmem:$0x19320] =	vst v63  }
0x4f: {  	s16 =	sadd.s32 $0x400, s16  }
0x50: {  	[tilespmem:s16], [sflag:$0x1] =	stream.indirect_vreg.gather [hbm:s4], $0x80, v0, vm1, $0x38;
	[tilespmem:$0x19320] =	vst v63  }
0x51: {  	s13 =	sshll.u32 s13, $0x4;
	_ =	swait.ge [sflag:s6], $0xC800  }
0x52: {  	s13 =	sadd.s32 s13, s9;
	[sflag:s6] =	ssyncset.done $0x0  }
0x53: {  	s17 =	sadd.s32 $0x0, s13;
	s16 =	simm.s32 $0x80;
	[sflag:s6] =	ssyncadd.s32 $0xFFFF3800  }
.LBB2_5:
0x54: {  	[hbm:s17] =	stream.linear.scatter [tilespmem:s14], [sflag:$0x3], $0x400, $0x38;
	[tilespmem:$0x19320] =	vst v63  }
0x55: {  	s17 =	smov.u32 s16;
	s14 =	smov.u32 s15;
	p1 =	sne.s32 s16, $0x1880  }
.Ltmp4:
0x56: {  	s16 =	sadd.s32 $0x80, s16;
	(pc) =	sbr.rel @p1 .LBB2_5-.Ltmp4, $2  }
0x57: {  	_ =	sdelay $0x2  }
0x58: {  	s15 =	sadd.s32 $0x400, s15;
	s17 =	sadd.s32 s17, s13  }
.Ltmp5:
0x59: {  	_ = 	snop;
	(pc) =	sbr.rel .LBB2_6-.Ltmp5, $1  }
0x5a: {  	_ =	sdelay $0x3  }
.LBB2_8:
0x5b: {  	_ =	sfence.sel $0x180000  }
0x5c: {  	s1 =	simm.s32 $0x2;
	[bflag:$0x0] =	sbarrier.arrive $0xFFFF  }
0x5d: {  	s30 =	simm.s32 $0x3;
	[sflag:s1] =	ssyncpa.u1 $0x1  }
0x5e: {  	s31 =	simm.s32 $0x1;
	[sflag:s30] =	ssyncpa.u1 $0x1  }
0x5f: {  	[sflag:s31] =	ssyncpa.u1 $0x1  }
0x60: {  	p0 =	sne.s32 s0, $0x0;
	_ =	strace $0x90000047  }
0x61: {  	s0 =	sadd.s32 @!p0 $0x100000, s2;
	[bflag:$0x2] =	sbarrier.arrive $0xFFFF  }
0x62: {  	[sflag:s0] =	ssyncadd.tile.s32 @!p0 $0x1;
	_ =	shalt  }
.Lfunc_end2:
_tile_overlayer_lowered:
.L_overlay_start_2:
0x63: {  	(tag) =	ssettag $0x2  }
0x64: {  	s0 =	rddreg [dreg:$0x0];
	s2 =	stileid.u32  }
0x65: {  	s1 =	rddreg [dreg:$0x1];
	p0 =	sne.s32 s2, $0x0  }
0x66: {  	s3 =	rddreg [dreg:$0x2];
	[bflag:$0x3] =	sbarrier.arrive $0xFFFF;
	s2 =	simm.s32 @!p0 $0x1C01  }
0x67: {  	[timem:s3], [sflag:s2] =	dma.local @!p0 [hbm:s0], s1  }
0x68: {  	s0 =	simm.s32 @!p0 $0x1  }
0x69: {  	_ =	swait.ge @!p0 [sflag:s0], s1  }
0x6a: {  	s1 =	ssub.s32 @!p0 $0x0, s1;
	[sflag:s0] =	ssyncset.done @!p0 $0x0  }
0x6b: {  	[sflag:s0] =	ssyncadd.s32 @!p0 s1  }
0x6c: {  	[bflag:$0x3] =	sbarrier.arrive $0xFFFF  }
0x6d: {  	_ =	shalt  }

// kernel: kernel.4.cloned.1.call-start
scs
__scs_entry_jumppad:
0x0: {  	(pc) =	sbr.rel $0x88, $3  }
0x1: {  	(tag) =	ssettag $0x0;
	lr =	simm.s32 $0x1  }
0x2: {  	[smem:$0x3F9E] =	sst lr;
	_ =	strace $0xD0000000  }
0x3: {  	_ = 	snop  }
0x4: {  	_ = 	snop  }
0x5: {  	_ = 	snop  }
0x6: {  	_ = 	snop  }
0x7: {  	_ = 	snop  }
__scs_overlays_trampoline_lowered:
0x8: {  	[smem:$0x3FAD] =	sst s0  }
0x9: {  	[smem:$0x3FAE] =	sst s1  }
0xa: {  	[smem:$0x3FAF] =	sst s2  }
0xb: {  	[smem:$0x3FB0] =	sst s3  }
0xc: {  	[smem:$0x3FB1] =	sst s4  }
0xd: {  	[smem:$0x3FB2] =	sst s5  }
0xe: {  	[smem:$0x3FB3] =	sst s6  }
0xf: {  	[smem:$0x3FB4] =	sst s7  }
0x10: {  	[smem:$0x3FB5] =	sst s8  }
0x11: {  	[smem:$0x3FB6] =	sst s9;
	s0 =	simm.s32 @!p0 $0x0  }
0x12: {  	s1 =	sld [smem:$0x3F9C];
	s0 =	simm.s32 @p0 $0x1  }
0x13: {  	[smem:$0x3FB7] =	sst s0;
	s0 =	simm.s32 @!p1 $0x0  }
0x14: {  	s2 =	sld [smem:$0x3F9B];
	s0 =	simm.s32 @p1 $0x1  }
0x15: {  	[smem:$0x3FB8] =	sst s0;
	s0 =	simm.s32 @!p2 $0x0  }
0x16: {  	s3 =	sld [smem:$0x3FDB];
	s0 =	simm.s32 @p2 $0x1  }
0x17: {  	s4 =	simm.s32 $0x1BF5;
	[smem:$0x3FBA] =	sst s0  }
0x18: {  	s0 =	sld [smem:$0x3F9D];
	_ =	swait.ge [sflag:s4], $0x0  }
0x19: {  	s7 =	sld [smem:$0x3F9E]  }
0x1a: {  	s8 =	sadd.s32 $0xFFFFE003, lr  }
0x1b: {  	s9 =	sadd.s32 $0xFFFFFEF7, lr;
	s5 =	simm.s32 $0xFFFFFFFF;
	p2 =	slt.u32 s8, $0xFFFFF086  }
0x1c: {  	p1 =	slt.u32 s9, $0xF7A;
	s5 =	simm.s32 @!p2 $0x0  }
0x1d: {  	s5 =	simm.s32 @p1 $0x1;
	p0 =	seq.s32 s7, s2  }
0x1e: {  	s7 =	smul.u32 @!p0 $0xF7A, s2;
	p2 =	seq.s32 @!p0 s5, $0x0  }
0x1f: {  	s9 =	smul.u32 $0xF7A, s1;
	s8 =	simm.s32 @!p0 $0x1BF5;
	p2 =	por !p2, p0  }
0x20: {  	[sflag:s8] =	ssyncset.s32 @!p0 $0xFFFFF086;
	s6 =	sadd.s32 @!p0 s3, s7;
	s7 =	simm.s32 @!p0 $0x108  }
0x21: {  	s3 =	sadd.s32 s3, s9;
	s6 =	sadd.s32 @!p0 $0x88, s6;
	s7 =	simm.s32 @p2 $0x1082  }
0x22: {  	[simem:s7], [sflag:s8] =	dma.local @!p0 [hbm:s6], $0xF7A  }
0x23: {  	s9 =	sor.u32 $0xD0000000, s2;
	s6 =	simm.s32 $0x108;
	_ =	swait.ge @!p0 [sflag:s8], $0x0  }
0x24: {  	s3 =	sadd.s32 $0x88, s3;
	s6 =	simm.s32 @!p1 $0x1082;
	[sflag:s4] =	ssyncset.s32 $0xFFFFF086  }
0x25: {  	[simem:s6], [sflag:s4] =	dma.local [hbm:s3], $0xF7A  }
0x26: {  	[smem:$0x3F9E] =	sst s1;
	(tag) =	ssettag s2;
	_ =	strace s9  }
0x27: {  	s1 =	sld [smem:$0x3FAE]  }
0x28: {  	s2 =	sld [smem:$0x3FAF]  }
0x29: {  	s4 =	sld [smem:$0x3FB1]  }
0x2a: {  	p0 =	seq.s32 s5, $0x0;
	s5 =	sld [smem:$0x3FB2]  }
0x2b: {  	s6 =	sld [smem:$0x3FB3]  }
0x2c: {  	s7 =	sld [smem:$0x3FB4]  }
0x2d: {  	s3 =	simm.s32 $0x108;
	s8 =	sld [smem:$0x3FB5]  }
0x2e: {  	s3 =	simm.s32 @!p0 $0x1082;
	s9 =	sld [smem:$0x3FB6]  }
0x2f: {  	lr =	sadd.s32 s0, s3;
	s0 =	sld [smem:$0x3FAD]  }
0x30: {  	s3 =	sld [smem:$0x3FB0]  }
0x31: {  	[smem:$0x3FB9] =	sst s10  }
0x32: {  	s10 =	sld [smem:$0x3FB7];
	_ =	sdelay $0x3  }
0x33: {  	p0 =	seq.s32 s10, $0x1;
	s10 =	sld [smem:$0x3FB9];
	_ =	sdelay $0x3  }
0x34: {  	[smem:$0x3FB9] =	sst s10  }
0x35: {  	s10 =	sld [smem:$0x3FB8];
	_ =	sdelay $0x3  }
0x36: {  	p1 =	seq.s32 s10, $0x1;
	s10 =	sld [smem:$0x3FB9];
	_ =	sdelay $0x3  }
0x37: {  	[smem:$0x3FB9] =	sst s10  }
0x38: {  	s10 =	sld [smem:$0x3FBA]  }
0x39: {  	_ = 	snop;
	(pc) =	sbr.ind lr, $3  }
0x3a: {  	_ = 	snop  }
0x3b: {  	_ = 	snop  }
0x3c: {  	p2 =	seq.s32 s10, $0x1;
	s10 =	sld [smem:$0x3FB9]  }
0x3d: {  	_ =	shalt  }
0x3e: {  	_ =	shalt  }
0x3f: {  	_ =	shalt  }
0x40: {  	_ =	shalt  }
0x41: {  	_ =	shalt  }
0x42: {  	_ =	shalt  }
0x43: {  	_ =	shalt  }
0x44: {  	_ =	shalt  }
0x45: {  	_ =	shalt  }
0x46: {  	_ =	shalt  }
0x47: {  	_ =	shalt  }
0x48: {  	_ =	shalt  }
0x49: {  	_ =	shalt  }
0x4a: {  	_ =	shalt  }
0x4b: {  	_ =	shalt  }
0x4c: {  	_ =	shalt  }
0x4d: {  	_ =	shalt  }
0x4e: {  	_ =	shalt  }
0x4f: {  	_ =	shalt  }
0x50: {  	_ =	shalt  }
0x51: {  	_ =	shalt  }
0x52: {  	_ =	shalt  }
0x53: {  	_ =	shalt  }
0x54: {  	_ =	shalt  }
0x55: {  	_ =	shalt  }
0x56: {  	_ =	shalt  }
0x57: {  	_ =	shalt  }
0x58: {  	_ =	shalt  }
0x59: {  	_ =	shalt  }
0x5a: {  	_ =	shalt  }
0x5b: {  	_ =	shalt  }
0x5c: {  	_ =	shalt  }
0x5d: {  	_ =	shalt  }
0x5e: {  	_ =	shalt  }
0x5f: {  	_ =	shalt  }
0x60: {  	_ =	shalt  }
0x61: {  	_ =	shalt  }
0x62: {  	_ =	shalt  }
0x63: {  	_ =	shalt  }
0x64: {  	_ =	shalt  }
0x65: {  	_ =	shalt  }
0x66: {  	_ =	shalt  }
0x67: {  	_ =	shalt  }
0x68: {  	_ =	shalt  }
0x69: {  	_ =	shalt  }
0x6a: {  	_ =	shalt  }
0x6b: {  	_ =	shalt  }
0x6c: {  	_ =	shalt  }
0x6d: {  	_ =	shalt  }
0x6e: {  	_ =	shalt  }
0x6f: {  	_ =	shalt  }
0x70: {  	_ =	shalt  }
0x71: {  	_ =	shalt  }
0x72: {  	_ =	shalt  }
0x73: {  	_ =	shalt  }
0x74: {  	_ =	shalt  }
0x75: {  	_ =	shalt  }
0x76: {  	_ =	shalt  }
0x77: {  	_ =	shalt  }
0x78: {  	_ =	shalt  }
0x79: {  	_ =	shalt  }
0x7a: {  	_ =	shalt  }
0x7b: {  	_ =	shalt  }
0x7c: {  	_ =	shalt  }
0x7d: {  	_ =	shalt  }
0x7e: {  	_ =	shalt  }
0x7f: {  	_ =	shalt  }
0x80: {  	_ =	shalt  }
0x81: {  	_ =	shalt  }
0x82: {  	_ =	shalt  }
0x83: {  	_ =	shalt  }
0x84: {  	_ =	shalt  }
0x85: {  	_ =	shalt  }
0x86: {  	_ =	shalt  }
0x87: {  	_ =	shalt  }
.Lfunc_end0:
.L_simem_size_0:
called_computation.3_lowered:
.L_overlay_start_0:
0x88: {  	s2 =	sld [smem:$0x3FD9]  }
0x89: {  	s3 =	sld [smem:$0x3FFE];
	_ =	sdelay $0x1  }
0x8a: {  	s1 =	srdreg.scid  }
0x8b: {  	s0 =	sand.u32 $0x1, s1  }
0x8c: {  	s14 =	sshll.u32 s0, $0xA;
	s2 =	sadd.s32 s3, s2  }
0x8d: {  	s2 =	sadd.s32 s2, s14  }
0x8e: {  	[smem:$0x3FC5] =	sst s2  }
0x8f: {  	_ = 	snop  }
0x90: {  	s2 =	sld [smem:$0x3FD0];
	_ =	sdelay $0x2  }
0x91: {  	s15 =	simm.s32 $0xB;
	s4 =	simm.s32 $0x10  }
0x92: {  	[smem:s4], [sflag:s15] =	dma.local [hbm:s2], $0x1  }
0x93: {  	_ =	swait.eq [sflag:s15], $0x1  }
0x94: {  	[sflag:s15] =	ssyncset.done $0x0  }
0x95: {  	s16 =	sld [smem:$0x11];
	[sflag:s15] =	ssyncadd.s32 $0xFFFFFFFF  }
0x96: {  	s17 =	sld [smem:$0x12];
	(tm) =	ssettm $0x1  }
0x97: {  	s18 =	sld [smem:$0x3FFB];
	_ =	sdelay $0x3  }
0x98: {  	_ =	strace s18  }
0x99: {  	s4 =	sld [smem:$0x3FFC];
	_ =	sdelay $0x3  }
0x9a: {  	_ =	strace s4  }
0x9b: {  	s4 =	sld [smem:$0x3FFD];
	_ =	sdelay $0x3  }
0x9c: {  	_ =	strace s4  }
0x9d: {  	_ =	strace $0x8FFFFFFF  }
0x9e: {  	s19 =	sld [smem:$0x3FDB];
	_ =	sdelay $0x1  }
0x9f: {  	s5 =	simm.s32 $_scs_section_size  }
0xa0: {  	s6 =	simm.s32 $_size__tile_overlayer_lowered;
	s7 =	simm.s32 $_tile_overlayer_lowered  }
0xa1: {  	s22 =	simm.s32 $0x1BFF;
	s21 =	sshll.u32 s7, $0x1;
	s4 =	sadd.s32 s5, s19  }
0xa2: {  	s8 =	simm.s32 $0x0;
	s20 =	sshll.u32 s6, $0x1;
	s6 =	sadd.s32 s21, s4  }
0xa3: {  	[timem:s8], [sflag:s22] =	dma.local [hbm:s6], s20  }
0xa4: {  	_ =	swait.ge [sflag:s22], s20  }
0xa5: {  	s5 =	ssub.s32 $0x0, s20;
	[sflag:s22] =	ssyncset.done $0x0  }
0xa6: {  	[sflag:s22] =	ssyncadd.s32 s5;
	_ =	sdelay $0x1  }
0xa7: {  	s23 =	simm.s32 $0x1B8B  }
0xa8: {  	_ =	swait.ge [sflag:s23], $0x1  }
0xa9: {  	[sflag:s23] =	ssyncset.done $0x0  }
0xaa: {  	s25 =	simm.s32 $0x1B8E;
	s24 =	sld [smem:$0x3FFE];
	[sflag:s23] =	ssyncadd.s32 $0xFFFFFFFF  }
0xab: {  	s26 =	simm.s32 $execute0_lowered;
	[smem:$0x3FD2] =	sst s25  }
0xac: {  	s6 =	sshll.u32 s26, $0x1;
	_ =	strace $0x80000049;
	[dreg:$0x1] =	wrdreg $0xFFFFFFFF  }
0xad: {  	s28 =	simm.s32 $_size_execute0_lowered;
	s4 =	sadd.s32 s4, s6;
	[dreg:$0x0] =	wrdreg $0x0  }
0xae: {  	s6 =	sshll.u32 s28, $0x1;
	[dreg:$0x2] =	wrdreg s4  }
0xaf: {  	[dreg:$0x3] =	wrdreg s6  }
0xb0: {  	[dreg:$0x4] =	wrdreg $0xC0  }
0xb1: {  	_ =	task [dreg:s8], $0x5FFFF  }
0xb2: {  	[dreg:$0x1] =	wrdreg $0xFFFFFFFF  }
0xb3: {  	[dreg:$0x0] =	wrdreg $0x60  }
0xb4: {  	[dreg:$0x2] =	wrdreg s24  }
0xb5: {  	[dreg:$0x3] =	wrdreg s16  }
0xb6: {  	[dreg:$0x4] =	wrdreg s17  }
0xb7: {  	[dreg:$0x5] =	wrdreg $0xA  }
0xb8: {  	_ =	task.clear_ibuf [dreg:s8], $0x6FFFF;
	_ =	strace $0x90000049  }
0xb9: {  	s29 =	simm.s32 $0xA;
	_ =	strace $0x8000004B  }
0xba: {  	_ =	swait.ge [sflag:s29], $0x1  }
0xbb: {  	[sflag:s29] =	ssyncadd.s32 $0xFFFFFFFF  }
0xbc: {  	_ =	strace $0x9000004B  }
0xbd: {  	_ =	sfence  }
0xbe: {  	s30 =	sld [smem:$0x0];
	_ =	sdelay $0x2  }
0xbf: {  	s31 =	sshll.u32 s1, $0xD;
	s1 =	sshrl.u32 s1, $0x2  }
0xc0: {  	s3 =	sand.u32 $0x4000, s31;
	s1 =	sadd.s32 s1, s30  }
0xc1: {  	s0 =	sor.u32 s3, s0;
	s1 =	sshll.u32 s1, $0x11  }
0xc2: {  	s0 =	sor.u32 s1, s0  }
0xc3: {  	s0 =	sadd.s32 $0x8F2B, s0  }
0xc4: {  	[sflag:s0] =	ssyncadd.remote.s32 $0x1  }
0xc5: {  	_ =	sfence.sel $0xFFFF  }
0xc6: {  	[dreg:$0x0] =	wrdreg $0xFFFFFFFF;
	(pc) =	sbr.abs _section_cstart, $3  }
0xc7: {  	[dreg:$0x1] =	wrdreg $0xFFFFFFFF  }
0xc8: {  	_ =	task.clear_ibuf [dreg:s8], $0x2FFFF;
	_ =	strace $0x9FFFFFFF  }
0xc9: {  	(tm) =	ssettm $0x7FFFFFFF  }
tec
execute0_lowered:
.L_overlay_start_1:
0x0: {  	(tag) =	ssettag $0x1  }
0x1: {  	s1 =	srdreg.scid  }
0x2: {  	s4 =	stileid.u32;
	s1 =	sand.u32 $0x1, s1  }
0x3: {  	s4 =	sor.u32 s4, s1  }
0x4: {  	p0 =	sne.s32 s4, $0x0  }
.Ltmp0:
0x5: {  	_ = 	snop;
	(pc) =	sbr.rel @!p0 .LBB2_1-.Ltmp0, $4  }
0x6: {  	_ = 	snop  }
0x7: {  	s0 =	rddreg [dreg:$0x0]  }
0x8: {  	s2 =	rddreg [dreg:$0x1]  }
0x9: {  	s3 =	rddreg [dreg:$0x2];
	_ =	strace $0x8000004A  }
.LBB2_17:
0xa: {  	_ =	sfence.sel $0x180000  }
0xb: {  	[bflag:$0x0] =	sbarrier.arrive $0xFFFF  }
0xc: {  	_ =	strace $0x9000004A  }
0xd: {  	s0 =	stileid.u32;
	[bflag:$0x2] =	sbarrier.arrive $0xFFFF  }
0xe: {  	p0 =	sne.s32 s0, $0x0;
	s0 =	rddreg [dreg:$0x3]  }
0xf: {  	s0 =	sadd.s32 @!p0 $0x100000, s0  }
0x10: {  	[sflag:s0] =	ssyncadd.tile.s32 @!p0 $0x1;
	_ =	shalt  }
.LBB2_1:
.Ltmp1:
0x11: {  	(pc) =	sbr.rel .LBB2_2-.Ltmp1, $4  }
0x12: {  	s1 =	ssub.s32 $0x2, s1;
	s4 =	sadd.s32 $0x2CC400, s0  }
0x13: {  	s6 =	sadd.s32 $0x2CC500, s0;
	s7 =	sadd.s32 $0x2CC600, s0;
	s8 =	simm.s32 $0x0;
	v0 =	vlaneseq.u32;
	v1 =	vimm.s32 $0x0  }
0x14: {  	s9 =	simm.s32 $0x3;
	vm0 =	vmmov $0xffff;
	vm1 =	vmmov $0xff;
	s10 =	simm.s32 $0x13D80;
	s5 =	sshrl.u32 s1, $0x1;
	v3 =	vshrl.u32 v0, $0x3  }
0x15: {  	s11 =	simm.s32 $0x1E180;
	s12 =	simm.s32 $0x0;
	v2 =	vand.u32 $0x7, v0;
	v4 =	vor.u32 $0x8, v0;
	s5 =	ssub.s32 s1, s5;
	v3 =	vmul.u32 $0x8, v3  }
.LBB2_16:
0x16: {  	s12 =	sadd.s32 $0x1, s12  }
0x17: {  	p0 =	sne.s32 s12, s5  }
.Ltmp2:
0x18: {  	_ = 	snop;
	(pc) =	sbr.rel @!p0 .LBB2_17-.Ltmp2, $4  }
0x19: {  	[hbm4b:s3+s8] =	stream.linear.scatter [tilespmem:s11], [sflag:$0x3], $0x280, $0x38;
	[tilespmem:$0x1E480] =	vst v63  }
0x1a: {  	_ =	swait.ge [sflag:s9], $0x280  }
0x1b: {  	[sflag:s9] =	ssyncset.done $0x0  }
0x1c: {  	[sflag:s9] =	ssyncadd.s32 $0xFFFFFD80  }
.LBB2_2:
0x1d: {  	s13 =	simm.s32 $0x5080  }
0x1e: {  	[tilespmem:s13], [sflag:$0x3] =	stream.linear.gather [hbm4b:s2+s8], $0x5000, $0x38;
	[tilespmem:$0x1E480] =	vst v63  }
0x1f: {  	_ =	swait.ge [sflag:s9], $0x5000  }
0x20: {  	[sflag:s9] =	ssyncset.done $0x0  }
0x21: {  	[sflag:s9] =	ssyncadd.s32 $0xFFFFB000  }
0x22: {  	[tilespmem:$0x1E180] =	vst v1  }
0x23: {  	[tilespmem:$0x1E190] =	vst v1  }
0x24: {  	[tilespmem:$0x1E1A0] =	vst v1  }
0x25: {  	[tilespmem:$0x1E1B0] =	vst v1  }
0x26: {  	[tilespmem:$0x1E1C0] =	vst v1  }
0x27: {  	[tilespmem:$0x1E1D0] =	vst v1  }
0x28: {  	[tilespmem:$0x1E1E0] =	vst v1  }
0x29: {  	[tilespmem:$0x1E1F0] =	vst v1  }
0x2a: {  	[tilespmem:$0x1E200] =	vst v1  }
0x2b: {  	[tilespmem:$0x1E210] =	vst v1  }
0x2c: {  	[tilespmem:$0x1E220] =	vst v1  }
0x2d: {  	[tilespmem:$0x1E230] =	vst v1  }
0x2e: {  	[tilespmem:$0x1E240] =	vst v1  }
0x2f: {  	[tilespmem:$0x1E250] =	vst v1  }
0x30: {  	[tilespmem:$0x1E260] =	vst v1  }
0x31: {  	[tilespmem:$0x1E270] =	vst v1  }
0x32: {  	[tilespmem:$0x1E280] =	vst v1  }
0x33: {  	[tilespmem:$0x1E290] =	vst v1  }
0x34: {  	[tilespmem:$0x1E2A0] =	vst v1  }
0x35: {  	[tilespmem:$0x1E2B0] =	vst v1  }
0x36: {  	[tilespmem:$0x1E2C0] =	vst v1  }
0x37: {  	[tilespmem:$0x1E2D0] =	vst v1  }
0x38: {  	[tilespmem:$0x1E2E0] =	vst v1  }
0x39: {  	[tilespmem:$0x1E2F0] =	vst v1  }
0x3a: {  	[tilespmem:$0x1E300] =	vst v1  }
0x3b: {  	[tilespmem:$0x1E310] =	vst v1  }
0x3c: {  	[tilespmem:$0x1E320] =	vst v1  }
0x3d: {  	[tilespmem:$0x1E330] =	vst v1  }
0x3e: {  	[tilespmem:$0x1E340] =	vst v1  }
0x3f: {  	[tilespmem:$0x1E350] =	vst v1  }
0x40: {  	[tilespmem:$0x1E360] =	vst v1  }
0x41: {  	[tilespmem:$0x1E370] =	vst v1  }
0x42: {  	[tilespmem:$0x1E380] =	vst v1  }
0x43: {  	[tilespmem:$0x1E390] =	vst v1  }
0x44: {  	[tilespmem:$0x1E3A0] =	vst v1  }
0x45: {  	[tilespmem:$0x1E3B0] =	vst v1  }
0x46: {  	[tilespmem:$0x1E3C0] =	vst v1  }
0x47: {  	[tilespmem:$0x1E3D0] =	vst v1  }
0x48: {  	[tilespmem:$0x1E3E0] =	vst v1  }
0x49: {  	[tilespmem:$0x1E3F0] =	vst v1  }
0x4a: {  	[tilespmem:$0x1E400] =	vst v1  }
0x4b: {  	v5 =	vld [tilespmem:s13+$0x0];
	_ =	sdelay $0x4  }
0x4c: {  	vm2 =	vne.s32 v5, $0x0  }
0x4d: {  	v5 =	vsel vm2, $0x1, v1  }
0x4e: {  	(xrf0) =	vadd.scan.msk.s32 $0xffff, v5;
	_ =	sdelay $0x3  }
0x4f: {  	v5 =	vmov s8  }
0x50: {  	v5 =	vadd.s32 $0xFFFFFFFF, v5  }
0x51: {  	v5 =	vbroadcast v5, $0x0;
	v6, _, _ =	vpop (xrf0)  }
0x52: {  	(v2sf) =	vpush v6, $0xF  }
0x53: {  	v5 =	vadd.s32 v6, v5;
	_ =	sdelay $0x3  }
0x54: {  	v7 =	vor.u32 s8, v0  }
0x55: {  	s15 =	simm.s32 $0x5090;
	[tilespmem:v5+s8+$0x0] =	vst.idx.msk vm2, v7  }
0x56: {  	s16 =	simm.s32 $0x20;
	s14 =	simm.s32 $0x0;
	s13 =	simm.s32 $0x10;
	v5 =	vld [tilespmem:s15+$0x0]  }
.LBB2_3:
0x57: {  	p0 =	sne.s32 s16, $0x4FF0;
	_ =	sdelay $0x3  }
0x58: {  	vm2 =	vne.s32 v5, $0x0  }
0x59: {  	v5 =	vsel vm2, $0x1, v1  }
0x5a: {  	(xrf0) =	vadd.scan.msk.s32 $0xffff, v5  }
0x5b: {  	s17 =	spop (v2sf)  }
0x5c: {  	s14 =	sadd.s32 s14, s17  }
0x5d: {  	v5 =	vmov s14  }
0x5e: {  	v5 =	vadd.s32 $0xFFFFFFFF, v5  }
0x5f: {  	v5 =	vbroadcast v5, $0x0  }
0x60: {  	v6, _, _ =	vpop (xrf0)  }
0x61: {  	v5 =	vadd.s32 v6, v5;
	(v2sf) =	vpush v6, $0xF;
	_ =	sdelay $0x2  }
.Ltmp3:
0x62: {  	(pc) =	sbr.rel @p0 .LBB2_3-.Ltmp3, $4  }
0x63: {  	v6 =	vor.u32 s13, v0;
	s13 =	smov.u32 s16  }
0x64: {  	[tilespmem:v5+s8+$0x0] =	vst.idx.msk vm2, v6  }
0x65: {  	s15 =	sadd.s32 $0x10, s15  }
0x66: {  	s16 =	sadd.s32 $0x10, s16;
	v5 =	vld [tilespmem:s15+$0x0]  }
0x67: {  	_ =	sdelay $0x3  }
0x68: {  	vm2 =	vne.s32 v5, $0x0  }
0x69: {  	v5 =	vsel vm2, $0x1, v1  }
0x6a: {  	(xrf0) =	vadd.scan.msk.s32 $0xffff, v5;
	_ =	sdelay $0x5  }
0x6b: {  	v5, _, _ =	vpop (xrf0)  }
0x6c: {  	(v2sf) =	vpush v5, $0xF;
	_ =	sdelay $0xd  }
0x6d: {  	s15 =	spop (v2sf)  }
0x6e: {  	s14 =	sadd.s32 s14, s15;
	s28 =	spop (v2sf)  }
0x6f: {  	s16 =	sadd.s32 s14, s28  }
0x70: {  	v6 =	vmov s14;
	s14 =	sadd.s32 $0x3F, s16  }
0x71: {  	s29 =	sand.u32 $0x3F, s14  }
0x72: {  	v6 =	vadd.s32 $0xFFFFFFFF, v6;
	s30 =	sshra.s32 s14, $0x1F;
	p1 =	slt.s32 s14, $0x1;
	p0 =	sne.s32 s29, $0x0  }
0x73: {  	v6 =	vbroadcast v6, $0x0;
	s15 =	sshrl.u32 s30, $0x1A;
	p0 =	por !p1, !p0  }
0x74: {  	s14 =	sadd.s32 s15, s14;
	s15 =	simm.s32 $0x1;
	p0 =	por !p0, !p0  }
0x75: {  	v5 =	vadd.s32 v5, v6;
	s31 =	sshra.s32 s14, $0x6;
	s15 =	simm.s32 @!p0 $0x0  }
0x76: {  	s14 =	ssub.s32 s31, s15  }
0x77: {  	p0 =	slt.s32 s14, $0x1  }
.Ltmp4:
0x78: {  	_ = 	snop;
	(pc) =	sbr.rel @p0 .LBB2_16-.Ltmp4, $4  }
0x79: {  	v6 =	vor.u32 s13, v0  }
0x7a: {  	[tilespmem:v5+s8+$0x0] =	vst.idx.msk vm2, v6  }
0x7b: {  	[tilespmem:s16+$0x0] =	vst v1  }
0x7c: {  	[tilespmem:s16+$0x10] =	vst v1  }
0x7d: {  	v5 =	vld [tilespmem:$0x0];
	_ =	sdelay $0x4  }
0x7e: {  	v6 =	vshrl.u32 v5, $0x3  }
0x7f: {  	v6 =	vmul.u32 $0x28, v6  }
0x80: {  	v7 =	vand.u32 $0x7, v5  }
0x81: {  	v8 =	vld [tilespmem:$0x10];
	v6 =	vor.u32 v7, v6  }
0x82: {  	v10 =	vld [tilespmem:$0x30];
	v9 =	vperm.xlane v6, v2  }
0x83: {  	v7 =	vld [tilespmem:$0x20]  }
0x84: {  	v9 =	vadd.s32 v3, v9  }
0x85: {  	[tilespmem:$0xA080] =	vst v5  }
0x86: {  	[tilespmem:$0xA090] =	vst v8  }
0x87: {  	[tilespmem:$0xA0B0] =	vst v10  }
0x88: {  	s15 =	simm.s32 $0x0;
	s0 =	simm.s32 $0xA180;
	v5 =	vperm.xlane v6, v4;
	[tilespmem:$0xA0A0] =	vst v7  }
0x89: {  	[tilespmem:s0], [sflag:$0x1] =	stream.indirect_vreg.gather [hbm4b:s4+s15], $0x80, v9, vm0, $0xb8;
	[tilespmem:$0x1E480] =	vst v63  }
0x8a: {  	s25 =	simm.s32 $0xA980;
	v5 =	vadd.s32 v3, v5  }
0x8b: {  	[tilespmem:s25], [sflag:$0x1] =	stream.indirect_vreg.gather [hbm4b:s6+s15], $0x80, v9, vm0, $0xb8;
	[tilespmem:$0x1E480] =	vst v63  }
0x8c: {  	s26 =	simm.s32 $0xB180  }
0x8d: {  	[tilespmem:s26], [sflag:$0x1] =	stream.indirect_vreg.gather [hbm4b:s7+s15], $0x80, v9, vm1, $0xb8;
	[tilespmem:$0x1E480] =	vst v63  }
0x8e: {  	s28 =	simm.s32 $0xB580  }
0x8f: {  	[tilespmem:s28], [sflag:$0x1] =	stream.indirect_vreg.gather [hbm4b:s4+s15], $0x80, v5, vm0, $0xb8;
	[tilespmem:$0x1E480] =	vst v63  }
0x90: {  	s29 =	simm.s32 $0xBD80  }
0x91: {  	[tilespmem:s29], [sflag:$0x1] =	stream.indirect_vreg.gather [hbm4b:s6+s15], $0x80, v5, vm0, $0xb8;
	[tilespmem:$0x1E480] =	vst v63  }
0x92: {  	s30 =	simm.s32 $0xC580  }
0x93: {  	[tilespmem:s30], [sflag:$0x1] =	stream.indirect_vreg.gather [hbm4b:s7+s15], $0x80, v5, vm1, $0xb8;
	[tilespmem:$0x1E480] =	vst v63  }
0x94: {  	v5 =	vld [tilespmem:$0xA090];
	_ =	sdelay $0x4  }
0x95: {  	v6 =	vshrl.u32 v5, $0x3  }
0x96: {  	v6 =	vmul.u32 $0x28, v6  }
0x97: {  	v5 =	vand.u32 $0x7, v5  }
0x98: {  	v5 =	vor.u32 v5, v6  }
0x99: {  	v6 =	vperm.xlane v5, v2;
	_ =	sdelay $0x1  }
0x9a: {  	v6 =	vadd.s32 v3, v6;
	_ =	sdelay $0x3  }
0x9b: {  	s31 =	simm.s32 $0xC980;
	v5 =	vperm.xlane v5, v4  }
0x9c: {  	[tilespmem:s31], [sflag:$0x1] =	stream.indirect_vreg.gather [hbm4b:s4+s15], $0x80, v6, vm0, $0xb8;
	[tilespmem:$0x1E480] =	vst v63  }
0x9d: {  	s1 =	simm.s32 $0xD180;
	v5 =	vadd.s32 v3, v5  }
0x9e: {  	[tilespmem:s1], [sflag:$0x1] =	stream.indirect_vreg.gather [hbm4b:s6+s15], $0x80, v6, vm0, $0xb8;
	[tilespmem:$0x1E480] =	vst v63  }
0x9f: {  	s13 =	simm.s32 $0xD980  }
0xa0: {  	[tilespmem:s13], [sflag:$0x1] =	stream.indirect_vreg.gather [hbm4b:s7+s15], $0x80, v6, vm1, $0xb8;
	[tilespmem:$0x1E480] =	vst v63  }
0xa1: {  	s17 =	simm.s32 $0xDD80  }
0xa2: {  	[tilespmem:s17], [sflag:$0x1] =	stream.indirect_vreg.gather [hbm4b:s4+s15], $0x80, v5, vm0, $0xb8;
	[tilespmem:$0x1E480] =	vst v63  }
0xa3: {  	s18 =	simm.s32 $0xE580  }
0xa4: {  	[tilespmem:s18], [sflag:$0x1] =	stream.indirect_vreg.gather [hbm4b:s6+s15], $0x80, v5, vm0, $0xb8;
	[tilespmem:$0x1E480] =	vst v63  }
0xa5: {  	s19 =	simm.s32 $0xED80  }
0xa6: {  	[tilespmem:s19], [sflag:$0x1] =	stream.indirect_vreg.gather [hbm4b:s7+s15], $0x80, v5, vm1, $0xb8;
	[tilespmem:$0x1E480] =	vst v63  }
0xa7: {  	v5 =	vld [tilespmem:$0xA0A0];
	_ =	sdelay $0x4  }
0xa8: {  	v6 =	vshrl.u32 v5, $0x3  }
0xa9: {  	v6 =	vmul.u32 $0x28, v6  }
0xaa: {  	v5 =	vand.u32 $0x7, v5  }
0xab: {  	v5 =	vor.u32 v5, v6  }
0xac: {  	v6 =	vperm.xlane v5, v2;
	_ =	sdelay $0x1  }
0xad: {  	v6 =	vadd.s32 v3, v6;
	_ =	sdelay $0x3  }
0xae: {  	s20 =	simm.s32 $0xF180;
	v5 =	vperm.xlane v5, v4  }
0xaf: {  	[tilespmem:s20], [sflag:$0x1] =	stream.indirect_vreg.gather [hbm4b:s4+s15], $0x80, v6, vm0, $0xb8;
	[tilespmem:$0x1E480] =	vst v63  }
0xb0: {  	s21 =	simm.s32 $0xF980;
	v5 =	vadd.s32 v3, v5  }
0xb1: {  	[tilespmem:s21], [sflag:$0x1] =	stream.indirect_vreg.gather [hbm4b:s6+s15], $0x80, v6, vm0, $0xb8;
	[tilespmem:$0x1E480] =	vst v63  }
0xb2: {  	s22 =	simm.s32 $0x10180  }
0xb3: {  	[tilespmem:s22], [sflag:$0x1] =	stream.indirect_vreg.gather [hbm4b:s7+s15], $0x80, v6, vm1, $0xb8;
	[tilespmem:$0x1E480] =	vst v63  }
0xb4: {  	s23 =	simm.s32 $0x10580  }
0xb5: {  	[tilespmem:s23], [sflag:$0x1] =	stream.indirect_vreg.gather [hbm4b:s4+s15], $0x80, v5, vm0, $0xb8;
	[tilespmem:$0x1E480] =	vst v63  }
0xb6: {  	s24 =	simm.s32 $0x10D80  }
0xb7: {  	[tilespmem:s24], [sflag:$0x1] =	stream.indirect_vreg.gather [hbm4b:s6+s15], $0x80, v5, vm0, $0xb8;
	[tilespmem:$0x1E480] =	vst v63  }
0xb8: {  	s25 =	simm.s32 $0x11580  }
0xb9: {  	[tilespmem:s25], [sflag:$0x1] =	stream.indirect_vreg.gather [hbm4b:s7+s15], $0x80, v5, vm1, $0xb8;
	[tilespmem:$0x1E480] =	vst v63  }
0xba: {  	v5 =	vld [tilespmem:$0xA0B0];
	_ =	sdelay $0x4  }
0xbb: {  	v6 =	vshrl.u32 v5, $0x3  }
0xbc: {  	v6 =	vmul.u32 $0x28, v6  }
0xbd: {  	v5 =	vand.u32 $0x7, v5  }
0xbe: {  	v5 =	vor.u32 v5, v6  }
0xbf: {  	v6 =	vperm.xlane v5, v2;
	_ =	sdelay $0x1  }
0xc0: {  	v6 =	vadd.s32 v3, v6;
	_ =	sdelay $0x3  }
0xc1: {  	s26 =	simm.s32 $0x11980;
	v5 =	vperm.xlane v5, v4  }
0xc2: {  	[tilespmem:s26], [sflag:$0x1] =	stream.indirect_vreg.gather [hbm4b:s4+s15], $0x80, v6, vm0, $0xb8;
	[tilespmem:$0x1E480] =	vst v63  }
0xc3: {  	s28 =	simm.s32 $0x12180;
	v5 =	vadd.s32 v3, v5  }
0xc4: {  	[tilespmem:s28], [sflag:$0x1] =	stream.indirect_vreg.gather [hbm4b:s6+s15], $0x80, v6, vm0, $0xb8;
	[tilespmem:$0x1E480] =	vst v63  }
0xc5: {  	s29 =	simm.s32 $0x12980  }
0xc6: {  	[tilespmem:s29], [sflag:$0x1] =	stream.indirect_vreg.gather [hbm4b:s7+s15], $0x80, v6, vm1, $0xb8;
	[tilespmem:$0x1E480] =	vst v63  }
0xc7: {  	s30 =	simm.s32 $0x12D80  }
0xc8: {  	[tilespmem:s30], [sflag:$0x1] =	stream.indirect_vreg.gather [hbm4b:s4+s15], $0x80, v5, vm0, $0xb8;
	[tilespmem:$0x1E480] =	vst v63  }
.Ltmp5:
0xc9: {  	_ = 	snop;
	(pc) =	sbr.rel .LBB2_7-.Ltmp5, $4  }
0xca: {  	s31 =	simm.s32 $0x13580  }
0xcb: {  	[tilespmem:s31], [sflag:$0x1] =	stream.indirect_vreg.gather [hbm4b:s6+s15], $0x80, v5, vm0, $0xb8;
	[tilespmem:$0x1E480] =	vst v63  }
0xcc: {  	s13 =	smov.u32 s16  }
0xcd: {  	[tilespmem:s10], [sflag:$0x1] =	stream.indirect_vreg.gather [hbm4b:s7+s15], $0x80, v5, vm1, $0xb8;
	[tilespmem:$0x1E480] =	vst v63  }
.LBB2_6:
0xce: {  	p0 =	seq.s32 s15, s14  }
.Ltmp6:
0xcf: {  	_ = 	snop;
	(pc) =	sbr.rel @p0 .LBB2_16-.Ltmp6, $2  }
0xd0: {  	_ =	sdelay $0x2  }
0xd1: {  	s13 =	sadd.s32 $0xFFFFFFC0, s13  }
.LBB2_7:
0xd2: {  	s18 =	smov.u32 s15;
	s15 =	sadd.s32 $0x1, s15  }
0xd3: {  	p0 =	sge.s32 s15, s14  }
.Ltmp7:
0xd4: {  	_ = 	snop;
	(pc) =	sbr.rel @p0 .LBB2_9-.Ltmp7, $2  }
0xd5: {  	_ =	sdelay $0x2  }
0xd6: {  	s17 =	sand.u32 $0x1, s18  }
0xd7: {  	s19 =	sshll.u32 s15, $0x8  }
0xd8: {  	s19 =	sshra.s32 s19, $0x2  }
0xd9: {  	v5 =	vld [tilespmem:s19+$0x0];
	_ =	sdelay $0x2  }
0xda: {  	s20 =	sxor.u32 $0x1, s17  }
0xdb: {  	s21 =	sshll.u32 s20, $0x7  }
0xdc: {  	[tilespmem:s21+$0xA080] =	vst v5  }
0xdd: {  	v6 =	vld [tilespmem:s19+$0x10];
	_ =	sdelay $0x4  }
0xde: {  	[tilespmem:s21+$0xA090] =	vst v6  }
0xdf: {  	v6 =	vld [tilespmem:s19+$0x20]  }
0xe0: {  	v7 =	vshrl.u32 v5, $0x3  }
0xe1: {  	v7 =	vmul.u32 $0x28, v7  }
0xe2: {  	v5 =	vand.u32 $0x7, v5  }
0xe3: {  	v5 =	vor.u32 v5, v7  }
0xe4: {  	[tilespmem:s21+$0xA0A0] =	vst v6;
	v6 =	vperm.xlane v5, v2  }
0xe5: {  	v7 =	vld [tilespmem:s19+$0x30]  }
0xe6: {  	v6 =	vadd.s32 v3, v6  }
0xe7: {  	s29 =	smul.u32 $0x28000, s20;
	_ =	sdelay $0x1  }
0xe8: {  	s19 =	sshrl.u32 s29, $0x2  }
0xe9: {  	s20 =	sadd.s32 $0x1, s20;
	v5 =	vperm.xlane v5, v4;
	s22 =	sadd.s32 $0xA180, s19;
	[tilespmem:s21+$0xA0B0] =	vst v7  }
0xea: {  	[tilespmem:s22], [sflag:s20] =	stream.indirect_vreg.gather [hbm4b:s4+s8], $0x80, v6, vm0, $0xb8;
	[tilespmem:$0x1E480] =	vst v63  }
0xeb: {  	s30 =	sadd.s32 $0xA980, s19;
	v5 =	vadd.s32 v3, v5  }
0xec: {  	[tilespmem:s30], [sflag:s20] =	stream.indirect_vreg.gather [hbm4b:s6+s8], $0x80, v6, vm0, $0xb8;
	[tilespmem:$0x1E480] =	vst v63  }
0xed: {  	s31 =	sadd.s32 $0xB180, s19  }
0xee: {  	[tilespmem:s31], [sflag:s20] =	stream.indirect_vreg.gather [hbm4b:s7+s8], $0x80, v6, vm1, $0xb8;
	[tilespmem:$0x1E480] =	vst v63  }
0xef: {  	s0 =	sadd.s32 $0xB580, s19  }
0xf0: {  	[tilespmem:s0], [sflag:s20] =	stream.indirect_vreg.gather [hbm4b:s4+s8], $0x80, v5, vm0, $0xb8;
	[tilespmem:$0x1E480] =	vst v63  }
0xf1: {  	s1 =	sadd.s32 $0xBD80, s19  }
0xf2: {  	[tilespmem:s1], [sflag:s20] =	stream.indirect_vreg.gather [hbm4b:s6+s8], $0x80, v5, vm0, $0xb8;
	[tilespmem:$0x1E480] =	vst v63  }
0xf3: {  	s23 =	sadd.s32 $0xC580, s19  }
0xf4: {  	[tilespmem:s23], [sflag:s20] =	stream.indirect_vreg.gather [hbm4b:s7+s8], $0x80, v5, vm1, $0xb8;
	[tilespmem:$0x1E480] =	vst v63  }
0xf5: {  	v5 =	vld [tilespmem:s21+$0xA090];
	_ =	sdelay $0x4  }
0xf6: {  	v6 =	vshrl.u32 v5, $0x3  }
0xf7: {  	v6 =	vmul.u32 $0x28, v6  }
0xf8: {  	v5 =	vand.u32 $0x7, v5  }
0xf9: {  	v5 =	vor.u32 v5, v6  }
0xfa: {  	v6 =	vperm.xlane v5, v2;
	_ =	sdelay $0x1  }
0xfb: {  	v6 =	vadd.s32 v3, v6;
	_ =	sdelay $0x3  }
0xfc: {  	s24 =	sadd.s32 $0xC980, s19;
	v5 =	vperm.xlane v5, v4  }
0xfd: {  	[tilespmem:s24], [sflag:s20] =	stream.indirect_vreg.gather [hbm4b:s4+s8], $0x80, v6, vm0, $0xb8;
	[tilespmem:$0x1E480] =	vst v63  }
0xfe: {  	s25 =	sadd.s32 $0xD180, s19;
	v5 =	vadd.s32 v3, v5  }
0xff: {  	[tilespmem:s25], [sflag:s20] =	stream.indirect_vreg.gather [hbm4b:s6+s8], $0x80, v6, vm0, $0xb8;
	[tilespmem:$0x1E480] =	vst v63  }
0x100: {  	s26 =	sadd.s32 $0xD980, s19  }
0x101: {  	[tilespmem:s26], [sflag:s20] =	stream.indirect_vreg.gather [hbm4b:s7+s8], $0x80, v6, vm1, $0xb8;
	[tilespmem:$0x1E480] =	vst v63  }
0x102: {  	s28 =	sadd.s32 $0xDD80, s19  }
0x103: {  	[tilespmem:s28], [sflag:s20] =	stream.indirect_vreg.gather [hbm4b:s4+s8], $0x80, v5, vm0, $0xb8;
	[tilespmem:$0x1E480] =	vst v63  }
0x104: {  	s29 =	sadd.s32 $0xE580, s19  }
0x105: {  	[tilespmem:s29], [sflag:s20] =	stream.indirect_vreg.gather [hbm4b:s6+s8], $0x80, v5, vm0, $0xb8;
	[tilespmem:$0x1E480] =	vst v63  }
0x106: {  	s30 =	sadd.s32 $0xED80, s19  }
0x107: {  	[tilespmem:s30], [sflag:s20] =	stream.indirect_vreg.gather [hbm4b:s7+s8], $0x80, v5, vm1, $0xb8;
	[tilespmem:$0x1E480] =	vst v63  }
0x108: {  	v5 =	vld [tilespmem:s21+$0xA0A0];
	_ =	sdelay $0x4  }
0x109: {  	v6 =	vshrl.u32 v5, $0x3  }
0x10a: {  	v6 =	vmul.u32 $0x28, v6  }
0x10b: {  	v5 =	vand.u32 $0x7, v5  }
0x10c: {  	v5 =	vor.u32 v5, v6  }
0x10d: {  	v6 =	vperm.xlane v5, v2;
	_ =	sdelay $0x1  }
0x10e: {  	v6 =	vadd.s32 v3, v6;
	_ =	sdelay $0x3  }
0x10f: {  	s31 =	sadd.s32 $0xF180, s19;
	v5 =	vperm.xlane v5, v4  }
0x110: {  	[tilespmem:s31], [sflag:s20] =	stream.indirect_vreg.gather [hbm4b:s4+s8], $0x80, v6, vm0, $0xb8;
	[tilespmem:$0x1E480] =	vst v63  }
0x111: {  	s0 =	sadd.s32 $0xF980, s19;
	v5 =	vadd.s32 v3, v5  }
0x112: {  	[tilespmem:s0], [sflag:s20] =	stream.indirect_vreg.gather [hbm4b:s6+s8], $0x80, v6, vm0, $0xb8;
	[tilespmem:$0x1E480] =	vst v63  }
0x113: {  	s1 =	sor.u32 $0x10180, s19  }
0x114: {  	[tilespmem:s1], [sflag:s20] =	stream.indirect_vreg.gather [hbm4b:s7+s8], $0x80, v6, vm1, $0xb8;
	[tilespmem:$0x1E480] =	vst v63  }
0x115: {  	s23 =	sor.u32 $0x10580, s19  }
0x116: {  	[tilespmem:s23], [sflag:s20] =	stream.indirect_vreg.gather [hbm4b:s4+s8], $0x80, v5, vm0, $0xb8;
	[tilespmem:$0x1E480] =	vst v63  }
0x117: {  	s24 =	sor.u32 $0x10D80, s19  }
0x118: {  	[tilespmem:s24], [sflag:s20] =	stream.indirect_vreg.gather [hbm4b:s6+s8], $0x80, v5, vm0, $0xb8;
	[tilespmem:$0x1E480] =	vst v63  }
0x119: {  	s25 =	sor.u32 $0x11580, s19  }
0x11a: {  	[tilespmem:s25], [sflag:s20] =	stream.indirect_vreg.gather [hbm4b:s7+s8], $0x80, v5, vm1, $0xb8;
	[tilespmem:$0x1E480] =	vst v63  }
0x11b: {  	v5 =	vld [tilespmem:s21+$0xA0B0];
	_ =	sdelay $0x4  }
0x11c: {  	v6 =	vshrl.u32 v5, $0x3  }
0x11d: {  	v6 =	vmul.u32 $0x28, v6  }
0x11e: {  	v5 =	vand.u32 $0x7, v5  }
0x11f: {  	v5 =	vor.u32 v5, v6  }
0x120: {  	v6 =	vperm.xlane v5, v2;
	_ =	sdelay $0x1  }
0x121: {  	v6 =	vadd.s32 v3, v6;
	_ =	sdelay $0x3  }
0x122: {  	s26 =	sor.u32 $0x11980, s19;
	v5 =	vperm.xlane v5, v4  }
0x123: {  	[tilespmem:s26], [sflag:s20] =	stream.indirect_vreg.gather [hbm4b:s4+s8], $0x80, v6, vm0, $0xb8;
	[tilespmem:$0x1E480] =	vst v63  }
0x124: {  	s28 =	sadd.s32 $0x12180, s19;
	v5 =	vadd.s32 v3, v5  }
0x125: {  	[tilespmem:s28], [sflag:s20] =	stream.indirect_vreg.gather [hbm4b:s6+s8], $0x80, v6, vm0, $0xb8;
	[tilespmem:$0x1E480] =	vst v63  }
0x126: {  	s29 =	sadd.s32 $0x12980, s19  }
0x127: {  	[tilespmem:s29], [sflag:s20] =	stream.indirect_vreg.gather [hbm4b:s7+s8], $0x80, v6, vm1, $0xb8;
	[tilespmem:$0x1E480] =	vst v63  }
0x128: {  	s30 =	sadd.s32 $0x12D80, s19  }
0x129: {  	[tilespmem:s30], [sflag:s20] =	stream.indirect_vreg.gather [hbm4b:s4+s8], $0x80, v5, vm0, $0xb8;
	[tilespmem:$0x1E480] =	vst v63  }
0x12a: {  	s31 =	sadd.s32 $0x13580, s19  }
0x12b: {  	[tilespmem:s31], [sflag:s20] =	stream.indirect_vreg.gather [hbm4b:s6+s8], $0x80, v5, vm0, $0xb8;
	[tilespmem:$0x1E480] =	vst v63  }
0x12c: {  	s19 =	sadd.s32 $0x13D80, s19  }
0x12d: {  	[tilespmem:s19], [sflag:s20] =	stream.indirect_vreg.gather [hbm4b:s7+s8], $0x80, v5, vm1, $0xb8;
	[tilespmem:$0x1E480] =	vst v63  }
.LBB2_9:
0x12e: {  	s20 =	sshll.u32 s18, $0x6  }
0x12f: {  	s18 =	ssub.s32 s16, s20  }
0x130: {  	p0 =	slt.s32 s18, $0x1  }
.Ltmp8:
0x131: {  	_ = 	snop;
	(pc) =	sbr.rel @p0 .LBB2_6-.Ltmp8, $4  }
0x132: {  	s19 =	sadd.s32 $0x1, s17  }
0x133: {  	_ =	swait.ge [sflag:s19], $0xA000  }
0x134: {  	[sflag:s19] =	ssyncset.done $0x0  }
0x135: {  	[sflag:s19] =	ssyncadd.s32 $0xFFFF6000  }
.Ltmp9:
0x136: {  	(pc) =	sbr.rel .LBB2_11-.Ltmp9, $4  }
0x137: {  	s17 =	smul.u32 $0x28000, s17  }
0x138: {  	p0 =	sgt.s32 s13, $0x1;
	s18 =	smov.u32 s13  }
0x139: {  	s18 =	simm.s32 @!p0 $0x1;
	s19 =	sshrl.u32 s17, $0x2  }
0x13a: {  	v5 =	vmov s20;
	s17 =	smin.u32 s18, $0x40;
	s18 =	sadd.s32 $0xA180, s19;
	s19 =	simm.s32 $0x0  }
.LBB2_14:
0x13b: {  	v6 =	vor.u32 v6, v7  }
0x13c: {  	[tilespmem:s26+$0x0] =	vst v6  }
.LBB2_15:
0x13d: {  	s19 =	sadd.s32 $0x1, s19  }
0x13e: {  	p0 =	seq.s32 s19, s17  }
.Ltmp10:
0x13f: {  	_ = 	snop;
	(pc) =	sbr.rel @p0 .LBB2_6-.Ltmp10, $1  }
0x140: {  	_ =	sdelay $0x3  }
.LBB2_11:
0x141: {  	_ =	sdelay $0x3  }
0x142: {  	v6 =	vld.idx.msk [tilespmem:v5+s19+$0x0 ss:$0x1], $0xffff;
	_ =	sdelay $0x4  }
0x143: {  	(v2sf) =	vpush v6, $0x0;
	_ =	sdelay $0xe  }
0x144: {  	s20 =	spop (v2sf)  }
0x145: {  	s25 =	sshra.s32 s20, $0xC  }
0x146: {  	s21 =	sshll.u32 s25, $0x9  }
0x147: {  	s22 =	sand.u32 $0x7F, s20;
	s24 =	sshra.s32 s21, $0x2  }
0x148: {  	s21 =	sor.u32 s22, s24  }
0x149: {  	v6 =	vld [tilespmem:s21+$0x1E180];
	_ =	sdelay $0x4  }
0x14a: {  	(v2sf) =	vpush v6, $0x0;
	_ =	sdelay $0xd  }
0x14b: {  	s20 =	sshrl.u32 s20, $0x7  }
0x14c: {  	s20 =	sand.u32 $0x1F, s20;
	s31 =	spop (v2sf)  }
0x14d: {  	s20 =	sshrl.u32 s31, s20  }
0x14e: {  	s20 =	sand.u32 $0x1, s20  }
0x14f: {  	p0 =	seq.s32 s20, $0x1  }
0x150: {  	p1 =	sgt.s32 @!p0 s25, $0x4  }
0x151: {  	p0 =	por p0, p1  }
.Ltmp11:
0x152: {  	_ = 	snop;
	(pc) =	sbr.rel @p0 .LBB2_15-.Ltmp11, $1  }
0x153: {  	_ =	sdelay $0x3  }
0x154: {  	s20 =	sshrl.u32 s19, $0x3  }
0x155: {  	s20 =	smul.u32 $0x5000, s20;
	_ =	sdelay $0x1  }
0x156: {  	s21 =	sshra.s32 s20, $0x2;
	s20 =	sshll.u32 s25, $0xA  }
0x157: {  	s22 =	sshll.u32 s19, $0x7;
	s21 =	sadd.s32 s21, s18;
	s26 =	sand.u32 $0xFFFFFC00, s20  }
0x158: {  	s23 =	sshll.u32 s25, $0x7;
	s22 =	sand.u32 $0x380, s22;
	s26 =	sadd.s32 s26, s21  }
0x159: {  	s24 =	sadd.s32 $0x1E180, s24;
	s28 =	sand.u32 $0x40, s23;
	s29 =	sadd.s32 s22, s26  }
0x15a: {  	v6 =	vld [tilespmem:s24+$0x0];
	s26 =	sadd.s32 s28, s29  }
0x15b: {  	v7 =	vld [tilespmem:s26+$0x0];
	_ =	sdelay $0x3  }
0x15c: {  	s31 =	sand.u32 $0xFFFFFF80, s23  }
0x15d: {  	s30 =	sor.u32 $0x10, s28;
	s26 =	sadd.s32 $0x1E180, s31;
	v6 =	vor.u32 v6, v7  }
0x15e: {  	s31 =	sor.u32 s30, s26;
	[tilespmem:s24+$0x0] =	vst v6  }
0x15f: {  	s30 =	sadd.s32 s30, s29;
	v6 =	vld [tilespmem:s31+$0x0]  }
0x160: {  	v7 =	vld [tilespmem:s30+$0x0];
	_ =	sdelay $0x4  }
0x161: {  	s0 =	sor.u32 $0x20, s28;
	v6 =	vor.u32 v6, v7  }
0x162: {  	s1 =	sor.u32 s0, s26;
	[tilespmem:s31+$0x0] =	vst v6  }
0x163: {  	s30 =	sadd.s32 s0, s29;
	v6 =	vld [tilespmem:s1+$0x0]  }
0x164: {  	v7 =	vld [tilespmem:s30+$0x0];
	_ =	sdelay $0x4  }
0x165: {  	s28 =	sor.u32 $0x30, s28;
	s30 =	sshll.u32 s25, $0x1;
	v6 =	vor.u32 v6, v7  }
0x166: {  	s26 =	sor.u32 s28, s26;
	s25 =	ssub.s32 $0xA, s30;
	[tilespmem:s1+$0x0] =	vst v6  }
0x167: {  	s28 =	sadd.s32 s28, s29;
	p0 =	sne.s32 s25, $0x1;
	v6 =	vld [tilespmem:s26+$0x0]  }
.Ltmp12:
0x168: {  	v7 =	vld [tilespmem:s28+$0x0];
	(pc) =	sbr.rel @!p0 .LBB2_14-.Ltmp12, $2  }
0x169: {  	_ =	sdelay $0x2  }
0x16a: {  	s25 =	sadd.s32 $0xFFFFFFFF, s25  }
.LBB2_13:
0x16b: {  	s20 =	sadd.s32 $0x200, s20;
	s23 =	sadd.s32 $0x40, s23;
	s24 =	sadd.s32 $0x40, s24  }
0x16c: {  	p0 =	sne.s32 s25, $0x1;
	s25 =	sadd.s32 $0xFFFFFFFF, s25;
	s28 =	sand.u32 $0xFFFFFC00, s20  }
0x16d: {  	v6 =	vor.u32 v6, v7;
	s28 =	sadd.s32 s28, s21  }
0x16e: {  	s29 =	sand.u32 $0x40, s23;
	s28 =	sadd.s32 s22, s28;
	[tilespmem:s26+$0x0] =	vst v6  }
0x16f: {  	s30 =	sor.u32 $0x20, s29;
	v6 =	vld [tilespmem:s24+$0x0];
	s26 =	sadd.s32 s29, s28  }
0x170: {  	v7 =	vld [tilespmem:s26+$0x0];
	s26 =	sadd.s32 s30, s28;
	_ =	sdelay $0x3  }
0x171: {  	s31 =	sand.u32 $0xFFFFFF80, s23  }
0x172: {  	s1 =	sor.u32 $0x10, s29;
	s31 =	sadd.s32 $0x1E180, s31;
	v6 =	vor.u32 v6, v7  }
0x173: {  	s0 =	sor.u32 s1, s31;
	s1 =	sadd.s32 s1, s28;
	[tilespmem:s24+$0x0] =	vst v6  }
0x174: {  	v6 =	vld [tilespmem:s0+$0x0]  }
0x175: {  	v7 =	vld [tilespmem:s1+$0x0];
	_ =	sdelay $0x4  }
0x176: {  	v6 =	vor.u32 v6, v7  }
0x177: {  	[tilespmem:s0+$0x0] =	vst v6;
	s0 =	sor.u32 s30, s31  }
0x178: {  	v6 =	vld [tilespmem:s0+$0x0]  }
0x179: {  	v7 =	vld [tilespmem:s26+$0x0];
	_ =	sdelay $0x3  }
.Ltmp13:
0x17a: {  	(pc) =	sbr.rel @p0 .LBB2_13-.Ltmp13, $4  }
0x17b: {  	s1 =	sor.u32 $0x30, s29;
	v6 =	vor.u32 v6, v7  }
0x17c: {  	s26 =	sor.u32 s1, s31;
	[tilespmem:s0+$0x0] =	vst v6;
	s0 =	sadd.s32 s1, s28  }
0x17d: {  	v6 =	vld [tilespmem:s26+$0x0]  }
0x17e: {  	v7 =	vld [tilespmem:s0+$0x0]  }
.Ltmp14:
0x17f: {  	_ = 	snop;
	(pc) =	sbr.rel .LBB2_14-.Ltmp14, $1  }
0x180: {  	_ =	sdelay $0x3  }
.Lfunc_end2:
_tile_overlayer_lowered:
.L_overlay_start_2:
0x181: {  	(tag) =	ssettag $0x2  }
0x182: {  	s0 =	rddreg [dreg:$0x0];
	s2 =	stileid.u32  }
0x183: {  	s1 =	rddreg [dreg:$0x1];
	p0 =	sne.s32 s2, $0x0  }
0x184: {  	s3 =	rddreg [dreg:$0x2];
	[bflag:$0x3] =	sbarrier.arrive $0xFFFF;
	s2 =	simm.s32 @!p0 $0x1C03  }
0x185: {  	[timem:s3], [sflag:s2] =	dma.local @!p0 [hbm:s0], s1  }
0x186: {  	s0 =	simm.s32 @!p0 $0x3  }
0x187: {  	_ =	swait.ge @!p0 [sflag:s0], s1  }
0x188: {  	s1 =	ssub.s32 @!p0 $0x0, s1;
	[sflag:s0] =	ssyncset.done @!p0 $0x0  }
0x189: {  	[sflag:s0] =	ssyncadd.s32 @!p0 s1  }
0x18a: {  	[bflag:$0x3] =	sbarrier.arrive $0xFFFF  }
0x18b: {  	_ =	shalt  }

</sc_bundles>
